<compile_context>
chip_gen: v7x
topology: tpu7x:2x2x1
jax: 0.10.2.dev20260603
libtpu: 0.0.44.dev20260713+nightly
codegen_flags: <defaults>
</compile_context>

<pallas_src>
import functools

import jax
import jax.numpy as jnp
import numpy as np
from jax import lax
from jax.experimental import pallas as pl
from jax.experimental.pallas import tpu as pltpu
from jax.experimental.pallas import tpu_sc as plsc

_B = 16384
_NF = 26
_ED = 16
_H1 = 256
_H2 = 128
_EPS = 1e-5
_NUM_TABLE_ROWS = 26 * 100000
_OFFSETS = (np.arange(26, dtype=np.int32) * 100000)

_NC = 2
_NS = 16
_NW = _NC * _NS
_IDXW = (_B * _NF) // _NW
_CH = 128
_NCHUNK = _IDXW // _CH


_SLAB = 8
_SLABIDX = _SLAB * _CH
_NSLAB = _IDXW // _SLABIDX


def _sc_gather_body(xo_hbm, embt_hbm, lint_hbm, eout_hbm, lout_hbm,
                    idx_v, erows_v, lrows_v, sem_g, sem_w):
    c = lax.axis_index("c")
    s = lax.axis_index("s")
    wid = s * _NC + c
    base = wid * _IDXW
    pltpu.sync_copy(xo_hbm.at[pl.ds(base, _IDXW)], idx_v)

    def body(k, carry):
        off0 = k * _SLABIDX
        copies = []
        for j in range(_SLAB):
            idx_sl = idx_v.at[pl.ds(off0 + j * _CH, _CH)]
            copies.append(pltpu.async_copy(
                embt_hbm.at[idx_sl], erows_v.at[pl.ds(j * _CH, _CH)], sem_g))
            copies.append(pltpu.async_copy(
                lint_hbm.at[idx_sl], lrows_v.at[pl.ds(j * _CH, _CH)], sem_g))
        for cp in copies:
            cp.wait()
        we = pltpu.async_copy(erows_v, eout_hbm.at[pl.ds(base + off0, _SLABIDX)], sem_w)
        wl = pltpu.async_copy(lrows_v, lout_hbm.at[pl.ds(base + off0, _SLABIDX)], sem_w)
        we.wait()
        wl.wait()
        return carry

    lax.fori_loop(0, _NSLAB, body, 0)


@functools.lru_cache(maxsize=1)
def _sc_gather():
    return pl.kernel(
        _sc_gather_body,
        mesh=plsc.VectorSubcoreMesh(core_axis_name="c", subcore_axis_name="s",
                                    num_cores=_NC, num_subcores=_NS),
        out_type=[
            jax.ShapeDtypeStruct((_B * _NF, _ED), jnp.float32),
            jax.ShapeDtypeStruct((_B * _NF,), jnp.float32),
        ],
        scratch_types=[
            pltpu.VMEM((_IDXW,), jnp.int32),
            pltpu.VMEM((_SLABIDX, _ED), jnp.float32),
            pltpu.VMEM((_SLABIDX,), jnp.float32),
            pltpu.SemaphoreType.DMA,
            pltpu.SemaphoreType.DMA,
        ],
        compiler_params=pltpu.CompilerParams(use_tc_tiling_on_sc=False),
    )


_NTILE = _NUM_TABLE_ROWS // 128
_TAILW = _NUM_TABLE_ROWS - _NTILE * 128
_NGRP = _NTILE // 8
_NPAIR = _NGRP // 2
_PAIR_BASE = _NPAIR // _NW
_PAIR_EXTRA = _NPAIR - _PAIR_BASE * _NW


def _cvt_body(embt_hbm, tail_hbm, out_hbm, st0, st1, ob0, ob1, si0, si1):
    c_ = lax.axis_index("c")
    s_ = lax.axis_index("s")
    wid = s_ * _NC + c_
    npair = _PAIR_BASE + (wid < _PAIR_EXTRA).astype(jnp.int32)
    pstart = wid * _PAIR_BASE + lax.min(wid, _PAIR_EXTRA)
    iota = lax.broadcasted_iota(jnp.int32, (16,), 0)

    def fire(g, st, si):
        return [pltpu.async_copy(
            embt_hbm.at[:, pl.ds((g * 8 + j) * 128, 128)], st.at[j], si)
            for j in range(8)]

    i16 = iota * 16

    def permute(st, ob):
        @plsc.parallel_loop(0, 1024, unroll=16)
        def _kloop(k):
            row = k >> 3
            cc = k & 7
            j = row >> 4
            e = row & 15
            v = st[j, e, pl.ds(cc * 16, 16)]
            addr = i16 + (j * 2048 + cc * 256 + e)
            plsc.store_scatter(ob, [addr], v)

    def pbody(k, carry):
        g0 = (pstart + k) * 2
        g1 = g0 + 1
        cp0 = fire(g0, st0, si0)
        cp1 = fire(g1, st1, si1)
        for cp in cp0:
            cp.wait()
        permute(st0, ob0)
        w0 = pltpu.async_copy(ob0, out_hbm.at[pl.ds(g0 * 16384, 16384)], si0)
        for cp in cp1:
            cp.wait()
        permute(st1, ob1)
        w1 = pltpu.async_copy(ob1, out_hbm.at[pl.ds(g1 * 16384, 16384)], si1)
        w0.wait()
        w1.wait()
        return carry

    lax.fori_loop(0, npair, pbody, 0)

    @pl.when(wid == _NW - 1)
    def _leftovers():
        gl = _NGRP - 1
        for cp in fire(gl, st0, si0):
            cp.wait()
        permute(st0, ob0)
        pltpu.sync_copy(ob0, out_hbm.at[pl.ds(gl * 16384, 16384)])
        pltpu.sync_copy(tail_hbm, ob1.at[pl.ds(0, _TAILW * _ED)])
        pltpu.sync_copy(ob1.at[pl.ds(0, _TAILW * _ED)],
                        out_hbm.at[pl.ds(_NTILE * 2048, _TAILW * _ED)])


@functools.lru_cache(maxsize=1)
def _cvt_call():
    return pl.kernel(
        _cvt_body,
        mesh=plsc.VectorSubcoreMesh(core_axis_name="c", subcore_axis_name="s",
                                    num_cores=_NC, num_subcores=_NS),
        out_type=jax.ShapeDtypeStruct((_NUM_TABLE_ROWS * _ED,), jnp.float32),
        scratch_types=[
            pltpu.VMEM((8, _ED, 128), jnp.float32),
            pltpu.VMEM((8, _ED, 128), jnp.float32),
            pltpu.VMEM((16384,), jnp.float32),
            pltpu.VMEM((16384,), jnp.float32),
            pltpu.SemaphoreType.DMA,
            pltpu.SemaphoreType.DMA,
        ],
        compiler_params=pltpu.CompilerParams(use_tc_tiling_on_sc=True,
                                             needs_layout_passes=False),
    )


_BT = 1024


def _mlp_body(emb_ref, lin_ref, w1_ref, b1_ref, g1_ref, be1_ref,
              w2_ref, b2_ref, g2_ref, be2_ref, w3t_ref, bias_ref, out_ref):
    r = float(1.0 / np.sqrt(1.0 + _EPS))
    s1 = g1_ref[...] * r
    s2 = g2_ref[...] * r
    h = jnp.dot(emb_ref[...], w1_ref[...], preferred_element_type=jnp.float32)
    h = h * s1 + (b1_ref[...] * s1 + be1_ref[...])
    h = jnp.maximum(h, 0.0)
    h = jnp.dot(h, w2_ref[...], preferred_element_type=jnp.float32)
    h = h * s2 + (b2_ref[...] * s2 + be2_ref[...])
    h = jnp.maximum(h, 0.0)
    deep = jnp.sum(h * w3t_ref[...], axis=1, keepdims=True)
    linsum = jnp.sum(lin_ref[...], axis=1, keepdims=True)
    out_ref[...] = deep + linsum + bias_ref[0, 0]


def _mlp_call(emb, lin, w1, b1, g1, be1, w2, b2, g2, be2, w3t, bias):
    full = lambda shape: pl.BlockSpec(shape, lambda i: (0, 0))
    return pl.pallas_call(
        _mlp_body,
        grid=(_B // _BT,),
        in_specs=[
            pl.BlockSpec((_BT, _NF * _ED), lambda i: (i, 0)),
            pl.BlockSpec((_BT, _NF), lambda i: (i, 0)),
            full((_NF * _ED, _H1)),
            full((1, _H1)),
            full((1, _H1)),
            full((1, _H1)),
            full((_H1, _H2)),
            full((1, _H2)),
            full((1, _H2)),
            full((1, _H2)),
            full((1, _H2)),
            full((1, 1)),
        ],
        out_specs=pl.BlockSpec((_BT, 1), lambda i: (i, 0)),
        out_shape=jax.ShapeDtypeStruct((_B, 1), jnp.float32),
    )(emb, lin, w1, b1, g1, be1, w2, b2, g2, be2, w3t, bias)


def kernel(x, emb_table, lin_table, lin_bias, W1, b1, g1, be1,
           W2, b2, g2, be2, W3, b3):
    xo = (x.astype(jnp.int32) + _OFFSETS[None, :]).reshape(-1)
    tail = emb_table[_NTILE * 128:].reshape(-1)
    table_rm = _cvt_call()(emb_table.T, tail).reshape(_NUM_TABLE_ROWS, _ED)
    erows, lrows = _sc_gather()(xo, table_rm, lin_table.reshape(-1))
    emb = erows.reshape(_B, _NF * _ED)
    lin = lrows.reshape(_B, _NF)
    bias = (lin_bias[0] + b3[0]).reshape(1, 1)
    out = _mlp_call(
        emb, lin, W1,
        b1.reshape(1, _H1), g1.reshape(1, _H1), be1.reshape(1, _H1),
        W2, b2.reshape(1, _H2), g2.reshape(1, _H2), be2.reshape(1, _H2),
        W3.reshape(1, _H2), bias)
    return out

# --- scband reference (transcript-rebuilt; emitter-appended) ---
"""Pipeline reference for scband-wide-and-deep-model-9904194585378 (READ-ONLY COPY).

The authoritative reference and input builder live on the scoring server;
editing this copy changes nothing except your own understanding.
"""

import jax, jax.numpy as jnp
import numpy as np

FIELD_DIMS = [100000] * 26
OFFSETS = np.concatenate(([0], np.cumsum(FIELD_DIMS)[:-1])).astype(np.int64)
TOTAL = int(np.sum(FIELD_DIMS))
B = 16384
NF = 26
ED = 16
H1 = 256
H2 = 128
EPS = 1e-5
EMBED_OUT = NF * ED


def setup_inputs(seed: int = 0) -> dict:
    key = jax.random.key(seed)
    ks = jax.random.split(key, 16)
    x = jax.random.randint(ks[0], (B, NF), 0, 100000)
    emb_table = jax.random.normal(ks[1], (TOTAL, ED), dtype=jnp.float32) * 0.01
    lin_table = jax.random.normal(ks[2], (TOTAL, 1), dtype=jnp.float32) * 0.01
    lin_bias = jnp.zeros((1,), dtype=jnp.float32)
    W1 = jax.random.normal(ks[3], (EMBED_OUT, H1), dtype=jnp.float32) * (1.0 / np.sqrt(EMBED_OUT))
    b1 = jnp.zeros((H1,), dtype=jnp.float32)
    g1 = jnp.ones((H1,), dtype=jnp.float32)
    be1 = jnp.zeros((H1,), dtype=jnp.float32)
    W2 = jax.random.normal(ks[4], (H1, H2), dtype=jnp.float32) * (1.0 / np.sqrt(H1))
    b2 = jnp.zeros((H2,), dtype=jnp.float32)
    g2 = jnp.ones((H2,), dtype=jnp.float32)
    be2 = jnp.zeros((H2,), dtype=jnp.float32)
    W3 = jax.random.normal(ks[5], (H2, 1), dtype=jnp.float32) * (1.0 / np.sqrt(H2))
    b3 = jnp.zeros((1,), dtype=jnp.float32)
    return {"x": x, "emb_table": emb_table, "lin_table": lin_table, "lin_bias": lin_bias,
            "W1": W1, "b1": b1, "g1": g1, "be1": be1,
            "W2": W2, "b2": b2, "g2": g2, "be2": be2,
            "W3": W3, "b3": b3}


def reference(x, emb_table, lin_table, lin_bias, W1, b1, g1, be1, W2, b2, g2, be2, W3, b3):
    offsets = jnp.asarray(OFFSETS, dtype=x.dtype)
    xo = x + offsets[None, :]
    # FeaturesLinear: per-field scalar weights gathered and summed + bias -> [B, 1]
    lin = jnp.sum(jnp.take(lin_table, xo, axis=0), axis=1) + lin_bias
    # FeaturesEmbedding: gather [B, NF, ED] then flatten
    embed_x = jnp.take(emb_table, xo, axis=0).reshape(x.shape[0], -1)
    # MLP: Linear -> BatchNorm (eval: running mean 0, var 1) -> ReLU -> (dropout = identity in eval)
    h = embed_x @ W1 + b1
    h = (h / jnp.sqrt(1.0 + EPS)) * g1 + be1
    h = jax.nn.relu(h)
    h = h @ W2 + b2
    h = (h / jnp.sqrt(1.0 + EPS)) * g2 + be2
    h = jax.nn.relu(h)
    deep = h @ W3 + b3
    return lin + deep

if __name__ == "__main__":
    import jax
    _d = setup_inputs()
    print(jax.jit(kernel)(*tuple(_d.values())))

</pallas_src>

<mosaic_0001>
#map = affine_map<(d0, d1) -> (0)>
#map1 = affine_map<(d0, d1) -> (0, 0)>
module attributes {stable_mosaic.version = 14 : i64} {
  func.func @_sc_gather_body(%arg0: i32, %arg1: i32, %arg2: memref<425984xi32, #tpu.memory_space<hbm>>, %arg3: memref<2600000x16xf32, #tpu.memory_space<hbm>>, %arg4: memref<2600000xf32, #tpu.memory_space<hbm>>, %arg5: memref<425984x16xf32, #tpu.memory_space<hbm>>, %arg6: memref<425984xf32, #tpu.memory_space<hbm>>, %arg7: memref<13312xi32, #tpu.memory_space<vmem>>, %arg8: memref<1024x16xf32, #tpu.memory_space<vmem>>, %arg9: memref<1024xf32, #tpu.memory_space<vmem>>, %arg10: memref<!tpu.dma_semaphore, #tpu.memory_space<semaphore_mem>>, %arg11: memref<!tpu.dma_semaphore, #tpu.memory_space<semaphore_mem>>) attributes {dimension_semantics = [#tpu.dimension_semantics<core_parallel>, #tpu.dimension_semantics<subcore_parallel>], iteration_bounds = array<i64: 2, 16>, scalar_prefetch = 0 : i64, scratch_operands = 5 : i64, tpu.core_type = #tpu.core_type<sc_vector_subcore>, window_params = [{transform_indices = #map}, {transform_indices = #map1}, {transform_indices = #map}, {transform_indices = #map1}, {transform_indices = #map}]} {
    %mul3A = arith.constant 2 : i32
    %mul3A_0 = arith.muli %arg1, %mul3A : i32
    %add3A = arith.addi %mul3A_0, %arg0 : i32
    %mul3A_1 = arith.constant 13312 : i32
    %mul3A_2 = arith.muli %add3A, %mul3A_1 : i32
    "tpu.region"() ({
      %run_scoped3A = tpu.sem_alloc : memref<!tpu.dma_semaphore, #tpu.memory_space<semaphore_mem>>
      %dma_start3A = tpu.memref_slice %arg2[%mul3A_2] : memref<425984xi32, #tpu.memory_space<hbm>> -> memref<13312xi32, #tpu.memory_space<hbm>>
      %dma_start3A_8 = tpu.memref_slice %arg2[%mul3A_2] : memref<425984xi32, #tpu.memory_space<hbm>> -> memref<13312xi32, #tpu.memory_space<hbm>>
      tpu.enqueue_dma source(%dma_start3A_8 : memref<13312xi32, #tpu.memory_space<hbm>>) target(%arg7 : memref<13312xi32, #tpu.memory_space<vmem>>) target_semaphore(%run_scoped3A : memref<!tpu.dma_semaphore, #tpu.memory_space<semaphore_mem>>)
      %dma_wait3A = tpu.memref_slice %arg2[%mul3A_2] : memref<425984xi32, #tpu.memory_space<hbm>> -> memref<13312xi32, #tpu.memory_space<hbm>>
      %dma_wait3A_9 = tpu.memref_slice %arg2[%mul3A_2] : memref<425984xi32, #tpu.memory_space<hbm>> -> memref<13312xi32, #tpu.memory_space<hbm>>
      tpu.wait_dma2 semaphore(%run_scoped3A : memref<!tpu.dma_semaphore, #tpu.memory_space<semaphore_mem>>) src(%dma_wait3A_9 : memref<13312xi32, #tpu.memory_space<hbm>>) dst(%arg7 : memref<13312xi32, #tpu.memory_space<vmem>>)
      tpu.yield
    }) : () -> ()
    %scan3A = arith.constant 0 : i32
    %scan3A_3 = arith.constant 0 : i32
    %scan3A_4 = arith.constant 13 : i32
    %scan3A_5 = arith.addi %scan3A_3, %scan3A_4 : i32
    %scan3A_6 = arith.constant 1 : i32
    scf.for %scan3A_8 = %scan3A_3 to %scan3A_5 step %scan3A_6  : i32 {
      %mul3A_9 = arith.constant 1024 : i32
      %mul3A_10 = arith.muli %scan3A_8, %mul3A_9 : i32
      %add3A_11 = arith.constant 0 : i32
      %add3A_12 = arith.addi %mul3A_10, %add3A_11 : i32
      %dma_start3A = arith.constant 0 : i32
      %dma_start3A_13 = arith.constant 0 : i32
      %dma_start3A_14 = tpu.memref_slice %arg8[%dma_start3A, %dma_start3A_13] : memref<1024x16xf32, #tpu.memory_space<vmem>> -> memref<128x16xf32, #tpu.memory_space<vmem>>
      %dma_start3A_15 = tpu.memref_slice %arg7[%add3A_12] : memref<13312xi32, #tpu.memory_space<vmem>> -> memref<128xi32, #tpu.memory_space<vmem>>
      %dma_start3A_16 = arith.constant 0 : i32
      %dma_start3A_17 = arith.constant 0 : i32
      %dma_start3A_18 = tpu.memref_slice %arg3[%dma_start3A_16, %dma_start3A_17] : memref<2600000x16xf32, #tpu.memory_space<hbm>> -> memref<2600000x16xf32, #tpu.memory_space<hbm>>
      tpu.enqueue_indirect_dma source(%dma_start3A_18 : memref<2600000x16xf32, #tpu.memory_space<hbm>>) target(%dma_start3A_14 : memref<128x16xf32, #tpu.memory_space<vmem>>) offsets(%dma_start3A_15 : memref<128xi32, #tpu.memory_space<vmem>>) semaphore(%arg10 : memref<!tpu.dma_semaphore, #tpu.memory_space<semaphore_mem>>)
      %dma_start3A_19 = arith.constant 0 : i32
      %dma_start3A_20 = tpu.memref_slice %arg9[%dma_start3A_19] : memref<1024xf32, #tpu.memory_space<vmem>> -> memref<128xf32, #tpu.memory_space<vmem>>
      %dma_start3A_21 = tpu.memref_slice %arg7[%add3A_12] : memref<13312xi32, #tpu.memory_space<vmem>> -> memref<128xi32, #tpu.memory_space<vmem>>
      %dma_start3A_22 = arith.constant 0 : i32
      %dma_start3A_23 = tpu.memref_slice %arg4[%dma_start3A_22] : memref<2600000xf32, #tpu.memory_space<hbm>> -> memref<2600000xf32, #tpu.memory_space<hbm>>
      tpu.enqueue_indirect_dma source(%dma_start3A_23 : memref<2600000xf32, #tpu.memory_space<hbm>>) target(%dma_start3A_20 : memref<128xf32, #tpu.memory_space<vmem>>) offsets(%dma_start3A_21 : memref<128xi32, #tpu.memory_space<vmem>>) semaphore(%arg10 : memref<!tpu.dma_semaphore, #tpu.memory_space<semaphore_mem>>)
      %add3A_24 = arith.constant 128 : i32
      %add3A_25 = arith.addi %mul3A_10, %add3A_24 : i32
      %dma_start3A_26 = arith.constant 128 : i32
      %dma_start3A_27 = arith.constant 0 : i32
      %dma_start3A_28 = tpu.memref_slice %arg8[%dma_start3A_26, %dma_start3A_27] : memref<1024x16xf32, #tpu.memory_space<vmem>> -> memref<128x16xf32, #tpu.memory_space<vmem>>
      %dma_start3A_29 = tpu.memref_slice %arg7[%add3A_25] : memref<13312xi32, #tpu.memory_space<vmem>> -> memref<128xi32, #tpu.memory_space<vmem>>
      %dma_start3A_30 = arith.constant 0 : i32
      %dma_start3A_31 = arith.constant 0 : i32
      %dma_start3A_32 = tpu.memref_slice %arg3[%dma_start3A_30, %dma_start3A_31] : memref<2600000x16xf32, #tpu.memory_space<hbm>> -> memref<2600000x16xf32, #tpu.memory_space<hbm>>
      tpu.enqueue_indirect_dma source(%dma_start3A_32 : memref<2600000x16xf32, #tpu.memory_space<hbm>>) target(%dma_start3A_28 : memref<128x16xf32, #tpu.memory_space<vmem>>) offsets(%dma_start3A_29 : memref<128xi32, #tpu.memory_space<vmem>>) semaphore(%arg10 : memref<!tpu.dma_semaphore, #tpu.memory_space<semaphore_mem>>)
      %dma_start3A_33 = arith.constant 128 : i32
      %dma_start3A_34 = tpu.memref_slice %arg9[%dma_start3A_33] : memref<1024xf32, #tpu.memory_space<vmem>> -> memref<128xf32, #tpu.memory_space<vmem>>
      %dma_start3A_35 = tpu.memref_slice %arg7[%add3A_25] : memref<13312xi32, #tpu.memory_space<vmem>> -> memref<128xi32, #tpu.memory_space<vmem>>
      %dma_start3A_36 = arith.constant 0 : i32
      %dma_start3A_37 = tpu.memref_slice %arg4[%dma_start3A_36] : memref<2600000xf32, #tpu.memory_space<hbm>> -> memref<2600000xf32, #tpu.memory_space<hbm>>
      tpu.enqueue_indirect_dma source(%dma_start3A_37 : memref<2600000xf32, #tpu.memory_space<hbm>>) target(%dma_start3A_34 : memref<128xf32, #tpu.memory_space<vmem>>) offsets(%dma_start3A_35 : memref<128xi32, #tpu.memory_space<vmem>>) semaphore(%arg10 : memref<!tpu.dma_semaphore, #tpu.memory_space<semaphore_mem>>)
      %add3A_38 = arith.constant 256 : i32
      %add3A_39 = arith.addi %mul3A_10, %add3A_38 : i32
      %dma_start3A_40 = arith.constant 256 : i32
      %dma_start3A_41 = arith.constant 0 : i32
      %dma_start3A_42 = tpu.memref_slice %arg8[%dma_start3A_40, %dma_start3A_41] : memref<1024x16xf32, #tpu.memory_space<vmem>> -> memref<128x16xf32, #tpu.memory_space<vmem>>
      %dma_start3A_43 = tpu.memref_slice %arg7[%add3A_39] : memref<13312xi32, #tpu.memory_space<vmem>> -> memref<128xi32, #tpu.memory_space<vmem>>
      %dma_start3A_44 = arith.constant 0 : i32
      %dma_start3A_45 = arith.constant 0 : i32
      %dma_start3A_46 = tpu.memref_slice %arg3[%dma_start3A_44, %dma_start3A_45] : memref<2600000x16xf32, #tpu.memory_space<hbm>> -> memref<2600000x16xf32, #tpu.memory_space<hbm>>
      tpu.enqueue_indirect_dma source(%dma_start3A_46 : memref<2600000x16xf32, #tpu.memory_space<hbm>>) target(%dma_start3A_42 : memref<128x16xf32, #tpu.memory_space<vmem>>) offsets(%dma_start3A_43 : memref<128xi32, #tpu.memory_space<vmem>>) semaphore(%arg10 : memref<!tpu.dma_semaphore, #tpu.memory_space<semaphore_mem>>)
      %dma_start3A_47 = arith.constant 256 : i32
      %dma_start3A_48 = tpu.memref_slice %arg9[%dma_start3A_47] : memref<1024xf32, #tpu.memory_space<vmem>> -> memref<128xf32, #tpu.memory_space<vmem>>
      %dma_start3A_49 = tpu.memref_slice %arg7[%add3A_39] : memref<13312xi32, #tpu.memory_space<vmem>> -> memref<128xi32, #tpu.memory_space<vmem>>
      %dma_start3A_50 = arith.constant 0 : i32
      %dma_start3A_51 = tpu.memref_slice %arg4[%dma_start3A_50] : memref<2600000xf32, #tpu.memory_space<hbm>> -> memref<2600000xf32, #tpu.memory_space<hbm>>
      tpu.enqueue_indirect_dma source(%dma_start3A_51 : memref<2600000xf32, #tpu.memory_space<hbm>>) target(%dma_start3A_48 : memref<128xf32, #tpu.memory_space<vmem>>) offsets(%dma_start3A_49 : memref<128xi32, #tpu.memory_space<vmem>>) semaphore(%arg10 : memref<!tpu.dma_semaphore, #tpu.memory_space<semaphore_mem>>)
      %add3A_52 = arith.constant 384 : i32
      %add3A_53 = arith.addi %mul3A_10, %add3A_52 : i32
      %dma_start3A_54 = arith.constant 384 : i32
      %dma_start3A_55 = arith.constant 0 : i32
      %dma_start3A_56 = tpu.memref_slice %arg8[%dma_start3A_54, %dma_start3A_55] : memref<1024x16xf32, #tpu.memory_space<vmem>> -> memref<128x16xf32, #tpu.memory_space<vmem>>
      %dma_start3A_57 = tpu.memref_slice %arg7[%add3A_53] : memref<13312xi32, #tpu.memory_space<vmem>> -> memref<128xi32, #tpu.memory_space<vmem>>
      %dma_start3A_58 = arith.constant 0 : i32
      %dma_start3A_59 = arith.constant 0 : i32
      %dma_start3A_60 = tpu.memref_slice %arg3[%dma_start3A_58, %dma_start3A_59] : memref<2600000x16xf32, #tpu.memory_space<hbm>> -> memref<2600000x16xf32, #tpu.memory_space<hbm>>
      tpu.enqueue_indirect_dma source(%dma_start3A_60 : memref<2600000x16xf32, #tpu.memory_space<hbm>>) target(%dma_start3A_56 : memref<128x16xf32, #tpu.memory_space<vmem>>) offsets(%dma_start3A_57 : memref<128xi32, #tpu.memory_space<vmem>>) semaphore(%arg10 : memref<!tpu.dma_semaphore, #tpu.memory_space<semaphore_mem>>)
      %dma_start3A_61 = arith.constant 384 : i32
      %dma_start3A_62 = tpu.memref_slice %arg9[%dma_start3A_61] : memref<1024xf32, #tpu.memory_space<vmem>> -> memref<128xf32, #tpu.memory_space<vmem>>
      %dma_start3A_63 = tpu.memref_slice %arg7[%add3A_53] : memref<13312xi32, #tpu.memory_space<vmem>> -> memref<128xi32, #tpu.memory_space<vmem>>
      %dma_start3A_64 = arith.constant 0 : i32
      %dma_start3A_65 = tpu.memref_slice %arg4[%dma_start3A_64] : memref<2600000xf32, #tpu.memory_space<hbm>> -> memref<2600000xf32, #tpu.memory_space<hbm>>
      tpu.enqueue_indirect_dma source(%dma_start3A_65 : memref<2600000xf32, #tpu.memory_space<hbm>>) target(%dma_start3A_62 : memref<128xf32, #tpu.memory_space<vmem>>) offsets(%dma_start3A_63 : memref<128xi32, #tpu.memory_space<vmem>>) semaphore(%arg10 : memref<!tpu.dma_semaphore, #tpu.memory_space<semaphore_mem>>)
      %add3A_66 = arith.constant 512 : i32
      %add3A_67 = arith.addi %mul3A_10, %add3A_66 : i32
      %dma_start3A_68 = arith.constant 512 : i32
      %dma_start3A_69 = arith.constant 0 : i32
      %dma_start3A_70 = tpu.memref_slice %arg8[%dma_start3A_68, %dma_start3A_69] : memref<1024x16xf32, #tpu.memory_space<vmem>> -> memref<128x16xf32, #tpu.memory_space<vmem>>
      %dma_start3A_71 = tpu.memref_slice %arg7[%add3A_67] : memref<13312xi32, #tpu.memory_space<vmem>> -> memref<128xi32, #tpu.memory_space<vmem>>
      %dma_start3A_72 = arith.constant 0 : i32
      %dma_start3A_73 = arith.constant 0 : i32
      %dma_start3A_74 = tpu.memref_slice %arg3[%dma_start3A_72, %dma_start3A_73] : memref<2600000x16xf32, #tpu.memory_space<hbm>> -> memref<2600000x16xf32, #tpu.memory_space<hbm>>
      tpu.enqueue_indirect_dma source(%dma_start3A_74 : memref<2600000x16xf32, #tpu.memory_space<hbm>>) target(%dma_start3A_70 : memref<128x16xf32, #tpu.memory_space<vmem>>) offsets(%dma_start3A_71 : memref<128xi32, #tpu.memory_space<vmem>>) semaphore(%arg10 : memref<!tpu.dma_semaphore, #tpu.memory_space<semaphore_mem>>)
      %dma_start3A_75 = arith.constant 512 : i32
      %dma_start3A_76 = tpu.memref_slice %arg9[%dma_start3A_75] : memref<1024xf32, #tpu.memory_space<vmem>> -> memref<128xf32, #tpu.memory_space<vmem>>
      %dma_start3A_77 = tpu.memref_slice %arg7[%add3A_67] : memref<13312xi32, #tpu.memory_space<vmem>> -> memref<128xi32, #tpu.memory_space<vmem>>
      %dma_start3A_78 = arith.constant 0 : i32
      %dma_start3A_79 = tpu.memref_slice %arg4[%dma_start3A_78] : memref<2600000xf32, #tpu.memory_space<hbm>> -> memref<2600000xf32, #tpu.memory_space<hbm>>
      tpu.enqueue_indirect_dma source(%dma_start3A_79 : memref<2600000xf32, #tpu.memory_space<hbm>>) target(%dma_start3A_76 : memref<128xf32, #tpu.memory_space<vmem>>) offsets(%dma_start3A_77 : memref<128xi32, #tpu.memory_space<vmem>>) semaphore(%arg10 : memref<!tpu.dma_semaphore, #tpu.memory_space<semaphore_mem>>)
      %add3A_80 = arith.constant 640 : i32
      %add3A_81 = arith.addi %mul3A_10, %add3A_80 : i32
      %dma_start3A_82 = arith.constant 640 : i32
      %dma_start3A_83 = arith.constant 0 : i32
      %dma_start3A_84 = tpu.memref_slice %arg8[%dma_start3A_82, %dma_start3A_83] : memref<1024x16xf32, #tpu.memory_space<vmem>> -> memref<128x16xf32, #tpu.memory_space<vmem>>
      %dma_start3A_85 = tpu.memref_slice %arg7[%add3A_81] : memref<13312xi32, #tpu.memory_space<vmem>> -> memref<128xi32, #tpu.memory_space<vmem>>
      %dma_start3A_86 = arith.constant 0 : i32
      %dma_start3A_87 = arith.constant 0 : i32
      %dma_start3A_88 = tpu.memref_slice %arg3[%dma_start3A_86, %dma_start3A_87] : memref<2600000x16xf32, #tpu.memory_space<hbm>> -> memref<2600000x16xf32, #tpu.memory_space<hbm>>
      tpu.enqueue_indirect_dma source(%dma_start3A_88 : memref<2600000x16xf32, #tpu.memory_space<hbm>>) target(%dma_start3A_84 : memref<128x16xf32, #tpu.memory_space<vmem>>) offsets(%dma_start3A_85 : memref<128xi32, #tpu.memory_space<vmem>>) semaphore(%arg10 : memref<!tpu.dma_semaphore, #tpu.memory_space<semaphore_mem>>)
      %dma_start3A_89 = arith.constant 640 : i32
      %dma_start3A_90 = tpu.memref_slice %arg9[%dma_start3A_89] : memref<1024xf32, #tpu.memory_space<vmem>> -> memref<128xf32, #tpu.memory_space<vmem>>
      %dma_start3A_91 = tpu.memref_slice %arg7[%add3A_81] : memref<13312xi32, #tpu.memory_space<vmem>> -> memref<128xi32, #tpu.memory_space<vmem>>
      %dma_start3A_92 = arith.constant 0 : i32
      %dma_start3A_93 = tpu.memref_slice %arg4[%dma_start3A_92] : memref<2600000xf32, #tpu.memory_space<hbm>> -> memref<2600000xf32, #tpu.memory_space<hbm>>
      tpu.enqueue_indirect_dma source(%dma_start3A_93 : memref<2600000xf32, #tpu.memory_space<hbm>>) target(%dma_start3A_90 : memref<128xf32, #tpu.memory_space<vmem>>) offsets(%dma_start3A_91 : memref<128xi32, #tpu.memory_space<vmem>>) semaphore(%arg10 : memref<!tpu.dma_semaphore, #tpu.memory_space<semaphore_mem>>)
      %add3A_94 = arith.constant 768 : i32
      %add3A_95 = arith.addi %mul3A_10, %add3A_94 : i32
      %dma_start3A_96 = arith.constant 768 : i32
      %dma_start3A_97 = arith.constant 0 : i32
      %dma_start3A_98 = tpu.memref_slice %arg8[%dma_start3A_96, %dma_start3A_97] : memref<1024x16xf32, #tpu.memory_space<vmem>> -> memref<128x16xf32, #tpu.memory_space<vmem>>
      %dma_start3A_99 = tpu.memref_slice %arg7[%add3A_95] : memref<13312xi32, #tpu.memory_space<vmem>> -> memref<128xi32, #tpu.memory_space<vmem>>
      %dma_start3A_100 = arith.constant 0 : i32
      %dma_start3A_101 = arith.constant 0 : i32
      %dma_start3A_102 = tpu.memref_slice %arg3[%dma_start3A_100, %dma_start3A_101] : memref<2600000x16xf32, #tpu.memory_space<hbm>> -> memref<2600000x16xf32, #tpu.memory_space<hbm>>
      tpu.enqueue_indirect_dma source(%dma_start3A_102 : memref<2600000x16xf32, #tpu.memory_space<hbm>>) target(%dma_start3A_98 : memref<128x16xf32, #tpu.memory_space<vmem>>) offsets(%dma_start3A_99 : memref<128xi32, #tpu.memory_space<vmem>>) semaphore(%arg10 : memref<!tpu.dma_semaphore, #tpu.memory_space<semaphore_mem>>)
      %dma_start3A_103 = arith.constant 768 : i32
      %dma_start3A_104 = tpu.memref_slice %arg9[%dma_start3A_103] : memref<1024xf32, #tpu.memory_space<vmem>> -> memref<128xf32, #tpu.memory_space<vmem>>
      %dma_start3A_105 = tpu.memref_slice %arg7[%add3A_95] : memref<13312xi32, #tpu.memory_space<vmem>> -> memref<128xi32, #tpu.memory_space<vmem>>
      %dma_start3A_106 = arith.constant 0 : i32
      %dma_start3A_107 = tpu.memref_slice %arg4[%dma_start3A_106] : memref<2600000xf32, #tpu.memory_space<hbm>> -> memref<2600000xf32, #tpu.memory_space<hbm>>
      tpu.enqueue_indirect_dma source(%dma_start3A_107 : memref<2600000xf32, #tpu.memory_space<hbm>>) target(%dma_start3A_104 : memref<128xf32, #tpu.memory_space<vmem>>) offsets(%dma_start3A_105 : memref<128xi32, #tpu.memory_space<vmem>>) semaphore(%arg10 : memref<!tpu.dma_semaphore, #tpu.memory_space<semaphore_mem>>)
      %add3A_108 = arith.constant 896 : i32
      %add3A_109 = arith.addi %mul3A_10, %add3A_108 : i32
      %dma_start3A_110 = arith.constant 896 : i32
      %dma_start3A_111 = arith.constant 0 : i32
      %dma_start3A_112 = tpu.memref_slice %arg8[%dma_start3A_110, %dma_start3A_111] : memref<1024x16xf32, #tpu.memory_space<vmem>> -> memref<128x16xf32, #tpu.memory_space<vmem>>
      %dma_start3A_113 = tpu.memref_slice %arg7[%add3A_109] : memref<13312xi32, #tpu.memory_space<vmem>> -> memref<128xi32, #tpu.memory_space<vmem>>
      %dma_start3A_114 = arith.constant 0 : i32
      %dma_start3A_115 = arith.constant 0 : i32
      %dma_start3A_116 = tpu.memref_slice %arg3[%dma_start3A_114, %dma_start3A_115] : memref<2600000x16xf32, #tpu.memory_space<hbm>> -> memref<2600000x16xf32, #tpu.memory_space<hbm>>
      tpu.enqueue_indirect_dma source(%dma_start3A_116 : memref<2600000x16xf32, #tpu.memory_space<hbm>>) target(%dma_start3A_112 : memref<128x16xf32, #tpu.memory_space<vmem>>) offsets(%dma_start3A_113 : memref<128xi32, #tpu.memory_space<vmem>>) semaphore(%arg10 : memref<!tpu.dma_semaphore, #tpu.memory_space<semaphore_mem>>)
      %dma_start3A_117 = arith.constant 896 : i32
      %dma_start3A_118 = tpu.memref_slice %arg9[%dma_start3A_117] : memref<1024xf32, #tpu.memory_space<vmem>> -> memref<128xf32, #tpu.memory_space<vmem>>
      %dma_start3A_119 = tpu.memref_slice %arg7[%add3A_109] : memref<13312xi32, #tpu.memory_space<vmem>> -> memref<128xi32, #tpu.memory_space<vmem>>
      %dma_start3A_120 = arith.constant 0 : i32
      %dma_start3A_121 = tpu.memref_slice %arg4[%dma_start3A_120] : memref<2600000xf32, #tpu.memory_space<hbm>> -> memref<2600000xf32, #tpu.memory_space<hbm>>
      tpu.enqueue_indirect_dma source(%dma_start3A_121 : memref<2600000xf32, #tpu.memory_space<hbm>>) target(%dma_start3A_118 : memref<128xf32, #tpu.memory_space<vmem>>) offsets(%dma_start3A_119 : memref<128xi32, #tpu.memory_space<vmem>>) semaphore(%arg10 : memref<!tpu.dma_semaphore, #tpu.memory_space<semaphore_mem>>)
      %dma_wait3A = arith.constant 0 : i32
      %dma_wait3A_122 = arith.constant 0 : i32
      %dma_wait3A_123 = tpu.memref_slice %arg8[%dma_wait3A, %dma_wait3A_122] : memref<1024x16xf32, #tpu.memory_space<vmem>> -> memref<128x16xf32, #tpu.memory_space<vmem>>
      %dma_wait3A_124 = tpu.memref_slice %arg7[%add3A_12] : memref<13312xi32, #tpu.memory_space<vmem>> -> memref<128xi32, #tpu.memory_space<vmem>>
      %dma_wait3A_125 = arith.constant 0 : i32
      %dma_wait3A_126 = arith.constant 0 : i32
      %dma_wait3A_127 = tpu.memref_slice %arg3[%dma_wait3A_125, %dma_wait3A_126] : memref<2600000x16xf32, #tpu.memory_space<hbm>> -> memref<2600000x16xf32, #tpu.memory_space<hbm>>
      tpu.wait_indirect_dma semaphore(%arg10 : memref<!tpu.dma_semaphore, #tpu.memory_space<semaphore_mem>>) src(%dma_wait3A_127 : memref<2600000x16xf32, #tpu.memory_space<hbm>>) dst(%dma_wait3A_123 : memref<128x16xf32, #tpu.memory_space<vmem>>)
      %dma_wait3A_128 = arith.constant 0 : i32
      %dma_wait3A_129 = tpu.memref_slice %arg9[%dma_wait3A_128] : memref<1024xf32, #tpu.memory_space<vmem>> -> memref<128xf32, #tpu.memory_space<vmem>>
      %dma_wait3A_130 = tpu.memref_slice %arg7[%add3A_12] : memref<13312xi32, #tpu.memory_space<vmem>> -> memref<128xi32, #tpu.memory_space<vmem>>
      %dma_wait3A_131 = arith.constant 0 : i32
      %dma_wait3A_132 = tpu.memref_slice %arg4[%dma_wait3A_131] : memref<2600000xf32, #tpu.memory_space<hbm>> -> memref<2600000xf32, #tpu.memory_space<hbm>>
      tpu.wait_indirect_dma semaphore(%arg10 : memref<!tpu.dma_semaphore, #tpu.memory_space<semaphore_mem>>) src(%dma_wait3A_132 : memref<2600000xf32, #tpu.memory_space<hbm>>) dst(%dma_wait3A_129 : memref<128xf32, #tpu.memory_space<vmem>>)
      %dma_wait3A_133 = arith.constant 128 : i32
      %dma_wait3A_134 = arith.constant 0 : i32
      %dma_wait3A_135 = tpu.memref_slice %arg8[%dma_wait3A_133, %dma_wait3A_134] : memref<1024x16xf32, #tpu.memory_space<vmem>> -> memref<128x16xf32, #tpu.memory_space<vmem>>
      %dma_wait3A_136 = tpu.memref_slice %arg7[%add3A_25] : memref<13312xi32, #tpu.memory_space<vmem>> -> memref<128xi32, #tpu.memory_space<vmem>>
      %dma_wait3A_137 = arith.constant 0 : i32
      %dma_wait3A_138 = arith.constant 0 : i32
      %dma_wait3A_139 = tpu.memref_slice %arg3[%dma_wait3A_137, %dma_wait3A_138] : memref<2600000x16xf32, #tpu.memory_space<hbm>> -> memref<2600000x16xf32, #tpu.memory_space<hbm>>
      tpu.wait_indirect_dma semaphore(%arg10 : memref<!tpu.dma_semaphore, #tpu.memory_space<semaphore_mem>>) src(%dma_wait3A_139 : memref<2600000x16xf32, #tpu.memory_space<hbm>>) dst(%dma_wait3A_135 : memref<128x16xf32, #tpu.memory_space<vmem>>)
      %dma_wait3A_140 = arith.constant 128 : i32
      %dma_wait3A_141 = tpu.memref_slice %arg9[%dma_wait3A_140] : memref<1024xf32, #tpu.memory_space<vmem>> -> memref<128xf32, #tpu.memory_space<vmem>>
      %dma_wait3A_142 = tpu.memref_slice %arg7[%add3A_25] : memref<13312xi32, #tpu.memory_space<vmem>> -> memref<128xi32, #tpu.memory_space<vmem>>
      %dma_wait3A_143 = arith.constant 0 : i32
      %dma_wait3A_144 = tpu.memref_slice %arg4[%dma_wait3A_143] : memref<2600000xf32, #tpu.memory_space<hbm>> -> memref<2600000xf32, #tpu.memory_space<hbm>>
      tpu.wait_indirect_dma semaphore(%arg10 : memref<!tpu.dma_semaphore, #tpu.memory_space<semaphore_mem>>) src(%dma_wait3A_144 : memref<2600000xf32, #tpu.memory_space<hbm>>) dst(%dma_wait3A_141 : memref<128xf32, #tpu.memory_space<vmem>>)
      %dma_wait3A_145 = arith.constant 256 : i32
      %dma_wait3A_146 = arith.constant 0 : i32
      %dma_wait3A_147 = tpu.memref_slice %arg8[%dma_wait3A_145, %dma_wait3A_146] : memref<1024x16xf32, #tpu.memory_space<vmem>> -> memref<128x16xf32, #tpu.memory_space<vmem>>
      %dma_wait3A_148 = tpu.memref_slice %arg7[%add3A_39] : memref<13312xi32, #tpu.memory_space<vmem>> -> memref<128xi32, #tpu.memory_space<vmem>>
      %dma_wait3A_149 = arith.constant 0 : i32
      %dma_wait3A_150 = arith.constant 0 : i32
      %dma_wait3A_151 = tpu.memref_slice %arg3[%dma_wait3A_149, %dma_wait3A_150] : memref<2600000x16xf32, #tpu.memory_space<hbm>> -> memref<2600000x16xf32, #tpu.memory_space<hbm>>
      tpu.wait_indirect_dma semaphore(%arg10 : memref<!tpu.dma_semaphore, #tpu.memory_space<semaphore_mem>>) src(%dma_wait3A_151 : memref<2600000x16xf32, #tpu.memory_space<hbm>>) dst(%dma_wait3A_147 : memref<128x16xf32, #tpu.memory_space<vmem>>)
      %dma_wait3A_152 = arith.constant 256 : i32
      %dma_wait3A_153 = tpu.memref_slice %arg9[%dma_wait3A_152] : memref<1024xf32, #tpu.memory_space<vmem>> -> memref<128xf32, #tpu.memory_space<vmem>>
      %dma_wait3A_154 = tpu.memref_slice %arg7[%add3A_39] : memref<13312xi32, #tpu.memory_space<vmem>> -> memref<128xi32, #tpu.memory_space<vmem>>
      %dma_wait3A_155 = arith.constant 0 : i32
      %dma_wait3A_156 = tpu.memref_slice %arg4[%dma_wait3A_155] : memref<2600000xf32, #tpu.memory_space<hbm>> -> memref<2600000xf32, #tpu.memory_space<hbm>>
      tpu.wait_indirect_dma semaphore(%arg10 : memref<!tpu.dma_semaphore, #tpu.memory_space<semaphore_mem>>) src(%dma_wait3A_156 : memref<2600000xf32, #tpu.memory_space<hbm>>) dst(%dma_wait3A_153 : memref<128xf32, #tpu.memory_space<vmem>>)
      %dma_wait3A_157 = arith.constant 384 : i32
      %dma_wait3A_158 = arith.constant 0 : i32
      %dma_wait3A_159 = tpu.memref_slice %arg8[%dma_wait3A_157, %dma_wait3A_158] : memref<1024x16xf32, #tpu.memory_space<vmem>> -> memref<128x16xf32, #tpu.memory_space<vmem>>
      %dma_wait3A_160 = tpu.memref_slice %arg7[%add3A_53] : memref<13312xi32, #tpu.memory_space<vmem>> -> memref<128xi32, #tpu.memory_space<vmem>>
      %dma_wait3A_161 = arith.constant 0 : i32
      %dma_wait3A_162 = arith.constant 0 : i32
      %dma_wait3A_163 = tpu.memref_slice %arg3[%dma_wait3A_161, %dma_wait3A_162] : memref<2600000x16xf32, #tpu.memory_space<hbm>> -> memref<2600000x16xf32, #tpu.memory_space<hbm>>
      tpu.wait_indirect_dma semaphore(%arg10 : memref<!tpu.dma_semaphore, #tpu.memory_space<semaphore_mem>>) src(%dma_wait3A_163 : memref<2600000x16xf32, #tpu.memory_space<hbm>>) dst(%dma_wait3A_159 : memref<128x16xf32, #tpu.memory_space<vmem>>)
      %dma_wait3A_164 = arith.constant 384 : i32
      %dma_wait3A_165 = tpu.memref_slice %arg9[%dma_wait3A_164] : memref<1024xf32, #tpu.memory_space<vmem>> -> memref<128xf32, #tpu.memory_space<vmem>>
      %dma_wait3A_166 = tpu.memref_slice %arg7[%add3A_53] : memref<13312xi32, #tpu.memory_space<vmem>> -> memref<128xi32, #tpu.memory_space<vmem>>
      %dma_wait3A_167 = arith.constant 0 : i32
      %dma_wait3A_168 = tpu.memref_slice %arg4[%dma_wait3A_167] : memref<2600000xf32, #tpu.memory_space<hbm>> -> memref<2600000xf32, #tpu.memory_space<hbm>>
      tpu.wait_indirect_dma semaphore(%arg10 : memref<!tpu.dma_semaphore, #tpu.memory_space<semaphore_mem>>) src(%dma_wait3A_168 : memref<2600000xf32, #tpu.memory_space<hbm>>) dst(%dma_wait3A_165 : memref<128xf32, #tpu.memory_space<vmem>>)
      %dma_wait3A_169 = arith.constant 512 : i32
      %dma_wait3A_170 = arith.constant 0 : i32
      %dma_wait3A_171 = tpu.memref_slice %arg8[%dma_wait3A_169, %dma_wait3A_170] : memref<1024x16xf32, #tpu.memory_space<vmem>> -> memref<128x16xf32, #tpu.memory_space<vmem>>
      %dma_wait3A_172 = tpu.memref_slice %arg7[%add3A_67] : memref<13312xi32, #tpu.memory_space<vmem>> -> memref<128xi32, #tpu.memory_space<vmem>>
      %dma_wait3A_173 = arith.constant 0 : i32
      %dma_wait3A_174 = arith.constant 0 : i32
      %dma_wait3A_175 = tpu.memref_slice %arg3[%dma_wait3A_173, %dma_wait3A_174] : memref<2600000x16xf32, #tpu.memory_space<hbm>> -> memref<2600000x16xf32, #tpu.memory_space<hbm>>
      tpu.wait_indirect_dma semaphore(%arg10 : memref<!tpu.dma_semaphore, #tpu.memory_space<semaphore_mem>>) src(%dma_wait3A_175 : memref<2600000x16xf32, #tpu.memory_space<hbm>>) dst(%dma_wait3A_171 : memref<128x16xf32, #tpu.memory_space<vmem>>)
      %dma_wait3A_176 = arith.constant 512 : i32
      %dma_wait3A_177 = tpu.memref_slice %arg9[%dma_wait3A_176] : memref<1024xf32, #tpu.memory_space<vmem>> -> memref<128xf32, #tpu.memory_space<vmem>>
      %dma_wait3A_178 = tpu.memref_slice %arg7[%add3A_67] : memref<13312xi32, #tpu.memory_space<vmem>> -> memref<128xi32, #tpu.memory_space<vmem>>
      %dma_wait3A_179 = arith.constant 0 : i32
      %dma_wait3A_180 = tpu.memref_slice %arg4[%dma_wait3A_179] : memref<2600000xf32, #tpu.memory_space<hbm>> -> memref<2600000xf32, #tpu.memory_space<hbm>>
      tpu.wait_indirect_dma semaphore(%arg10 : memref<!tpu.dma_semaphore, #tpu.memory_space<semaphore_mem>>) src(%dma_wait3A_180 : memref<2600000xf32, #tpu.memory_space<hbm>>) dst(%dma_wait3A_177 : memref<128xf32, #tpu.memory_space<vmem>>)
      %dma_wait3A_181 = arith.constant 640 : i32
      %dma_wait3A_182 = arith.constant 0 : i32
      %dma_wait3A_183 = tpu.memref_slice %arg8[%dma_wait3A_181, %dma_wait3A_182] : memref<1024x16xf32, #tpu.memory_space<vmem>> -> memref<128x16xf32, #tpu.memory_space<vmem>>
      %dma_wait3A_184 = tpu.memref_slice %arg7[%add3A_81] : memref<13312xi32, #tpu.memory_space<vmem>> -> memref<128xi32, #tpu.memory_space<vmem>>
      %dma_wait3A_185 = arith.constant 0 : i32
      %dma_wait3A_186 = arith.constant 0 : i32
      %dma_wait3A_187 = tpu.memref_slice %arg3[%dma_wait3A_185, %dma_wait3A_186] : memref<2600000x16xf32, #tpu.memory_space<hbm>> -> memref<2600000x16xf32, #tpu.memory_space<hbm>>
      tpu.wait_indirect_dma semaphore(%arg10 : memref<!tpu.dma_semaphore, #tpu.memory_space<semaphore_mem>>) src(%dma_wait3A_187 : memref<2600000x16xf32, #tpu.memory_space<hbm>>) dst(%dma_wait3A_183 : memref<128x16xf32, #tpu.memory_space<vmem>>)
      %dma_wait3A_188 = arith.constant 640 : i32
      %dma_wait3A_189 = tpu.memref_slice %arg9[%dma_wait3A_188] : memref<1024xf32, #tpu.memory_space<vmem>> -> memref<128xf32, #tpu.memory_space<vmem>>
      %dma_wait3A_190 = tpu.memref_slice %arg7[%add3A_81] : memref<13312xi32, #tpu.memory_space<vmem>> -> memref<128xi32, #tpu.memory_space<vmem>>
      %dma_wait3A_191 = arith.constant 0 : i32
      %dma_wait3A_192 = tpu.memref_slice %arg4[%dma_wait3A_191] : memref<2600000xf32, #tpu.memory_space<hbm>> -> memref<2600000xf32, #tpu.memory_space<hbm>>
      tpu.wait_indirect_dma semaphore(%arg10 : memref<!tpu.dma_semaphore, #tpu.memory_space<semaphore_mem>>) src(%dma_wait3A_192 : memref<2600000xf32, #tpu.memory_space<hbm>>) dst(%dma_wait3A_189 : memref<128xf32, #tpu.memory_space<vmem>>)
      %dma_wait3A_193 = arith.constant 768 : i32
      %dma_wait3A_194 = arith.constant 0 : i32
      %dma_wait3A_195 = tpu.memref_slice %arg8[%dma_wait3A_193, %dma_wait3A_194] : memref<1024x16xf32, #tpu.memory_space<vmem>> -> memref<128x16xf32, #tpu.memory_space<vmem>>
      %dma_wait3A_196 = tpu.memref_slice %arg7[%add3A_95] : memref<13312xi32, #tpu.memory_space<vmem>> -> memref<128xi32, #tpu.memory_space<vmem>>
      %dma_wait3A_197 = arith.constant 0 : i32
      %dma_wait3A_198 = arith.constant 0 : i32
      %dma_wait3A_199 = tpu.memref_slice %arg3[%dma_wait3A_197, %dma_wait3A_198] : memref<2600000x16xf32, #tpu.memory_space<hbm>> -> memref<2600000x16xf32, #tpu.memory_space<hbm>>
      tpu.wait_indirect_dma semaphore(%arg10 : memref<!tpu.dma_semaphore, #tpu.memory_space<semaphore_mem>>) src(%dma_wait3A_199 : memref<2600000x16xf32, #tpu.memory_space<hbm>>) dst(%dma_wait3A_195 : memref<128x16xf32, #tpu.memory_space<vmem>>)
      %dma_wait3A_200 = arith.constant 768 : i32
      %dma_wait3A_201 = tpu.memref_slice %arg9[%dma_wait3A_200] : memref<1024xf32, #tpu.memory_space<vmem>> -> memref<128xf32, #tpu.memory_space<vmem>>
      %dma_wait3A_202 = tpu.memref_slice %arg7[%add3A_95] : memref<13312xi32, #tpu.memory_space<vmem>> -> memref<128xi32, #tpu.memory_space<vmem>>
      %dma_wait3A_203 = arith.constant 0 : i32
      %dma_wait3A_204 = tpu.memref_slice %arg4[%dma_wait3A_203] : memref<2600000xf32, #tpu.memory_space<hbm>> -> memref<2600000xf32, #tpu.memory_space<hbm>>
      tpu.wait_indirect_dma semaphore(%arg10 : memref<!tpu.dma_semaphore, #tpu.memory_space<semaphore_mem>>) src(%dma_wait3A_204 : memref<2600000xf32, #tpu.memory_space<hbm>>) dst(%dma_wait3A_201 : memref<128xf32, #tpu.memory_space<vmem>>)
      %dma_wait3A_205 = arith.constant 896 : i32
      %dma_wait3A_206 = arith.constant 0 : i32
      %dma_wait3A_207 = tpu.memref_slice %arg8[%dma_wait3A_205, %dma_wait3A_206] : memref<1024x16xf32, #tpu.memory_space<vmem>> -> memref<128x16xf32, #tpu.memory_space<vmem>>
      %dma_wait3A_208 = tpu.memref_slice %arg7[%add3A_109] : memref<13312xi32, #tpu.memory_space<vmem>> -> memref<128xi32, #tpu.memory_space<vmem>>
      %dma_wait3A_209 = arith.constant 0 : i32
      %dma_wait3A_210 = arith.constant 0 : i32
      %dma_wait3A_211 = tpu.memref_slice %arg3[%dma_wait3A_209, %dma_wait3A_210] : memref<2600000x16xf32, #tpu.memory_space<hbm>> -> memref<2600000x16xf32, #tpu.memory_space<hbm>>
      tpu.wait_indirect_dma semaphore(%arg10 : memref<!tpu.dma_semaphore, #tpu.memory_space<semaphore_mem>>) src(%dma_wait3A_211 : memref<2600000x16xf32, #tpu.memory_space<hbm>>) dst(%dma_wait3A_207 : memref<128x16xf32, #tpu.memory_space<vmem>>)
      %dma_wait3A_212 = arith.constant 896 : i32
      %dma_wait3A_213 = tpu.memref_slice %arg9[%dma_wait3A_212] : memref<1024xf32, #tpu.memory_space<vmem>> -> memref<128xf32, #tpu.memory_space<vmem>>
      %dma_wait3A_214 = tpu.memref_slice %arg7[%add3A_109] : memref<13312xi32, #tpu.memory_space<vmem>> -> memref<128xi32, #tpu.memory_space<vmem>>
      %dma_wait3A_215 = arith.constant 0 : i32
      %dma_wait3A_216 = tpu.memref_slice %arg4[%dma_wait3A_215] : memref<2600000xf32, #tpu.memory_space<hbm>> -> memref<2600000xf32, #tpu.memory_space<hbm>>
      tpu.wait_indirect_dma semaphore(%arg10 : memref<!tpu.dma_semaphore, #tpu.memory_space<semaphore_mem>>) src(%dma_wait3A_216 : memref<2600000xf32, #tpu.memory_space<hbm>>) dst(%dma_wait3A_213 : memref<128xf32, #tpu.memory_space<vmem>>)
      %add3A_217 = arith.addi %mul3A_2, %mul3A_10 : i32
      %dma_start3A_218 = arith.constant 0 : i32
      %dma_start3A_219 = tpu.memref_slice %arg5[%add3A_217, %dma_start3A_218] : memref<425984x16xf32, #tpu.memory_space<hbm>> -> memref<1024x16xf32, #tpu.memory_space<hbm>>
      %dma_start3A_220 = arith.constant 0 : i32
      %dma_start3A_221 = tpu.memref_slice %arg5[%add3A_217, %dma_start3A_220] : memref<425984x16xf32, #tpu.memory_space<hbm>> -> memref<1024x16xf32, #tpu.memory_space<hbm>>
      tpu.enqueue_dma source(%arg8 : memref<1024x16xf32, #tpu.memory_space<vmem>>) target(%dma_start3A_221 : memref<1024x16xf32, #tpu.memory_space<hbm>>) target_semaphore(%arg11 : memref<!tpu.dma_semaphore, #tpu.memory_space<semaphore_mem>>)
      %add3A_222 = arith.addi %mul3A_2, %mul3A_10 : i32
      %dma_start3A_223 = tpu.memref_slice %arg6[%add3A_222] : memref<425984xf32, #tpu.memory_space<hbm>> -> memref<1024xf32, #tpu.memory_space<hbm>>
      %dma_start3A_224 = tpu.memref_slice %arg6[%add3A_222] : memref<425984xf32, #tpu.memory_space<hbm>> -> memref<1024xf32, #tpu.memory_space<hbm>>
      tpu.enqueue_dma source(%arg9 : memref<1024xf32, #tpu.memory_space<vmem>>) target(%dma_start3A_224 : memref<1024xf32, #tpu.memory_space<hbm>>) target_semaphore(%arg11 : memref<!tpu.dma_semaphore, #tpu.memory_space<semaphore_mem>>)
      %dma_wait3A_225 = arith.constant 0 : i32
      %dma_wait3A_226 = tpu.memref_slice %arg5[%add3A_217, %dma_wait3A_225] : memref<425984x16xf32, #tpu.memory_space<hbm>> -> memref<1024x16xf32, #tpu.memory_space<hbm>>
      %dma_wait3A_227 = arith.constant 0 : i32
      %dma_wait3A_228 = tpu.memref_slice %arg5[%add3A_217, %dma_wait3A_227] : memref<425984x16xf32, #tpu.memory_space<hbm>> -> memref<1024x16xf32, #tpu.memory_space<hbm>>
      tpu.wait_dma2 semaphore(%arg11 : memref<!tpu.dma_semaphore, #tpu.memory_space<semaphore_mem>>) src(%arg8 : memref<1024x16xf32, #tpu.memory_space<vmem>>) dst(%dma_wait3A_228 : memref<1024x16xf32, #tpu.memory_space<hbm>>)
      %dma_wait3A_229 = tpu.memref_slice %arg6[%add3A_222] : memref<425984xf32, #tpu.memory_space<hbm>> -> memref<1024xf32, #tpu.memory_space<hbm>>
      %dma_wait3A_230 = tpu.memref_slice %arg6[%add3A_222] : memref<425984xf32, #tpu.memory_space<hbm>> -> memref<1024xf32, #tpu.memory_space<hbm>>
      tpu.wait_dma2 semaphore(%arg11 : memref<!tpu.dma_semaphore, #tpu.memory_space<semaphore_mem>>) src(%arg9 : memref<1024xf32, #tpu.memory_space<vmem>>) dst(%dma_wait3A_230 : memref<1024xf32, #tpu.memory_space<hbm>>)
    }
    %scan3A_7 = arith.constant 13 : i32
    return
  }
}

#map = affine_map<(d0, d1) -> (0, 0)>
#map1 = affine_map<(d0, d1) -> (0)>
module attributes {stable_mosaic.version = 14 : i64} {
  func.func @_cvt_body(%arg0: i32, %arg1: i32, %arg2: memref<16x2600000xf32, #tpu.memory_space<hbm>>, %arg3: memref<1024xf32, #tpu.memory_space<hbm>>, %arg4: memref<41600000xf32, #tpu.memory_space<hbm>>, %arg5: memref<8x16x128xf32, #tpu.memory_space<vmem>>, %arg6: memref<8x16x128xf32, #tpu.memory_space<vmem>>, %arg7: memref<16384xf32, #tpu.memory_space<vmem>>, %arg8: memref<16384xf32, #tpu.memory_space<vmem>>, %arg9: memref<!tpu.dma_semaphore, #tpu.memory_space<semaphore_mem>>, %arg10: memref<!tpu.dma_semaphore, #tpu.memory_space<semaphore_mem>>) attributes {dimension_semantics = [#tpu.dimension_semantics<core_parallel>, #tpu.dimension_semantics<subcore_parallel>], iteration_bounds = array<i64: 2, 16>, scalar_prefetch = 0 : i64, scratch_operands = 6 : i64, tpu.core_type = #tpu.core_type<sc_vector_subcore>, window_params = [{transform_indices = #map}, {transform_indices = #map1}, {transform_indices = #map1}]} {
    %mul3A = arith.constant 2 : i32
    %mul3A_0 = arith.muli %arg1, %mul3A : i32
    %add3A = arith.addi %mul3A_0, %arg0 : i32
    %lt3A = arith.constant 21 : i32
    %lt3A_1 = arith.cmpi slt, %add3A, %lt3A : i32
    %convert_element_type3A = arith.extui %lt3A_1 : i1 to i32
    %add3A_2 = arith.constant 39 : i32
    %add3A_3 = arith.addi %add3A_2, %convert_element_type3A : i32
    %mul3A_4 = arith.constant 39 : i32
    %mul3A_5 = arith.muli %add3A, %mul3A_4 : i32
    %min3A = arith.constant 21 : i32
    %min3A_6 = arith.minsi %add3A, %min3A : i32
    %add3A_7 = arith.addi %mul3A_5, %min3A_6 : i32
    %iota3A = tpu.iota {dimensions = array<i32: 0>} : vector<16xi32>
    %mul3A_8 = arith.constant 16 : i32
    %mul3A_9 = vector.broadcast %mul3A_8 : i32 to vector<16xi32>
    %mul3A_10 = arith.muli %iota3A, %mul3A_9 : vector<16xi32>
    %while3A = arith.constant 0 : i32
    %while3A_11 = arith.constant 0 : i32
    %while3A_12 = arith.subi %add3A_3, %while3A_11 : i32
    %while3A_13 = arith.addi %while3A_11, %while3A_12 : i32
    %while3A_14 = arith.constant 1 : i32
    %while3A_15 = arith.divsi %while3A_12, %while3A_14 : i32
    %while3A_16 = arith.muli %while3A_15, %while3A_14 : i32
    %while3A_17 = arith.addi %while3A_11, %while3A_16 : i32
    %while3A_18 = arith.constant 1 : i32
    scf.for %while3A_23 = %while3A_11 to %while3A_17 step %while3A_18  : i32 {
      %add3A_24 = arith.addi %add3A_7, %while3A_23 : i32
      %mul3A_25 = arith.constant 2 : i32
      %mul3A_26 = arith.muli %add3A_24, %mul3A_25 : i32
      %add3A_27 = arith.constant 1 : i32
      %add3A_28 = arith.addi %mul3A_26, %add3A_27 : i32
      %mul3A_29 = arith.constant 8 : i32
      %mul3A_30 = arith.muli %mul3A_26, %mul3A_29 : i32
      %add3A_31 = arith.constant 0 : i32
      %add3A_32 = arith.addi %mul3A_30, %add3A_31 : i32
      %mul3A_33 = arith.constant 128 : i32
      %mul3A_34 = arith.muli %add3A_32, %mul3A_33 : i32
      %dma_start3A = arith.constant 0 : i32
      %dma_start3A_35 = arith.constant 0 : i32
      %dma_start3A_36 = arith.constant 0 : i32
      %dma_start3A_37 = tpu.memref_slice %arg5[%dma_start3A, %dma_start3A_35, %dma_start3A_36] : memref<8x16x128xf32, #tpu.memory_space<vmem>> -> memref<1x16x128xf32, #tpu.memory_space<vmem>>
      %dma_start3A_38 = tpu.memref_squeeze %dma_start3A_37 : memref<1x16x128xf32, #tpu.memory_space<vmem>> -> memref<16x128xf32, #tpu.memory_space<vmem>>
      %dma_start3A_39 = arith.constant 0 : i32
      %dma_start3A_40 = tpu.memref_slice %arg2[%dma_start3A_39, %mul3A_34] : memref<16x2600000xf32, #tpu.memory_space<hbm>> -> memref<16x128xf32, #tpu.memory_space<hbm>>
      %dma_start3A_41 = arith.constant 0 : i32
      %dma_start3A_42 = arith.constant 0 : i32
      %dma_start3A_43 = tpu.memref_slice %arg5[%dma_start3A, %dma_start3A_41, %dma_start3A_42] : memref<8x16x128xf32, #tpu.memory_space<vmem>> -> memref<1x16x128xf32, #tpu.memory_space<vmem>>
      %dma_start3A_44 = tpu.memref_squeeze %dma_start3A_43 : memref<1x16x128xf32, #tpu.memory_space<vmem>> -> memref<16x128xf32, #tpu.memory_space<vmem>>
      %dma_start3A_45 = arith.constant 0 : i32
      %dma_start3A_46 = tpu.memref_slice %arg2[%dma_start3A_45, %mul3A_34] : memref<16x2600000xf32, #tpu.memory_space<hbm>> -> memref<16x128xf32, #tpu.memory_space<hbm>>
      tpu.enqueue_dma source(%dma_start3A_46 : memref<16x128xf32, #tpu.memory_space<hbm>>) target(%dma_start3A_44 : memref<16x128xf32, #tpu.memory_space<vmem>>) target_semaphore(%arg9 : memref<!tpu.dma_semaphore, #tpu.memory_space<semaphore_mem>>)
      %mul3A_47 = arith.constant 8 : i32
      %mul3A_48 = arith.muli %mul3A_26, %mul3A_47 : i32
      %add3A_49 = arith.constant 1 : i32
      %add3A_50 = arith.addi %mul3A_48, %add3A_49 : i32
      %mul3A_51 = arith.constant 128 : i32
      %mul3A_52 = arith.muli %add3A_50, %mul3A_51 : i32
      %dma_start3A_53 = arith.constant 1 : i32
      %dma_start3A_54 = arith.constant 0 : i32
      %dma_start3A_55 = arith.constant 0 : i32
      %dma_start3A_56 = tpu.memref_slice %arg5[%dma_start3A_53, %dma_start3A_54, %dma_start3A_55] : memref<8x16x128xf32, #tpu.memory_space<vmem>> -> memref<1x16x128xf32, #tpu.memory_space<vmem>>
      %dma_start3A_57 = tpu.memref_squeeze %dma_start3A_56 : memref<1x16x128xf32, #tpu.memory_space<vmem>> -> memref<16x128xf32, #tpu.memory_space<vmem>>
      %dma_start3A_58 = arith.constant 0 : i32
      %dma_start3A_59 = tpu.memref_slice %arg2[%dma_start3A_58, %mul3A_52] : memref<16x2600000xf32, #tpu.memory_space<hbm>> -> memref<16x128xf32, #tpu.memory_space<hbm>>
      %dma_start3A_60 = arith.constant 0 : i32
      %dma_start3A_61 = arith.constant 0 : i32
      %dma_start3A_62 = tpu.memref_slice %arg5[%dma_start3A_53, %dma_start3A_60, %dma_start3A_61] : memref<8x16x128xf32, #tpu.memory_space<vmem>> -> memref<1x16x128xf32, #tpu.memory_space<vmem>>
      %dma_start3A_63 = tpu.memref_squeeze %dma_start3A_62 : memref<1x16x128xf32, #tpu.memory_space<vmem>> -> memref<16x128xf32, #tpu.memory_space<vmem>>
      %dma_start3A_64 = arith.constant 0 : i32
      %dma_start3A_65 = tpu.memref_slice %arg2[%dma_start3A_64, %mul3A_52] : memref<16x2600000xf32, #tpu.memory_space<hbm>> -> memref<16x128xf32, #tpu.memory_space<hbm>>
      tpu.enqueue_dma source(%dma_start3A_65 : memref<16x128xf32, #tpu.memory_space<hbm>>) target(%dma_start3A_63 : memref<16x128xf32, #tpu.memory_space<vmem>>) target_semaphore(%arg9 : memref<!tpu.dma_semaphore, #tpu.memory_space<semaphore_mem>>)
      %mul3A_66 = arith.constant 8 : i32
      %mul3A_67 = arith.muli %mul3A_26, %mul3A_66 : i32
      %add3A_68 = arith.constant 2 : i32
      %add3A_69 = arith.addi %mul3A_67, %add3A_68 : i32
      %mul3A_70 = arith.constant 128 : i32
      %mul3A_71 = arith.muli %add3A_69, %mul3A_70 : i32
      %dma_start3A_72 = arith.constant 2 : i32
      %dma_start3A_73 = arith.constant 0 : i32
      %dma_start3A_74 = arith.constant 0 : i32
      %dma_start3A_75 = tpu.memref_slice %arg5[%dma_start3A_72, %dma_start3A_73, %dma_start3A_74] : memref<8x16x128xf32, #tpu.memory_space<vmem>> -> memref<1x16x128xf32, #tpu.memory_space<vmem>>
      %dma_start3A_76 = tpu.memref_squeeze %dma_start3A_75 : memref<1x16x128xf32, #tpu.memory_space<vmem>> -> memref<16x128xf32, #tpu.memory_space<vmem>>
      %dma_start3A_77 = arith.constant 0 : i32
      %dma_start3A_78 = tpu.memref_slice %arg2[%dma_start3A_77, %mul3A_71] : memref<16x2600000xf32, #tpu.memory_space<hbm>> -> memref<16x128xf32, #tpu.memory_space<hbm>>
      %dma_start3A_79 = arith.constant 0 : i32
      %dma_start3A_80 = arith.constant 0 : i32
      %dma_start3A_81 = tpu.memref_slice %arg5[%dma_start3A_72, %dma_start3A_79, %dma_start3A_80] : memref<8x16x128xf32, #tpu.memory_space<vmem>> -> memref<1x16x128xf32, #tpu.memory_space<vmem>>
      %dma_start3A_82 = tpu.memref_squeeze %dma_start3A_81 : memref<1x16x128xf32, #tpu.memory_space<vmem>> -> memref<16x128xf32, #tpu.memory_space<vmem>>
      %dma_start3A_83 = arith.constant 0 : i32
      %dma_start3A_84 = tpu.memref_slice %arg2[%dma_start3A_83, %mul3A_71] : memref<16x2600000xf32, #tpu.memory_space<hbm>> -> memref<16x128xf32, #tpu.memory_space<hbm>>
      tpu.enqueue_dma source(%dma_start3A_84 : memref<16x128xf32, #tpu.memory_space<hbm>>) target(%dma_start3A_82 : memref<16x128xf32, #tpu.memory_space<vmem>>) target_semaphore(%arg9 : memref<!tpu.dma_semaphore, #tpu.memory_space<semaphore_mem>>)
      %mul3A_85 = arith.constant 8 : i32
      %mul3A_86 = arith.muli %mul3A_26, %mul3A_85 : i32
      %add3A_87 = arith.constant 3 : i32
      %add3A_88 = arith.addi %mul3A_86, %add3A_87 : i32
      %mul3A_89 = arith.constant 128 : i32
      %mul3A_90 = arith.muli %add3A_88, %mul3A_89 : i32
      %dma_start3A_91 = arith.constant 3 : i32
      %dma_start3A_92 = arith.constant 0 : i32
      %dma_start3A_93 = arith.constant 0 : i32
      %dma_start3A_94 = tpu.memref_slice %arg5[%dma_start3A_91, %dma_start3A_92, %dma_start3A_93] : memref<8x16x128xf32, #tpu.memory_space<vmem>> -> memref<1x16x128xf32, #tpu.memory_space<vmem>>
      %dma_start3A_95 = tpu.memref_squeeze %dma_start3A_94 : memref<1x16x128xf32, #tpu.memory_space<vmem>> -> memref<16x128xf32, #tpu.memory_space<vmem>>
      %dma_start3A_96 = arith.constant 0 : i32
      %dma_start3A_97 = tpu.memref_slice %arg2[%dma_start3A_96, %mul3A_90] : memref<16x2600000xf32, #tpu.memory_space<hbm>> -> memref<16x128xf32, #tpu.memory_space<hbm>>
      %dma_start3A_98 = arith.constant 0 : i32
      %dma_start3A_99 = arith.constant 0 : i32
      %dma_start3A_100 = tpu.memref_slice %arg5[%dma_start3A_91, %dma_start3A_98, %dma_start3A_99] : memref<8x16x128xf32, #tpu.memory_space<vmem>> -> memref<1x16x128xf32, #tpu.memory_space<vmem>>
      %dma_start3A_101 = tpu.memref_squeeze %dma_start3A_100 : memref<1x16x128xf32, #tpu.memory_space<vmem>> -> memref<16x128xf32, #tpu.memory_space<vmem>>
      %dma_start3A_102 = arith.constant 0 : i32
      %dma_start3A_103 = tpu.memref_slice %arg2[%dma_start3A_102, %mul3A_90] : memref<16x2600000xf32, #tpu.memory_space<hbm>> -> memref<16x128xf32, #tpu.memory_space<hbm>>
      tpu.enqueue_dma source(%dma_start3A_103 : memref<16x128xf32, #tpu.memory_space<hbm>>) target(%dma_start3A_101 : memref<16x128xf32, #tpu.memory_space<vmem>>) target_semaphore(%arg9 : memref<!tpu.dma_semaphore, #tpu.memory_space<semaphore_mem>>)
      %mul3A_104 = arith.constant 8 : i32
      %mul3A_105 = arith.muli %mul3A_26, %mul3A_104 : i32
      %add3A_106 = arith.constant 4 : i32
      %add3A_107 = arith.addi %mul3A_105, %add3A_106 : i32
      %mul3A_108 = arith.constant 128 : i32
      %mul3A_109 = arith.muli %add3A_107, %mul3A_108 : i32
      %dma_start3A_110 = arith.constant 4 : i32
      %dma_start3A_111 = arith.constant 0 : i32
      %dma_start3A_112 = arith.constant 0 : i32
      %dma_start3A_113 = tpu.memref_slice %arg5[%dma_start3A_110, %dma_start3A_111, %dma_start3A_112] : memref<8x16x128xf32, #tpu.memory_space<vmem>> -> memref<1x16x128xf32, #tpu.memory_space<vmem>>
      %dma_start3A_114 = tpu.memref_squeeze %dma_start3A_113 : memref<1x16x128xf32, #tpu.memory_space<vmem>> -> memref<16x128xf32, #tpu.memory_space<vmem>>
      %dma_start3A_115 = arith.constant 0 : i32
      %dma_start3A_116 = tpu.memref_slice %arg2[%dma_start3A_115, %mul3A_109] : memref<16x2600000xf32, #tpu.memory_space<hbm>> -> memref<16x128xf32, #tpu.memory_space<hbm>>
      %dma_start3A_117 = arith.constant 0 : i32
      %dma_start3A_118 = arith.constant 0 : i32
      %dma_start3A_119 = tpu.memref_slice %arg5[%dma_start3A_110, %dma_start3A_117, %dma_start3A_118] : memref<8x16x128xf32, #tpu.memory_space<vmem>> -> memref<1x16x128xf32, #tpu.memory_space<vmem>>
      %dma_start3A_120 = tpu.memref_squeeze %dma_start3A_119 : memref<1x16x128xf32, #tpu.memory_space<vmem>> -> memref<16x128xf32, #tpu.memory_space<vmem>>
      %dma_start3A_121 = arith.constant 0 : i32
      %dma_start3A_122 = tpu.memref_slice %arg2[%dma_start3A_121, %mul3A_109] : memref<16x2600000xf32, #tpu.memory_space<hbm>> -> memref<16x128xf32, #tpu.memory_space<hbm>>
      tpu.enqueue_dma source(%dma_start3A_122 : memref<16x128xf32, #tpu.memory_space<hbm>>) target(%dma_start3A_120 : memref<16x128xf32, #tpu.memory_space<vmem>>) target_semaphore(%arg9 : memref<!tpu.dma_semaphore, #tpu.memory_space<semaphore_mem>>)
      %mul3A_123 = arith.constant 8 : i32
      %mul3A_124 = arith.muli %mul3A_26, %mul3A_123 : i32
      %add3A_125 = arith.constant 5 : i32
      %add3A_126 = arith.addi %mul3A_124, %add3A_125 : i32
      %mul3A_127 = arith.constant 128 : i32
      %mul3A_128 = arith.muli %add3A_126, %mul3A_127 : i32
      %dma_start3A_129 = arith.constant 5 : i32
      %dma_start3A_130 = arith.constant 0 : i32
      %dma_start3A_131 = arith.constant 0 : i32
      %dma_start3A_132 = tpu.memref_slice %arg5[%dma_start3A_129, %dma_start3A_130, %dma_start3A_131] : memref<8x16x128xf32, #tpu.memory_space<vmem>> -> memref<1x16x128xf32, #tpu.memory_space<vmem>>
      %dma_start3A_133 = tpu.memref_squeeze %dma_start3A_132 : memref<1x16x128xf32, #tpu.memory_space<vmem>> -> memref<16x128xf32, #tpu.memory_space<vmem>>
      %dma_start3A_134 = arith.constant 0 : i32
      %dma_start3A_135 = tpu.memref_slice %arg2[%dma_start3A_134, %mul3A_128] : memref<16x2600000xf32, #tpu.memory_space<hbm>> -> memref<16x128xf32, #tpu.memory_space<hbm>>
      %dma_start3A_136 = arith.constant 0 : i32
      %dma_start3A_137 = arith.constant 0 : i32
      %dma_start3A_138 = tpu.memref_slice %arg5[%dma_start3A_129, %dma_start3A_136, %dma_start3A_137] : memref<8x16x128xf32, #tpu.memory_space<vmem>> -> memref<1x16x128xf32, #tpu.memory_space<vmem>>
      %dma_start3A_139 = tpu.memref_squeeze %dma_start3A_138 : memref<1x16x128xf32, #tpu.memory_space<vmem>> -> memref<16x128xf32, #tpu.memory_space<vmem>>
      %dma_start3A_140 = arith.constant 0 : i32
      %dma_start3A_141 = tpu.memref_slice %arg2[%dma_start3A_140, %mul3A_128] : memref<16x2600000xf32, #tpu.memory_space<hbm>> -> memref<16x128xf32, #tpu.memory_space<hbm>>
      tpu.enqueue_dma source(%dma_start3A_141 : memref<16x128xf32, #tpu.memory_space<hbm>>) target(%dma_start3A_139 : memref<16x128xf32, #tpu.memory_space<vmem>>) target_semaphore(%arg9 : memref<!tpu.dma_semaphore, #tpu.memory_space<semaphore_mem>>)
      %mul3A_142 = arith.constant 8 : i32
      %mul3A_143 = arith.muli %mul3A_26, %mul3A_142 : i32
      %add3A_144 = arith.constant 6 : i32
      %add3A_145 = arith.addi %mul3A_143, %add3A_144 : i32
      %mul3A_146 = arith.constant 128 : i32
      %mul3A_147 = arith.muli %add3A_145, %mul3A_146 : i32
      %dma_start3A_148 = arith.constant 6 : i32
      %dma_start3A_149 = arith.constant 0 : i32
      %dma_start3A_150 = arith.constant 0 : i32
      %dma_start3A_151 = tpu.memref_slice %arg5[%dma_start3A_148, %dma_start3A_149, %dma_start3A_150] : memref<8x16x128xf32, #tpu.memory_space<vmem>> -> memref<1x16x128xf32, #tpu.memory_space<vmem>>
      %dma_start3A_152 = tpu.memref_squeeze %dma_start3A_151 : memref<1x16x128xf32, #tpu.memory_space<vmem>> -> memref<16x128xf32, #tpu.memory_space<vmem>>
      %dma_start3A_153 = arith.constant 0 : i32
      %dma_start3A_154 = tpu.memref_slice %arg2[%dma_start3A_153, %mul3A_147] : memref<16x2600000xf32, #tpu.memory_space<hbm>> -> memref<16x128xf32, #tpu.memory_space<hbm>>
      %dma_start3A_155 = arith.constant 0 : i32
      %dma_start3A_156 = arith.constant 0 : i32
      %dma_start3A_157 = tpu.memref_slice %arg5[%dma_start3A_148, %dma_start3A_155, %dma_start3A_156] : memref<8x16x128xf32, #tpu.memory_space<vmem>> -> memref<1x16x128xf32, #tpu.memory_space<vmem>>
      %dma_start3A_158 = tpu.memref_squeeze %dma_start3A_157 : memref<1x16x128xf32, #tpu.memory_space<vmem>> -> memref<16x128xf32, #tpu.memory_space<vmem>>
      %dma_start3A_159 = arith.constant 0 : i32
      %dma_start3A_160 = tpu.memref_slice %arg2[%dma_start3A_159, %mul3A_147] : memref<16x2600000xf32, #tpu.memory_space<hbm>> -> memref<16x128xf32, #tpu.memory_space<hbm>>
      tpu.enqueue_dma source(%dma_start3A_160 : memref<16x128xf32, #tpu.memory_space<hbm>>) target(%dma_start3A_158 : memref<16x128xf32, #tpu.memory_space<vmem>>) target_semaphore(%arg9 : memref<!tpu.dma_semaphore, #tpu.memory_space<semaphore_mem>>)
      %mul3A_161 = arith.constant 8 : i32
      %mul3A_162 = arith.muli %mul3A_26, %mul3A_161 : i32
      %add3A_163 = arith.constant 7 : i32
      %add3A_164 = arith.addi %mul3A_162, %add3A_163 : i32
      %mul3A_165 = arith.constant 128 : i32
      %mul3A_166 = arith.muli %add3A_164, %mul3A_165 : i32
      %dma_start3A_167 = arith.constant 7 : i32
      %dma_start3A_168 = arith.constant 0 : i32
      %dma_start3A_169 = arith.constant 0 : i32
      %dma_start3A_170 = tpu.memref_slice %arg5[%dma_start3A_167, %dma_start3A_168, %dma_start3A_169] : memref<8x16x128xf32, #tpu.memory_space<vmem>> -> memref<1x16x128xf32, #tpu.memory_space<vmem>>
      %dma_start3A_171 = tpu.memref_squeeze %dma_start3A_170 : memref<1x16x128xf32, #tpu.memory_space<vmem>> -> memref<16x128xf32, #tpu.memory_space<vmem>>
      %dma_start3A_172 = arith.constant 0 : i32
      %dma_start3A_173 = tpu.memref_slice %arg2[%dma_start3A_172, %mul3A_166] : memref<16x2600000xf32, #tpu.memory_space<hbm>> -> memref<16x128xf32, #tpu.memory_space<hbm>>
      %dma_start3A_174 = arith.constant 0 : i32
      %dma_start3A_175 = arith.constant 0 : i32
      %dma_start3A_176 = tpu.memref_slice %arg5[%dma_start3A_167, %dma_start3A_174, %dma_start3A_175] : memref<8x16x128xf32, #tpu.memory_space<vmem>> -> memref<1x16x128xf32, #tpu.memory_space<vmem>>
      %dma_start3A_177 = tpu.memref_squeeze %dma_start3A_176 : memref<1x16x128xf32, #tpu.memory_space<vmem>> -> memref<16x128xf32, #tpu.memory_space<vmem>>
      %dma_start3A_178 = arith.constant 0 : i32
      %dma_start3A_179 = tpu.memref_slice %arg2[%dma_start3A_178, %mul3A_166] : memref<16x2600000xf32, #tpu.memory_space<hbm>> -> memref<16x128xf32, #tpu.memory_space<hbm>>
      tpu.enqueue_dma source(%dma_start3A_179 : memref<16x128xf32, #tpu.memory_space<hbm>>) target(%dma_start3A_177 : memref<16x128xf32, #tpu.memory_space<vmem>>) target_semaphore(%arg9 : memref<!tpu.dma_semaphore, #tpu.memory_space<semaphore_mem>>)
      %mul3A_180 = arith.constant 8 : i32
      %mul3A_181 = arith.muli %add3A_28, %mul3A_180 : i32
      %add3A_182 = arith.constant 0 : i32
      %add3A_183 = arith.addi %mul3A_181, %add3A_182 : i32
      %mul3A_184 = arith.constant 128 : i32
      %mul3A_185 = arith.muli %add3A_183, %mul3A_184 : i32
      %dma_start3A_186 = arith.constant 0 : i32
      %dma_start3A_187 = arith.constant 0 : i32
      %dma_start3A_188 = arith.constant 0 : i32
      %dma_start3A_189 = tpu.memref_slice %arg6[%dma_start3A_186, %dma_start3A_187, %dma_start3A_188] : memref<8x16x128xf32, #tpu.memory_space<vmem>> -> memref<1x16x128xf32, #tpu.memory_space<vmem>>
      %dma_start3A_190 = tpu.memref_squeeze %dma_start3A_189 : memref<1x16x128xf32, #tpu.memory_space<vmem>> -> memref<16x128xf32, #tpu.memory_space<vmem>>
      %dma_start3A_191 = arith.constant 0 : i32
      %dma_start3A_192 = tpu.memref_slice %arg2[%dma_start3A_191, %mul3A_185] : memref<16x2600000xf32, #tpu.memory_space<hbm>> -> memref<16x128xf32, #tpu.memory_space<hbm>>
      %dma_start3A_193 = arith.constant 0 : i32
      %dma_start3A_194 = arith.constant 0 : i32
      %dma_start3A_195 = tpu.memref_slice %arg6[%dma_start3A_186, %dma_start3A_193, %dma_start3A_194] : memref<8x16x128xf32, #tpu.memory_space<vmem>> -> memref<1x16x128xf32, #tpu.memory_space<vmem>>
      %dma_start3A_196 = tpu.memref_squeeze %dma_start3A_195 : memref<1x16x128xf32, #tpu.memory_space<vmem>> -> memref<16x128xf32, #tpu.memory_space<vmem>>
      %dma_start3A_197 = arith.constant 0 : i32
      %dma_start3A_198 = tpu.memref_slice %arg2[%dma_start3A_197, %mul3A_185] : memref<16x2600000xf32, #tpu.memory_space<hbm>> -> memref<16x128xf32, #tpu.memory_space<hbm>>
      tpu.enqueue_dma source(%dma_start3A_198 : memref<16x128xf32, #tpu.memory_space<hbm>>) target(%dma_start3A_196 : memref<16x128xf32, #tpu.memory_space<vmem>>) target_semaphore(%arg10 : memref<!tpu.dma_semaphore, #tpu.memory_space<semaphore_mem>>)
      %mul3A_199 = arith.constant 8 : i32
      %mul3A_200 = arith.muli %add3A_28, %mul3A_199 : i32
      %add3A_201 = arith.constant 1 : i32
      %add3A_202 = arith.addi %mul3A_200, %add3A_201 : i32
      %mul3A_203 = arith.constant 128 : i32
      %mul3A_204 = arith.muli %add3A_202, %mul3A_203 : i32
      %dma_start3A_205 = arith.constant 1 : i32
      %dma_start3A_206 = arith.constant 0 : i32
      %dma_start3A_207 = arith.constant 0 : i32
      %dma_start3A_208 = tpu.memref_slice %arg6[%dma_start3A_205, %dma_start3A_206, %dma_start3A_207] : memref<8x16x128xf32, #tpu.memory_space<vmem>> -> memref<1x16x128xf32, #tpu.memory_space<vmem>>
      %dma_start3A_209 = tpu.memref_squeeze %dma_start3A_208 : memref<1x16x128xf32, #tpu.memory_space<vmem>> -> memref<16x128xf32, #tpu.memory_space<vmem>>
      %dma_start3A_210 = arith.constant 0 : i32
      %dma_start3A_211 = tpu.memref_slice %arg2[%dma_start3A_210, %mul3A_204] : memref<16x2600000xf32, #tpu.memory_space<hbm>> -> memref<16x128xf32, #tpu.memory_space<hbm>>
      %dma_start3A_212 = arith.constant 0 : i32
      %dma_start3A_213 = arith.constant 0 : i32
      %dma_start3A_214 = tpu.memref_slice %arg6[%dma_start3A_205, %dma_start3A_212, %dma_start3A_213] : memref<8x16x128xf32, #tpu.memory_space<vmem>> -> memref<1x16x128xf32, #tpu.memory_space<vmem>>
      %dma_start3A_215 = tpu.memref_squeeze %dma_start3A_214 : memref<1x16x128xf32, #tpu.memory_space<vmem>> -> memref<16x128xf32, #tpu.memory_space<vmem>>
      %dma_start3A_216 = arith.constant 0 : i32
      %dma_start3A_217 = tpu.memref_slice %arg2[%dma_start3A_216, %mul3A_204] : memref<16x2600000xf32, #tpu.memory_space<hbm>> -> memref<16x128xf32, #tpu.memory_space<hbm>>
      tpu.enqueue_dma source(%dma_start3A_217 : memref<16x128xf32, #tpu.memory_space<hbm>>) target(%dma_start3A_215 : memref<16x128xf32, #tpu.memory_space<vmem>>) target_semaphore(%arg10 : memref<!tpu.dma_semaphore, #tpu.memory_space<semaphore_mem>>)
      %mul3A_218 = arith.constant 8 : i32
      %mul3A_219 = arith.muli %add3A_28, %mul3A_218 : i32
      %add3A_220 = arith.constant 2 : i32
      %add3A_221 = arith.addi %mul3A_219, %add3A_220 : i32
      %mul3A_222 = arith.constant 128 : i32
      %mul3A_223 = arith.muli %add3A_221, %mul3A_222 : i32
      %dma_start3A_224 = arith.constant 2 : i32
      %dma_start3A_225 = arith.constant 0 : i32
      %dma_start3A_226 = arith.constant 0 : i32
      %dma_start3A_227 = tpu.memref_slice %arg6[%dma_start3A_224, %dma_start3A_225, %dma_start3A_226] : memref<8x16x128xf32, #tpu.memory_space<vmem>> -> memref<1x16x128xf32, #tpu.memory_space<vmem>>
      %dma_start3A_228 = tpu.memref_squeeze %dma_start3A_227 : memref<1x16x128xf32, #tpu.memory_space<vmem>> -> memref<16x128xf32, #tpu.memory_space<vmem>>
      %dma_start3A_229 = arith.constant 0 : i32
      %dma_start3A_230 = tpu.memref_slice %arg2[%dma_start3A_229, %mul3A_223] : memref<16x2600000xf32, #tpu.memory_space<hbm>> -> memref<16x128xf32, #tpu.memory_space<hbm>>
      %dma_start3A_231 = arith.constant 0 : i32
      %dma_start3A_232 = arith.constant 0 : i32
      %dma_start3A_233 = tpu.memref_slice %arg6[%dma_start3A_224, %dma_start3A_231, %dma_start3A_232] : memref<8x16x128xf32, #tpu.memory_space<vmem>> -> memref<1x16x128xf32, #tpu.memory_space<vmem>>
      %dma_start3A_234 = tpu.memref_squeeze %dma_start3A_233 : memref<1x16x128xf32, #tpu.memory_space<vmem>> -> memref<16x128xf32, #tpu.memory_space<vmem>>
      %dma_start3A_235 = arith.constant 0 : i32
      %dma_start3A_236 = tpu.memref_slice %arg2[%dma_start3A_235, %mul3A_223] : memref<16x2600000xf32, #tpu.memory_space<hbm>> -> memref<16x128xf32, #tpu.memory_space<hbm>>
      tpu.enqueue_dma source(%dma_start3A_236 : memref<16x128xf32, #tpu.memory_space<hbm>>) target(%dma_start3A_234 : memref<16x128xf32, #tpu.memory_space<vmem>>) target_semaphore(%arg10 : memref<!tpu.dma_semaphore, #tpu.memory_space<semaphore_mem>>)
      %mul3A_237 = arith.constant 8 : i32
      %mul3A_238 = arith.muli %add3A_28, %mul3A_237 : i32
      %add3A_239 = arith.constant 3 : i32
      %add3A_240 = arith.addi %mul3A_238, %add3A_239 : i32
      %mul3A_241 = arith.constant 128 : i32
      %mul3A_242 = arith.muli %add3A_240, %mul3A_241 : i32
      %dma_start3A_243 = arith.constant 3 : i32
      %dma_start3A_244 = arith.constant 0 : i32
      %dma_start3A_245 = arith.constant 0 : i32
      %dma_start3A_246 = tpu.memref_slice %arg6[%dma_start3A_243, %dma_start3A_244, %dma_start3A_245] : memref<8x16x128xf32, #tpu.memory_space<vmem>> -> memref<1x16x128xf32, #tpu.memory_space<vmem>>
      %dma_start3A_247 = tpu.memref_squeeze %dma_start3A_246 : memref<1x16x128xf32, #tpu.memory_space<vmem>> -> memref<16x128xf32, #tpu.memory_space<vmem>>
      %dma_start3A_248 = arith.constant 0 : i32
      %dma_start3A_249 = tpu.memref_slice %arg2[%dma_start3A_248, %mul3A_242] : memref<16x2600000xf32, #tpu.memory_space<hbm>> -> memref<16x128xf32, #tpu.memory_space<hbm>>
      %dma_start3A_250 = arith.constant 0 : i32
      %dma_start3A_251 = arith.constant 0 : i32
      %dma_start3A_252 = tpu.memref_slice %arg6[%dma_start3A_243, %dma_start3A_250, %dma_start3A_251] : memref<8x16x128xf32, #tpu.memory_space<vmem>> -> memref<1x16x128xf32, #tpu.memory_space<vmem>>
      %dma_start3A_253 = tpu.memref_squeeze %dma_start3A_252 : memref<1x16x128xf32, #tpu.memory_space<vmem>> -> memref<16x128xf32, #tpu.memory_space<vmem>>
      %dma_start3A_254 = arith.constant 0 : i32
      %dma_start3A_255 = tpu.memref_slice %arg2[%dma_start3A_254, %mul3A_242] : memref<16x2600000xf32, #tpu.memory_space<hbm>> -> memref<16x128xf32, #tpu.memory_space<hbm>>
      tpu.enqueue_dma source(%dma_start3A_255 : memref<16x128xf32, #tpu.memory_space<hbm>>) target(%dma_start3A_253 : memref<16x128xf32, #tpu.memory_space<vmem>>) target_semaphore(%arg10 : memref<!tpu.dma_semaphore, #tpu.memory_space<semaphore_mem>>)
      %mul3A_256 = arith.constant 8 : i32
      %mul3A_257 = arith.muli %add3A_28, %mul3A_256 : i32
      %add3A_258 = arith.constant 4 : i32
      %add3A_259 = arith.addi %mul3A_257, %add3A_258 : i32
      %mul3A_260 = arith.constant 128 : i32
      %mul3A_261 = arith.muli %add3A_259, %mul3A_260 : i32
      %dma_start3A_262 = arith.constant 4 : i32
      %dma_start3A_263 = arith.constant 0 : i32
      %dma_start3A_264 = arith.constant 0 : i32
      %dma_start3A_265 = tpu.memref_slice %arg6[%dma_start3A_262, %dma_start3A_263, %dma_start3A_264] : memref<8x16x128xf32, #tpu.memory_space<vmem>> -> memref<1x16x128xf32, #tpu.memory_space<vmem>>
      %dma_start3A_266 = tpu.memref_squeeze %dma_start3A_265 : memref<1x16x128xf32, #tpu.memory_space<vmem>> -> memref<16x128xf32, #tpu.memory_space<vmem>>
      %dma_start3A_267 = arith.constant 0 : i32
      %dma_start3A_268 = tpu.memref_slice %arg2[%dma_start3A_267, %mul3A_261] : memref<16x2600000xf32, #tpu.memory_space<hbm>> -> memref<16x128xf32, #tpu.memory_space<hbm>>
      %dma_start3A_269 = arith.constant 0 : i32
      %dma_start3A_270 = arith.constant 0 : i32
      %dma_start3A_271 = tpu.memref_slice %arg6[%dma_start3A_262, %dma_start3A_269, %dma_start3A_270] : memref<8x16x128xf32, #tpu.memory_space<vmem>> -> memref<1x16x128xf32, #tpu.memory_space<vmem>>
      %dma_start3A_272 = tpu.memref_squeeze %dma_start3A_271 : memref<1x16x128xf32, #tpu.memory_space<vmem>> -> memref<16x128xf32, #tpu.memory_space<vmem>>
      %dma_start3A_273 = arith.constant 0 : i32
      %dma_start3A_274 = tpu.memref_slice %arg2[%dma_start3A_273, %mul3A_261] : memref<16x2600000xf32, #tpu.memory_space<hbm>> -> memref<16x128xf32, #tpu.memory_space<hbm>>
      tpu.enqueue_dma source(%dma_start3A_274 : memref<16x128xf32, #tpu.memory_space<hbm>>) target(%dma_start3A_272 : memref<16x128xf32, #tpu.memory_space<vmem>>) target_semaphore(%arg10 : memref<!tpu.dma_semaphore, #tpu.memory_space<semaphore_mem>>)
      %mul3A_275 = arith.constant 8 : i32
      %mul3A_276 = arith.muli %add3A_28, %mul3A_275 : i32
      %add3A_277 = arith.constant 5 : i32
      %add3A_278 = arith.addi %mul3A_276, %add3A_277 : i32
      %mul3A_279 = arith.constant 128 : i32
      %mul3A_280 = arith.muli %add3A_278, %mul3A_279 : i32
      %dma_start3A_281 = arith.constant 5 : i32
      %dma_start3A_282 = arith.constant 0 : i32
      %dma_start3A_283 = arith.constant 0 : i32
      %dma_start3A_284 = tpu.memref_slice %arg6[%dma_start3A_281, %dma_start3A_282, %dma_start3A_283] : memref<8x16x128xf32, #tpu.memory_space<vmem>> -> memref<1x16x128xf32, #tpu.memory_space<vmem>>
      %dma_start3A_285 = tpu.memref_squeeze %dma_start3A_284 : memref<1x16x128xf32, #tpu.memory_space<vmem>> -> memref<16x128xf32, #tpu.memory_space<vmem>>
      %dma_start3A_286 = arith.constant 0 : i32
      %dma_start3A_287 = tpu.memref_slice %arg2[%dma_start3A_286, %mul3A_280] : memref<16x2600000xf32, #tpu.memory_space<hbm>> -> memref<16x128xf32, #tpu.memory_space<hbm>>
      %dma_start3A_288 = arith.constant 0 : i32
      %dma_start3A_289 = arith.constant 0 : i32
      %dma_start3A_290 = tpu.memref_slice %arg6[%dma_start3A_281, %dma_start3A_288, %dma_start3A_289] : memref<8x16x128xf32, #tpu.memory_space<vmem>> -> memref<1x16x128xf32, #tpu.memory_space<vmem>>
      %dma_start3A_291 = tpu.memref_squeeze %dma_start3A_290 : memref<1x16x128xf32, #tpu.memory_space<vmem>> -> memref<16x128xf32, #tpu.memory_space<vmem>>
      %dma_start3A_292 = arith.constant 0 : i32
      %dma_start3A_293 = tpu.memref_slice %arg2[%dma_start3A_292, %mul3A_280] : memref<16x2600000xf32, #tpu.memory_space<hbm>> -> memref<16x128xf32, #tpu.memory_space<hbm>>
      tpu.enqueue_dma source(%dma_start3A_293 : memref<16x128xf32, #tpu.memory_space<hbm>>) target(%dma_start3A_291 : memref<16x128xf32, #tpu.memory_space<vmem>>) target_semaphore(%arg10 : memref<!tpu.dma_semaphore, #tpu.memory_space<semaphore_mem>>)
      %mul3A_294 = arith.constant 8 : i32
      %mul3A_295 = arith.muli %add3A_28, %mul3A_294 : i32
      %add3A_296 = arith.constant 6 : i32
      %add3A_297 = arith.addi %mul3A_295, %add3A_296 : i32
      %mul3A_298 = arith.constant 128 : i32
      %mul3A_299 = arith.muli %add3A_297, %mul3A_298 : i32
      %dma_start3A_300 = arith.constant 6 : i32
      %dma_start3A_301 = arith.constant 0 : i32
      %dma_start3A_302 = arith.constant 0 : i32
      %dma_start3A_303 = tpu.memref_slice %arg6[%dma_start3A_300, %dma_start3A_301, %dma_start3A_302] : memref<8x16x128xf32, #tpu.memory_space<vmem>> -> memref<1x16x128xf32, #tpu.memory_space<vmem>>
      %dma_start3A_304 = tpu.memref_squeeze %dma_start3A_303 : memref<1x16x128xf32, #tpu.memory_space<vmem>> -> memref<16x128xf32, #tpu.memory_space<vmem>>
      %dma_start3A_305 = arith.constant 0 : i32
      %dma_start3A_306 = tpu.memref_slice %arg2[%dma_start3A_305, %mul3A_299] : memref<16x2600000xf32, #tpu.memory_space<hbm>> -> memref<16x128xf32, #tpu.memory_space<hbm>>
      %dma_start3A_307 = arith.constant 0 : i32
      %dma_start3A_308 = arith.constant 0 : i32
      %dma_start3A_309 = tpu.memref_slice %arg6[%dma_start3A_300, %dma_start3A_307, %dma_start3A_308] : memref<8x16x128xf32, #tpu.memory_space<vmem>> -> memref<1x16x128xf32, #tpu.memory_space<vmem>>
      %dma_start3A_310 = tpu.memref_squeeze %dma_start3A_309 : memref<1x16x128xf32, #tpu.memory_space<vmem>> -> memref<16x128xf32, #tpu.memory_space<vmem>>
      %dma_start3A_311 = arith.constant 0 : i32
      %dma_start3A_312 = tpu.memref_slice %arg2[%dma_start3A_311, %mul3A_299] : memref<16x2600000xf32, #tpu.memory_space<hbm>> -> memref<16x128xf32, #tpu.memory_space<hbm>>
      tpu.enqueue_dma source(%dma_start3A_312 : memref<16x128xf32, #tpu.memory_space<hbm>>) target(%dma_start3A_310 : memref<16x128xf32, #tpu.memory_space<vmem>>) target_semaphore(%arg10 : memref<!tpu.dma_semaphore, #tpu.memory_space<semaphore_mem>>)
      %mul3A_313 = arith.constant 8 : i32
      %mul3A_314 = arith.muli %add3A_28, %mul3A_313 : i32
      %add3A_315 = arith.constant 7 : i32
      %add3A_316 = arith.addi %mul3A_314, %add3A_315 : i32
      %mul3A_317 = arith.constant 128 : i32
      %mul3A_318 = arith.muli %add3A_316, %mul3A_317 : i32
      %dma_start3A_319 = arith.constant 7 : i32
      %dma_start3A_320 = arith.constant 0 : i32
      %dma_start3A_321 = arith.constant 0 : i32
      %dma_start3A_322 = tpu.memref_slice %arg6[%dma_start3A_319, %dma_start3A_320, %dma_start3A_321] : memref<8x16x128xf32, #tpu.memory_space<vmem>> -> memref<1x16x128xf32, #tpu.memory_space<vmem>>
      %dma_start3A_323 = tpu.memref_squeeze %dma_start3A_322 : memref<1x16x128xf32, #tpu.memory_space<vmem>> -> memref<16x128xf32, #tpu.memory_space<vmem>>
      %dma_start3A_324 = arith.constant 0 : i32
      %dma_start3A_325 = tpu.memref_slice %arg2[%dma_start3A_324, %mul3A_318] : memref<16x2600000xf32, #tpu.memory_space<hbm>> -> memref<16x128xf32, #tpu.memory_space<hbm>>
      %dma_start3A_326 = arith.constant 0 : i32
      %dma_start3A_327 = arith.constant 0 : i32
      %dma_start3A_328 = tpu.memref_slice %arg6[%dma_start3A_319, %dma_start3A_326, %dma_start3A_327] : memref<8x16x128xf32, #tpu.memory_space<vmem>> -> memref<1x16x128xf32, #tpu.memory_space<vmem>>
      %dma_start3A_329 = tpu.memref_squeeze %dma_start3A_328 : memref<1x16x128xf32, #tpu.memory_space<vmem>> -> memref<16x128xf32, #tpu.memory_space<vmem>>
      %dma_start3A_330 = arith.constant 0 : i32
      %dma_start3A_331 = tpu.memref_slice %arg2[%dma_start3A_330, %mul3A_318] : memref<16x2600000xf32, #tpu.memory_space<hbm>> -> memref<16x128xf32, #tpu.memory_space<hbm>>
      tpu.enqueue_dma source(%dma_start3A_331 : memref<16x128xf32, #tpu.memory_space<hbm>>) target(%dma_start3A_329 : memref<16x128xf32, #tpu.memory_space<vmem>>) target_semaphore(%arg10 : memref<!tpu.dma_semaphore, #tpu.memory_space<semaphore_mem>>)
      %dma_wait3A = arith.constant 0 : i32
      %dma_wait3A_332 = arith.constant 0 : i32
      %dma_wait3A_333 = arith.constant 0 : i32
      %dma_wait3A_334 = tpu.memref_slice %arg5[%dma_wait3A, %dma_wait3A_332, %dma_wait3A_333] : memref<8x16x128xf32, #tpu.memory_space<vmem>> -> memref<1x16x128xf32, #tpu.memory_space<vmem>>
      %dma_wait3A_335 = tpu.memref_squeeze %dma_wait3A_334 : memref<1x16x128xf32, #tpu.memory_space<vmem>> -> memref<16x128xf32, #tpu.memory_space<vmem>>
      %dma_wait3A_336 = arith.constant 0 : i32
      %dma_wait3A_337 = tpu.memref_slice %arg2[%dma_wait3A_336, %mul3A_34] : memref<16x2600000xf32, #tpu.memory_space<hbm>> -> memref<16x128xf32, #tpu.memory_space<hbm>>
      %dma_wait3A_338 = arith.constant 0 : i32
      %dma_wait3A_339 = arith.constant 0 : i32
      %dma_wait3A_340 = tpu.memref_slice %arg5[%dma_wait3A, %dma_wait3A_338, %dma_wait3A_339] : memref<8x16x128xf32, #tpu.memory_space<vmem>> -> memref<1x16x128xf32, #tpu.memory_space<vmem>>
      %dma_wait3A_341 = tpu.memref_squeeze %dma_wait3A_340 : memref<1x16x128xf32, #tpu.memory_space<vmem>> -> memref<16x128xf32, #tpu.memory_space<vmem>>
      %dma_wait3A_342 = arith.constant 0 : i32
      %dma_wait3A_343 = tpu.memref_slice %arg2[%dma_wait3A_342, %mul3A_34] : memref<16x2600000xf32, #tpu.memory_space<hbm>> -> memref<16x128xf32, #tpu.memory_space<hbm>>
      tpu.wait_dma2 semaphore(%arg9 : memref<!tpu.dma_semaphore, #tpu.memory_space<semaphore_mem>>) src(%dma_wait3A_343 : memref<16x128xf32, #tpu.memory_space<hbm>>) dst(%dma_wait3A_341 : memref<16x128xf32, #tpu.memory_space<vmem>>)
      %dma_wait3A_344 = arith.constant 1 : i32
      %dma_wait3A_345 = arith.constant 0 : i32
      %dma_wait3A_346 = arith.constant 0 : i32
      %dma_wait3A_347 = tpu.memref_slice %arg5[%dma_wait3A_344, %dma_wait3A_345, %dma_wait3A_346] : memref<8x16x128xf32, #tpu.memory_space<vmem>> -> memref<1x16x128xf32, #tpu.memory_space<vmem>>
      %dma_wait3A_348 = tpu.memref_squeeze %dma_wait3A_347 : memref<1x16x128xf32, #tpu.memory_space<vmem>> -> memref<16x128xf32, #tpu.memory_space<vmem>>
      %dma_wait3A_349 = arith.constant 0 : i32
      %dma_wait3A_350 = tpu.memref_slice %arg2[%dma_wait3A_349, %mul3A_52] : memref<16x2600000xf32, #tpu.memory_space<hbm>> -> memref<16x128xf32, #tpu.memory_space<hbm>>
      %dma_wait3A_351 = arith.constant 0 : i32
      %dma_wait3A_352 = arith.constant 0 : i32
      %dma_wait3A_353 = tpu.memref_slice %arg5[%dma_wait3A_344, %dma_wait3A_351, %dma_wait3A_352] : memref<8x16x128xf32, #tpu.memory_space<vmem>> -> memref<1x16x128xf32, #tpu.memory_space<vmem>>
      %dma_wait3A_354 = tpu.memref_squeeze %dma_wait3A_353 : memref<1x16x128xf32, #tpu.memory_space<vmem>> -> memref<16x128xf32, #tpu.memory_space<vmem>>
      %dma_wait3A_355 = arith.constant 0 : i32
      %dma_wait3A_356 = tpu.memref_slice %arg2[%dma_wait3A_355, %mul3A_52] : memref<16x2600000xf32, #tpu.memory_space<hbm>> -> memref<16x128xf32, #tpu.memory_space<hbm>>
      tpu.wait_dma2 semaphore(%arg9 : memref<!tpu.dma_semaphore, #tpu.memory_space<semaphore_mem>>) src(%dma_wait3A_356 : memref<16x128xf32, #tpu.memory_space<hbm>>) dst(%dma_wait3A_354 : memref<16x128xf32, #tpu.memory_space<vmem>>)
      %dma_wait3A_357 = arith.constant 2 : i32
      %dma_wait3A_358 = arith.constant 0 : i32
      %dma_wait3A_359 = arith.constant 0 : i32
      %dma_wait3A_360 = tpu.memref_slice %arg5[%dma_wait3A_357, %dma_wait3A_358, %dma_wait3A_359] : memref<8x16x128xf32, #tpu.memory_space<vmem>> -> memref<1x16x128xf32, #tpu.memory_space<vmem>>
      %dma_wait3A_361 = tpu.memref_squeeze %dma_wait3A_360 : memref<1x16x128xf32, #tpu.memory_space<vmem>> -> memref<16x128xf32, #tpu.memory_space<vmem>>
      %dma_wait3A_362 = arith.constant 0 : i32
      %dma_wait3A_363 = tpu.memref_slice %arg2[%dma_wait3A_362, %mul3A_71] : memref<16x2600000xf32, #tpu.memory_space<hbm>> -> memref<16x128xf32, #tpu.memory_space<hbm>>
      %dma_wait3A_364 = arith.constant 0 : i32
      %dma_wait3A_365 = arith.constant 0 : i32
      %dma_wait3A_366 = tpu.memref_slice %arg5[%dma_wait3A_357, %dma_wait3A_364, %dma_wait3A_365] : memref<8x16x128xf32, #tpu.memory_space<vmem>> -> memref<1x16x128xf32, #tpu.memory_space<vmem>>
      %dma_wait3A_367 = tpu.memref_squeeze %dma_wait3A_366 : memref<1x16x128xf32, #tpu.memory_space<vmem>> -> memref<16x128xf32, #tpu.memory_space<vmem>>
      %dma_wait3A_368 = arith.constant 0 : i32
      %dma_wait3A_369 = tpu.memref_slice %arg2[%dma_wait3A_368, %mul3A_71] : memref<16x2600000xf32, #tpu.memory_space<hbm>> -> memref<16x128xf32, #tpu.memory_space<hbm>>
      tpu.wait_dma2 semaphore(%arg9 : memref<!tpu.dma_semaphore, #tpu.memory_space<semaphore_mem>>) src(%dma_wait3A_369 : memref<16x128xf32, #tpu.memory_space<hbm>>) dst(%dma_wait3A_367 : memref<16x128xf32, #tpu.memory_space<vmem>>)
      %dma_wait3A_370 = arith.constant 3 : i32
      %dma_wait3A_371 = arith.constant 0 : i32
      %dma_wait3A_372 = arith.constant 0 : i32
      %dma_wait3A_373 = tpu.memref_slice %arg5[%dma_wait3A_370, %dma_wait3A_371, %dma_wait3A_372] : memref<8x16x128xf32, #tpu.memory_space<vmem>> -> memref<1x16x128xf32, #tpu.memory_space<vmem>>
      %dma_wait3A_374 = tpu.memref_squeeze %dma_wait3A_373 : memref<1x16x128xf32, #tpu.memory_space<vmem>> -> memref<16x128xf32, #tpu.memory_space<vmem>>
      %dma_wait3A_375 = arith.constant 0 : i32
      %dma_wait3A_376 = tpu.memref_slice %arg2[%dma_wait3A_375, %mul3A_90] : memref<16x2600000xf32, #tpu.memory_space<hbm>> -> memref<16x128xf32, #tpu.memory_space<hbm>>
      %dma_wait3A_377 = arith.constant 0 : i32
      %dma_wait3A_378 = arith.constant 0 : i32
      %dma_wait3A_379 = tpu.memref_slice %arg5[%dma_wait3A_370, %dma_wait3A_377, %dma_wait3A_378] : memref<8x16x128xf32, #tpu.memory_space<vmem>> -> memref<1x16x128xf32, #tpu.memory_space<vmem>>
      %dma_wait3A_380 = tpu.memref_squeeze %dma_wait3A_379 : memref<1x16x128xf32, #tpu.memory_space<vmem>> -> memref<16x128xf32, #tpu.memory_space<vmem>>
      %dma_wait3A_381 = arith.constant 0 : i32
      %dma_wait3A_382 = tpu.memref_slice %arg2[%dma_wait3A_381, %mul3A_90] : memref<16x2600000xf32, #tpu.memory_space<hbm>> -> memref<16x128xf32, #tpu.memory_space<hbm>>
      tpu.wait_dma2 semaphore(%arg9 : memref<!tpu.dma_semaphore, #tpu.memory_space<semaphore_mem>>) src(%dma_wait3A_382 : memref<16x128xf32, #tpu.memory_space<hbm>>) dst(%dma_wait3A_380 : memref<16x128xf32, #tpu.memory_space<vmem>>)
      %dma_wait3A_383 = arith.constant 4 : i32
      %dma_wait3A_384 = arith.constant 0 : i32
      %dma_wait3A_385 = arith.constant 0 : i32
      %dma_wait3A_386 = tpu.memref_slice %arg5[%dma_wait3A_383, %dma_wait3A_384, %dma_wait3A_385] : memref<8x16x128xf32, #tpu.memory_space<vmem>> -> memref<1x16x128xf32, #tpu.memory_space<vmem>>
      %dma_wait3A_387 = tpu.memref_squeeze %dma_wait3A_386 : memref<1x16x128xf32, #tpu.memory_space<vmem>> -> memref<16x128xf32, #tpu.memory_space<vmem>>
      %dma_wait3A_388 = arith.constant 0 : i32
      %dma_wait3A_389 = tpu.memref_slice %arg2[%dma_wait3A_388, %mul3A_109] : memref<16x2600000xf32, #tpu.memory_space<hbm>> -> memref<16x128xf32, #tpu.memory_space<hbm>>
      %dma_wait3A_390 = arith.constant 0 : i32
      %dma_wait3A_391 = arith.constant 0 : i32
      %dma_wait3A_392 = tpu.memref_slice %arg5[%dma_wait3A_383, %dma_wait3A_390, %dma_wait3A_391] : memref<8x16x128xf32, #tpu.memory_space<vmem>> -> memref<1x16x128xf32, #tpu.memory_space<vmem>>
      %dma_wait3A_393 = tpu.memref_squeeze %dma_wait3A_392 : memref<1x16x128xf32, #tpu.memory_space<vmem>> -> memref<16x128xf32, #tpu.memory_space<vmem>>
      %dma_wait3A_394 = arith.constant 0 : i32
      %dma_wait3A_395 = tpu.memref_slice %arg2[%dma_wait3A_394, %mul3A_109] : memref<16x2600000xf32, #tpu.memory_space<hbm>> -> memref<16x128xf32, #tpu.memory_space<hbm>>
      tpu.wait_dma2 semaphore(%arg9 : memref<!tpu.dma_semaphore, #tpu.memory_space<semaphore_mem>>) src(%dma_wait3A_395 : memref<16x128xf32, #tpu.memory_space<hbm>>) dst(%dma_wait3A_393 : memref<16x128xf32, #tpu.memory_space<vmem>>)
      %dma_wait3A_396 = arith.constant 5 : i32
      %dma_wait3A_397 = arith.constant 0 : i32
      %dma_wait3A_398 = arith.constant 0 : i32
      %dma_wait3A_399 = tpu.memref_slice %arg5[%dma_wait3A_396, %dma_wait3A_397, %dma_wait3A_398] : memref<8x16x128xf32, #tpu.memory_space<vmem>> -> memref<1x16x128xf32, #tpu.memory_space<vmem>>
      %dma_wait3A_400 = tpu.memref_squeeze %dma_wait3A_399 : memref<1x16x128xf32, #tpu.memory_space<vmem>> -> memref<16x128xf32, #tpu.memory_space<vmem>>
      %dma_wait3A_401 = arith.constant 0 : i32
      %dma_wait3A_402 = tpu.memref_slice %arg2[%dma_wait3A_401, %mul3A_128] : memref<16x2600000xf32, #tpu.memory_space<hbm>> -> memref<16x128xf32, #tpu.memory_space<hbm>>
      %dma_wait3A_403 = arith.constant 0 : i32
      %dma_wait3A_404 = arith.constant 0 : i32
      %dma_wait3A_405 = tpu.memref_slice %arg5[%dma_wait3A_396, %dma_wait3A_403, %dma_wait3A_404] : memref<8x16x128xf32, #tpu.memory_space<vmem>> -> memref<1x16x128xf32, #tpu.memory_space<vmem>>
      %dma_wait3A_406 = tpu.memref_squeeze %dma_wait3A_405 : memref<1x16x128xf32, #tpu.memory_space<vmem>> -> memref<16x128xf32, #tpu.memory_space<vmem>>
      %dma_wait3A_407 = arith.constant 0 : i32
      %dma_wait3A_408 = tpu.memref_slice %arg2[%dma_wait3A_407, %mul3A_128] : memref<16x2600000xf32, #tpu.memory_space<hbm>> -> memref<16x128xf32, #tpu.memory_space<hbm>>
      tpu.wait_dma2 semaphore(%arg9 : memref<!tpu.dma_semaphore, #tpu.memory_space<semaphore_mem>>) src(%dma_wait3A_408 : memref<16x128xf32, #tpu.memory_space<hbm>>) dst(%dma_wait3A_406 : memref<16x128xf32, #tpu.memory_space<vmem>>)
      %dma_wait3A_409 = arith.constant 6 : i32
      %dma_wait3A_410 = arith.constant 0 : i32
      %dma_wait3A_411 = arith.constant 0 : i32
      %dma_wait3A_412 = tpu.memref_slice %arg5[%dma_wait3A_409, %dma_wait3A_410, %dma_wait3A_411] : memref<8x16x128xf32, #tpu.memory_space<vmem>> -> memref<1x16x128xf32, #tpu.memory_space<vmem>>
      %dma_wait3A_413 = tpu.memref_squeeze %dma_wait3A_412 : memref<1x16x128xf32, #tpu.memory_space<vmem>> -> memref<16x128xf32, #tpu.memory_space<vmem>>
      %dma_wait3A_414 = arith.constant 0 : i32
      %dma_wait3A_415 = tpu.memref_slice %arg2[%dma_wait3A_414, %mul3A_147] : memref<16x2600000xf32, #tpu.memory_space<hbm>> -> memref<16x128xf32, #tpu.memory_space<hbm>>
      %dma_wait3A_416 = arith.constant 0 : i32
      %dma_wait3A_417 = arith.constant 0 : i32
      %dma_wait3A_418 = tpu.memref_slice %arg5[%dma_wait3A_409, %dma_wait3A_416, %dma_wait3A_417] : memref<8x16x128xf32, #tpu.memory_space<vmem>> -> memref<1x16x128xf32, #tpu.memory_space<vmem>>
      %dma_wait3A_419 = tpu.memref_squeeze %dma_wait3A_418 : memref<1x16x128xf32, #tpu.memory_space<vmem>> -> memref<16x128xf32, #tpu.memory_space<vmem>>
      %dma_wait3A_420 = arith.constant 0 : i32
      %dma_wait3A_421 = tpu.memref_slice %arg2[%dma_wait3A_420, %mul3A_147] : memref<16x2600000xf32, #tpu.memory_space<hbm>> -> memref<16x128xf32, #tpu.memory_space<hbm>>
      tpu.wait_dma2 semaphore(%arg9 : memref<!tpu.dma_semaphore, #tpu.memory_space<semaphore_mem>>) src(%dma_wait3A_421 : memref<16x128xf32, #tpu.memory_space<hbm>>) dst(%dma_wait3A_419 : memref<16x128xf32, #tpu.memory_space<vmem>>)
      %dma_wait3A_422 = arith.constant 7 : i32
      %dma_wait3A_423 = arith.constant 0 : i32
      %dma_wait3A_424 = arith.constant 0 : i32
      %dma_wait3A_425 = tpu.memref_slice %arg5[%dma_wait3A_422, %dma_wait3A_423, %dma_wait3A_424] : memref<8x16x128xf32, #tpu.memory_space<vmem>> -> memref<1x16x128xf32, #tpu.memory_space<vmem>>
      %dma_wait3A_426 = tpu.memref_squeeze %dma_wait3A_425 : memref<1x16x128xf32, #tpu.memory_space<vmem>> -> memref<16x128xf32, #tpu.memory_space<vmem>>
      %dma_wait3A_427 = arith.constant 0 : i32
      %dma_wait3A_428 = tpu.memref_slice %arg2[%dma_wait3A_427, %mul3A_166] : memref<16x2600000xf32, #tpu.memory_space<hbm>> -> memref<16x128xf32, #tpu.memory_space<hbm>>
      %dma_wait3A_429 = arith.constant 0 : i32
      %dma_wait3A_430 = arith.constant 0 : i32
      %dma_wait3A_431 = tpu.memref_slice %arg5[%dma_wait3A_422, %dma_wait3A_429, %dma_wait3A_430] : memref<8x16x128xf32, #tpu.memory_space<vmem>> -> memref<1x16x128xf32, #tpu.memory_space<vmem>>
      %dma_wait3A_432 = tpu.memref_squeeze %dma_wait3A_431 : memref<1x16x128xf32, #tpu.memory_space<vmem>> -> memref<16x128xf32, #tpu.memory_space<vmem>>
      %dma_wait3A_433 = arith.constant 0 : i32
      %dma_wait3A_434 = tpu.memref_slice %arg2[%dma_wait3A_433, %mul3A_166] : memref<16x2600000xf32, #tpu.memory_space<hbm>> -> memref<16x128xf32, #tpu.memory_space<hbm>>
      tpu.wait_dma2 semaphore(%arg9 : memref<!tpu.dma_semaphore, #tpu.memory_space<semaphore_mem>>) src(%dma_wait3A_434 : memref<16x128xf32, #tpu.memory_space<hbm>>) dst(%dma_wait3A_432 : memref<16x128xf32, #tpu.memory_space<vmem>>)
      %parallel_loop3A = arith.constant 0 : i32
      %parallel_loop3A_435 = arith.constant 1024 : i32
      %parallel_loop3A_436 = arith.constant 1 : i32
      scf.for %parallel_loop3A_556 = %parallel_loop3A to %parallel_loop3A_435 step %parallel_loop3A_436  : i32 {
        %parallel_loop3A_557 = arith.constant 3 : i32
        %parallel_loop3A_558 = arith.shrsi %parallel_loop3A_556, %parallel_loop3A_557 : i32
        %parallel_loop3A_559 = arith.constant 7 : i32
        %parallel_loop3A_560 = arith.andi %parallel_loop3A_556, %parallel_loop3A_559 : i32
        %parallel_loop3A_561 = arith.constant 4 : i32
        %parallel_loop3A_562 = arith.shrsi %parallel_loop3A_558, %parallel_loop3A_561 : i32
        %parallel_loop3A_563 = arith.constant 15 : i32
        %parallel_loop3A_564 = arith.andi %parallel_loop3A_558, %parallel_loop3A_563 : i32
        %parallel_loop3A_565 = arith.constant 16 : i32
        %parallel_loop3A_566 = arith.muli %parallel_loop3A_560, %parallel_loop3A_565 : i32
        %parallel_loop3A_567 = arith.index_cast %parallel_loop3A_562 : i32 to index
        %parallel_loop3A_568 = arith.index_cast %parallel_loop3A_564 : i32 to index
        %parallel_loop3A_569 = arith.index_cast %parallel_loop3A_566 : i32 to index
        %parallel_loop3A_570 = tpu.vector_load %arg5[%parallel_loop3A_567, %parallel_loop3A_568, %parallel_loop3A_569] {strides = array<i32>} : memref<8x16x128xf32, #tpu.memory_space<vmem>>, vector<16xf32>,
        %parallel_loop3A_571 = arith.constant 2048 : i32
        %parallel_loop3A_572 = arith.muli %parallel_loop3A_562, %parallel_loop3A_571 : i32
        %parallel_loop3A_573 = arith.constant 256 : i32
        %parallel_loop3A_574 = arith.muli %parallel_loop3A_560, %parallel_loop3A_573 : i32
        %parallel_loop3A_575 = arith.addi %parallel_loop3A_572, %parallel_loop3A_574 : i32
        %parallel_loop3A_576 = arith.addi %parallel_loop3A_575, %parallel_loop3A_564 : i32
        %parallel_loop3A_577 = vector.broadcast %parallel_loop3A_576 : i32 to vector<16xi32>
        %parallel_loop3A_578 = arith.addi %mul3A_10, %parallel_loop3A_577 : vector<16xi32>
        tpu.vector_store_idx %arg7[%parallel_loop3A_578], %parallel_loop3A_570 : memref<16384xf32, #tpu.memory_space<vmem>>[vector<16xi32>], vector<16xf32>,
      } {sc.loop_unroll_factor = 16 : i64, sc.parallel_access}
      %mul3A_437 = arith.constant 16384 : i32
      %mul3A_438 = arith.muli %mul3A_26, %mul3A_437 : i32
      %dma_start3A_439 = tpu.memref_slice %arg4[%mul3A_438] : memref<41600000xf32, #tpu.memory_space<hbm>> -> memref<16384xf32, #tpu.memory_space<hbm>>
      %dma_start3A_440 = tpu.memref_slice %arg4[%mul3A_438] : memref<41600000xf32, #tpu.memory_space<hbm>> -> memref<16384xf32, #tpu.memory_space<hbm>>
      tpu.enqueue_dma source(%arg7 : memref<16384xf32, #tpu.memory_space<vmem>>) target(%dma_start3A_440 : memref<16384xf32, #tpu.memory_space<hbm>>) target_semaphore(%arg9 : memref<!tpu.dma_semaphore, #tpu.memory_space<semaphore_mem>>)
      %dma_wait3A_441 = arith.constant 0 : i32
      %dma_wait3A_442 = arith.constant 0 : i32
      %dma_wait3A_443 = arith.constant 0 : i32
      %dma_wait3A_444 = tpu.memref_slice %arg6[%dma_wait3A_441, %dma_wait3A_442, %dma_wait3A_443] : memref<8x16x128xf32, #tpu.memory_space<vmem>> -> memref<1x16x128xf32, #tpu.memory_space<vmem>>
      %dma_wait3A_445 = tpu.memref_squeeze %dma_wait3A_444 : memref<1x16x128xf32, #tpu.memory_space<vmem>> -> memref<16x128xf32, #tpu.memory_space<vmem>>
      %dma_wait3A_446 = arith.constant 0 : i32
      %dma_wait3A_447 = tpu.memref_slice %arg2[%dma_wait3A_446, %mul3A_185] : memref<16x2600000xf32, #tpu.memory_space<hbm>> -> memref<16x128xf32, #tpu.memory_space<hbm>>
      %dma_wait3A_448 = arith.constant 0 : i32
      %dma_wait3A_449 = arith.constant 0 : i32
      %dma_wait3A_450 = tpu.memref_slice %arg6[%dma_wait3A_441, %dma_wait3A_448, %dma_wait3A_449] : memref<8x16x128xf32, #tpu.memory_space<vmem>> -> memref<1x16x128xf32, #tpu.memory_space<vmem>>
      %dma_wait3A_451 = tpu.memref_squeeze %dma_wait3A_450 : memref<1x16x128xf32, #tpu.memory_space<vmem>> -> memref<16x128xf32, #tpu.memory_space<vmem>>
      %dma_wait3A_452 = arith.constant 0 : i32
      %dma_wait3A_453 = tpu.memref_slice %arg2[%dma_wait3A_452, %mul3A_185] : memref<16x2600000xf32, #tpu.memory_space<hbm>> -> memref<16x128xf32, #tpu.memory_space<hbm>>
      tpu.wait_dma2 semaphore(%arg10 : memref<!tpu.dma_semaphore, #tpu.memory_space<semaphore_mem>>) src(%dma_wait3A_453 : memref<16x128xf32, #tpu.memory_space<hbm>>) dst(%dma_wait3A_451 : memref<16x128xf32, #tpu.memory_space<vmem>>)
      %dma_wait3A_454 = arith.constant 1 : i32
      %dma_wait3A_455 = arith.constant 0 : i32
      %dma_wait3A_456 = arith.constant 0 : i32
      %dma_wait3A_457 = tpu.memref_slice %arg6[%dma_wait3A_454, %dma_wait3A_455, %dma_wait3A_456] : memref<8x16x128xf32, #tpu.memory_space<vmem>> -> memref<1x16x128xf32, #tpu.memory_space<vmem>>
      %dma_wait3A_458 = tpu.memref_squeeze %dma_wait3A_457 : memref<1x16x128xf32, #tpu.memory_space<vmem>> -> memref<16x128xf32, #tpu.memory_space<vmem>>
      %dma_wait3A_459 = arith.constant 0 : i32
      %dma_wait3A_460 = tpu.memref_slice %arg2[%dma_wait3A_459, %mul3A_204] : memref<16x2600000xf32, #tpu.memory_space<hbm>> -> memref<16x128xf32, #tpu.memory_space<hbm>>
      %dma_wait3A_461 = arith.constant 0 : i32
      %dma_wait3A_462 = arith.constant 0 : i32
      %dma_wait3A_463 = tpu.memref_slice %arg6[%dma_wait3A_454, %dma_wait3A_461, %dma_wait3A_462] : memref<8x16x128xf32, #tpu.memory_space<vmem>> -> memref<1x16x128xf32, #tpu.memory_space<vmem>>
      %dma_wait3A_464 = tpu.memref_squeeze %dma_wait3A_463 : memref<1x16x128xf32, #tpu.memory_space<vmem>> -> memref<16x128xf32, #tpu.memory_space<vmem>>
      %dma_wait3A_465 = arith.constant 0 : i32
      %dma_wait3A_466 = tpu.memref_slice %arg2[%dma_wait3A_465, %mul3A_204] : memref<16x2600000xf32, #tpu.memory_space<hbm>> -> memref<16x128xf32, #tpu.memory_space<hbm>>
      tpu.wait_dma2 semaphore(%arg10 : memref<!tpu.dma_semaphore, #tpu.memory_space<semaphore_mem>>) src(%dma_wait3A_466 : memref<16x128xf32, #tpu.memory_space<hbm>>) dst(%dma_wait3A_464 : memref<16x128xf32, #tpu.memory_space<vmem>>)
      %dma_wait3A_467 = arith.constant 2 : i32
      %dma_wait3A_468 = arith.constant 0 : i32
      %dma_wait3A_469 = arith.constant 0 : i32
      %dma_wait3A_470 = tpu.memref_slice %arg6[%dma_wait3A_467, %dma_wait3A_468, %dma_wait3A_469] : memref<8x16x128xf32, #tpu.memory_space<vmem>> -> memref<1x16x128xf32, #tpu.memory_space<vmem>>
      %dma_wait3A_471 = tpu.memref_squeeze %dma_wait3A_470 : memref<1x16x128xf32, #tpu.memory_space<vmem>> -> memref<16x128xf32, #tpu.memory_space<vmem>>
      %dma_wait3A_472 = arith.constant 0 : i32
      %dma_wait3A_473 = tpu.memref_slice %arg2[%dma_wait3A_472, %mul3A_223] : memref<16x2600000xf32, #tpu.memory_space<hbm>> -> memref<16x128xf32, #tpu.memory_space<hbm>>
      %dma_wait3A_474 = arith.constant 0 : i32
      %dma_wait3A_475 = arith.constant 0 : i32
      %dma_wait3A_476 = tpu.memref_slice %arg6[%dma_wait3A_467, %dma_wait3A_474, %dma_wait3A_475] : memref<8x16x128xf32, #tpu.memory_space<vmem>> -> memref<1x16x128xf32, #tpu.memory_space<vmem>>
      %dma_wait3A_477 = tpu.memref_squeeze %dma_wait3A_476 : memref<1x16x128xf32, #tpu.memory_space<vmem>> -> memref<16x128xf32, #tpu.memory_space<vmem>>
      %dma_wait3A_478 = arith.constant 0 : i32
      %dma_wait3A_479 = tpu.memref_slice %arg2[%dma_wait3A_478, %mul3A_223] : memref<16x2600000xf32, #tpu.memory_space<hbm>> -> memref<16x128xf32, #tpu.memory_space<hbm>>
      tpu.wait_dma2 semaphore(%arg10 : memref<!tpu.dma_semaphore, #tpu.memory_space<semaphore_mem>>) src(%dma_wait3A_479 : memref<16x128xf32, #tpu.memory_space<hbm>>) dst(%dma_wait3A_477 : memref<16x128xf32, #tpu.memory_space<vmem>>)
      %dma_wait3A_480 = arith.constant 3 : i32
      %dma_wait3A_481 = arith.constant 0 : i32
      %dma_wait3A_482 = arith.constant 0 : i32
      %dma_wait3A_483 = tpu.memref_slice %arg6[%dma_wait3A_480, %dma_wait3A_481, %dma_wait3A_482] : memref<8x16x128xf32, #tpu.memory_space<vmem>> -> memref<1x16x128xf32, #tpu.memory_space<vmem>>
      %dma_wait3A_484 = tpu.memref_squeeze %dma_wait3A_483 : memref<1x16x128xf32, #tpu.memory_space<vmem>> -> memref<16x128xf32, #tpu.memory_space<vmem>>
      %dma_wait3A_485 = arith.constant 0 : i32
      %dma_wait3A_486 = tpu.memref_slice %arg2[%dma_wait3A_485, %mul3A_242] : memref<16x2600000xf32, #tpu.memory_space<hbm>> -> memref<16x128xf32, #tpu.memory_space<hbm>>
      %dma_wait3A_487 = arith.constant 0 : i32
      %dma_wait3A_488 = arith.constant 0 : i32
      %dma_wait3A_489 = tpu.memref_slice %arg6[%dma_wait3A_480, %dma_wait3A_487, %dma_wait3A_488] : memref<8x16x128xf32, #tpu.memory_space<vmem>> -> memref<1x16x128xf32, #tpu.memory_space<vmem>>
      %dma_wait3A_490 = tpu.memref_squeeze %dma_wait3A_489 : memref<1x16x128xf32, #tpu.memory_space<vmem>> -> memref<16x128xf32, #tpu.memory_space<vmem>>
      %dma_wait3A_491 = arith.constant 0 : i32
      %dma_wait3A_492 = tpu.memref_slice %arg2[%dma_wait3A_491, %mul3A_242] : memref<16x2600000xf32, #tpu.memory_space<hbm>> -> memref<16x128xf32, #tpu.memory_space<hbm>>
      tpu.wait_dma2 semaphore(%arg10 : memref<!tpu.dma_semaphore, #tpu.memory_space<semaphore_mem>>) src(%dma_wait3A_492 : memref<16x128xf32, #tpu.memory_space<hbm>>) dst(%dma_wait3A_490 : memref<16x128xf32, #tpu.memory_space<vmem>>)
      %dma_wait3A_493 = arith.constant 4 : i32
      %dma_wait3A_494 = arith.constant 0 : i32
      %dma_wait3A_495 = arith.constant 0 : i32
      %dma_wait3A_496 = tpu.memref_slice %arg6[%dma_wait3A_493, %dma_wait3A_494, %dma_wait3A_495] : memref<8x16x128xf32, #tpu.memory_space<vmem>> -> memref<1x16x128xf32, #tpu.memory_space<vmem>>
      %dma_wait3A_497 = tpu.memref_squeeze %dma_wait3A_496 : memref<1x16x128xf32, #tpu.memory_space<vmem>> -> memref<16x128xf32, #tpu.memory_space<vmem>>
      %dma_wait3A_498 = arith.constant 0 : i32
      %dma_wait3A_499 = tpu.memref_slice %arg2[%dma_wait3A_498, %mul3A_261] : memref<16x2600000xf32, #tpu.memory_space<hbm>> -> memref<16x128xf32, #tpu.memory_space<hbm>>
      %dma_wait3A_500 = arith.constant 0 : i32
      %dma_wait3A_501 = arith.constant 0 : i32
      %dma_wait3A_502 = tpu.memref_slice %arg6[%dma_wait3A_493, %dma_wait3A_500, %dma_wait3A_501] : memref<8x16x128xf32, #tpu.memory_space<vmem>> -> memref<1x16x128xf32, #tpu.memory_space<vmem>>
      %dma_wait3A_503 = tpu.memref_squeeze %dma_wait3A_502 : memref<1x16x128xf32, #tpu.memory_space<vmem>> -> memref<16x128xf32, #tpu.memory_space<vmem>>
      %dma_wait3A_504 = arith.constant 0 : i32
      %dma_wait3A_505 = tpu.memref_slice %arg2[%dma_wait3A_504, %mul3A_261] : memref<16x2600000xf32, #tpu.memory_space<hbm>> -> memref<16x128xf32, #tpu.memory_space<hbm>>
      tpu.wait_dma2 semaphore(%arg10 : memref<!tpu.dma_semaphore, #tpu.memory_space<semaphore_mem>>) src(%dma_wait3A_505 : memref<16x128xf32, #tpu.memory_space<hbm>>) dst(%dma_wait3A_503 : memref<16x128xf32, #tpu.memory_space<vmem>>)
      %dma_wait3A_506 = arith.constant 5 : i32
      %dma_wait3A_507 = arith.constant 0 : i32
      %dma_wait3A_508 = arith.constant 0 : i32
      %dma_wait3A_509 = tpu.memref_slice %arg6[%dma_wait3A_506, %dma_wait3A_507, %dma_wait3A_508] : memref<8x16x128xf32, #tpu.memory_space<vmem>> -> memref<1x16x128xf32, #tpu.memory_space<vmem>>
      %dma_wait3A_510 = tpu.memref_squeeze %dma_wait3A_509 : memref<1x16x128xf32, #tpu.memory_space<vmem>> -> memref<16x128xf32, #tpu.memory_space<vmem>>
      %dma_wait3A_511 = arith.constant 0 : i32
      %dma_wait3A_512 = tpu.memref_slice %arg2[%dma_wait3A_511, %mul3A_280] : memref<16x2600000xf32, #tpu.memory_space<hbm>> -> memref<16x128xf32, #tpu.memory_space<hbm>>
      %dma_wait3A_513 = arith.constant 0 : i32
      %dma_wait3A_514 = arith.constant 0 : i32
      %dma_wait3A_515 = tpu.memref_slice %arg6[%dma_wait3A_506, %dma_wait3A_513, %dma_wait3A_514] : memref<8x16x128xf32, #tpu.memory_space<vmem>> -> memref<1x16x128xf32, #tpu.memory_space<vmem>>
      %dma_wait3A_516 = tpu.memref_squeeze %dma_wait3A_515 : memref<1x16x128xf32, #tpu.memory_space<vmem>> -> memref<16x128xf32, #tpu.memory_space<vmem>>
      %dma_wait3A_517 = arith.constant 0 : i32
      %dma_wait3A_518 = tpu.memref_slice %arg2[%dma_wait3A_517, %mul3A_280] : memref<16x2600000xf32, #tpu.memory_space<hbm>> -> memref<16x128xf32, #tpu.memory_space<hbm>>
      tpu.wait_dma2 semaphore(%arg10 : memref<!tpu.dma_semaphore, #tpu.memory_space<semaphore_mem>>) src(%dma_wait3A_518 : memref<16x128xf32, #tpu.memory_space<hbm>>) dst(%dma_wait3A_516 : memref<16x128xf32, #tpu.memory_space<vmem>>)
      %dma_wait3A_519 = arith.constant 6 : i32
      %dma_wait3A_520 = arith.constant 0 : i32
      %dma_wait3A_521 = arith.constant 0 : i32
      %dma_wait3A_522 = tpu.memref_slice %arg6[%dma_wait3A_519, %dma_wait3A_520, %dma_wait3A_521] : memref<8x16x128xf32, #tpu.memory_space<vmem>> -> memref<1x16x128xf32, #tpu.memory_space<vmem>>
      %dma_wait3A_523 = tpu.memref_squeeze %dma_wait3A_522 : memref<1x16x128xf32, #tpu.memory_space<vmem>> -> memref<16x128xf32, #tpu.memory_space<vmem>>
      %dma_wait3A_524 = arith.constant 0 : i32
      %dma_wait3A_525 = tpu.memref_slice %arg2[%dma_wait3A_524, %mul3A_299] : memref<16x2600000xf32, #tpu.memory_space<hbm>> -> memref<16x128xf32, #tpu.memory_space<hbm>>
      %dma_wait3A_526 = arith.constant 0 : i32
      %dma_wait3A_527 = arith.constant 0 : i32
      %dma_wait3A_528 = tpu.memref_slice %arg6[%dma_wait3A_519, %dma_wait3A_526, %dma_wait3A_527] : memref<8x16x128xf32, #tpu.memory_space<vmem>> -> memref<1x16x128xf32, #tpu.memory_space<vmem>>
      %dma_wait3A_529 = tpu.memref_squeeze %dma_wait3A_528 : memref<1x16x128xf32, #tpu.memory_space<vmem>> -> memref<16x128xf32, #tpu.memory_space<vmem>>
      %dma_wait3A_530 = arith.constant 0 : i32
      %dma_wait3A_531 = tpu.memref_slice %arg2[%dma_wait3A_530, %mul3A_299] : memref<16x2600000xf32, #tpu.memory_space<hbm>> -> memref<16x128xf32, #tpu.memory_space<hbm>>
      tpu.wait_dma2 semaphore(%arg10 : memref<!tpu.dma_semaphore, #tpu.memory_space<semaphore_mem>>) src(%dma_wait3A_531 : memref<16x128xf32, #tpu.memory_space<hbm>>) dst(%dma_wait3A_529 : memref<16x128xf32, #tpu.memory_space<vmem>>)
      %dma_wait3A_532 = arith.constant 7 : i32
      %dma_wait3A_533 = arith.constant 0 : i32
      %dma_wait3A_534 = arith.constant 0 : i32
      %dma_wait3A_535 = tpu.memref_slice %arg6[%dma_wait3A_532, %dma_wait3A_533, %dma_wait3A_534] : memref<8x16x128xf32, #tpu.memory_space<vmem>> -> memref<1x16x128xf32, #tpu.memory_space<vmem>>
      %dma_wait3A_536 = tpu.memref_squeeze %dma_wait3A_535 : memref<1x16x128xf32, #tpu.memory_space<vmem>> -> memref<16x128xf32, #tpu.memory_space<vmem>>
      %dma_wait3A_537 = arith.constant 0 : i32
      %dma_wait3A_538 = tpu.memref_slice %arg2[%dma_wait3A_537, %mul3A_318] : memref<16x2600000xf32, #tpu.memory_space<hbm>> -> memref<16x128xf32, #tpu.memory_space<hbm>>
      %dma_wait3A_539 = arith.constant 0 : i32
      %dma_wait3A_540 = arith.constant 0 : i32
      %dma_wait3A_541 = tpu.memref_slice %arg6[%dma_wait3A_532, %dma_wait3A_539, %dma_wait3A_540] : memref<8x16x128xf32, #tpu.memory_space<vmem>> -> memref<1x16x128xf32, #tpu.memory_space<vmem>>
      %dma_wait3A_542 = tpu.memref_squeeze %dma_wait3A_541 : memref<1x16x128xf32, #tpu.memory_space<vmem>> -> memref<16x128xf32, #tpu.memory_space<vmem>>
      %dma_wait3A_543 = arith.constant 0 : i32
      %dma_wait3A_544 = tpu.memref_slice %arg2[%dma_wait3A_543, %mul3A_318] : memref<16x2600000xf32, #tpu.memory_space<hbm>> -> memref<16x128xf32, #tpu.memory_space<hbm>>
      tpu.wait_dma2 semaphore(%arg10 : memref<!tpu.dma_semaphore, #tpu.memory_space<semaphore_mem>>) src(%dma_wait3A_544 : memref<16x128xf32, #tpu.memory_space<hbm>>) dst(%dma_wait3A_542 : memref<16x128xf32, #tpu.memory_space<vmem>>)
      %parallel_loop3A_545 = arith.constant 0 : i32
      %parallel_loop3A_546 = arith.constant 1024 : i32
      %parallel_loop3A_547 = arith.constant 1 : i32
      scf.for %parallel_loop3A_556 = %parallel_loop3A_545 to %parallel_loop3A_546 step %parallel_loop3A_547  : i32 {
        %parallel_loop3A_557 = arith.constant 3 : i32
        %parallel_loop3A_558 = arith.shrsi %parallel_loop3A_556, %parallel_loop3A_557 : i32
        %parallel_loop3A_559 = arith.constant 7 : i32
        %parallel_loop3A_560 = arith.andi %parallel_loop3A_556, %parallel_loop3A_559 : i32
        %parallel_loop3A_561 = arith.constant 4 : i32
        %parallel_loop3A_562 = arith.shrsi %parallel_loop3A_558, %parallel_loop3A_561 : i32
        %parallel_loop3A_563 = arith.constant 15 : i32
        %parallel_loop3A_564 = arith.andi %parallel_loop3A_558, %parallel_loop3A_563 : i32
        %parallel_loop3A_565 = arith.constant 16 : i32
        %parallel_loop3A_566 = arith.muli %parallel_loop3A_560, %parallel_loop3A_565 : i32
        %parallel_loop3A_567 = arith.index_cast %parallel_loop3A_562 : i32 to index
        %parallel_loop3A_568 = arith.index_cast %parallel_loop3A_564 : i32 to index
        %parallel_loop3A_569 = arith.index_cast %parallel_loop3A_566 : i32 to index
        %parallel_loop3A_570 = tpu.vector_load %arg6[%parallel_loop3A_567, %parallel_loop3A_568, %parallel_loop3A_569] {strides = array<i32>} : memref<8x16x128xf32, #tpu.memory_space<vmem>>, vector<16xf32>,
        %parallel_loop3A_571 = arith.constant 2048 : i32
        %parallel_loop3A_572 = arith.muli %parallel_loop3A_562, %parallel_loop3A_571 : i32
        %parallel_loop3A_573 = arith.constant 256 : i32
        %parallel_loop3A_574 = arith.muli %parallel_loop3A_560, %parallel_loop3A_573 : i32
        %parallel_loop3A_575 = arith.addi %parallel_loop3A_572, %parallel_loop3A_574 : i32
        %parallel_loop3A_576 = arith.addi %parallel_loop3A_575, %parallel_loop3A_564 : i32
        %parallel_loop3A_577 = vector.broadcast %parallel_loop3A_576 : i32 to vector<16xi32>
        %parallel_loop3A_578 = arith.addi %mul3A_10, %parallel_loop3A_577 : vector<16xi32>
        tpu.vector_store_idx %arg8[%parallel_loop3A_578], %parallel_loop3A_570 : memref<16384xf32, #tpu.memory_space<vmem>>[vector<16xi32>], vector<16xf32>,
      } {sc.loop_unroll_factor = 16 : i64, sc.parallel_access}
      %mul3A_548 = arith.constant 16384 : i32
      %mul3A_549 = arith.muli %add3A_28, %mul3A_548 : i32
      %dma_start3A_550 = tpu.memref_slice %arg4[%mul3A_549] : memref<41600000xf32, #tpu.memory_space<hbm>> -> memref<16384xf32, #tpu.memory_space<hbm>>
      %dma_start3A_551 = tpu.memref_slice %arg4[%mul3A_549] : memref<41600000xf32, #tpu.memory_space<hbm>> -> memref<16384xf32, #tpu.memory_space<hbm>>
      tpu.enqueue_dma source(%arg8 : memref<16384xf32, #tpu.memory_space<vmem>>) target(%dma_start3A_551 : memref<16384xf32, #tpu.memory_space<hbm>>) target_semaphore(%arg10 : memref<!tpu.dma_semaphore, #tpu.memory_space<semaphore_mem>>)
      %dma_wait3A_552 = tpu.memref_slice %arg4[%mul3A_438] : memref<41600000xf32, #tpu.memory_space<hbm>> -> memref<16384xf32, #tpu.memory_space<hbm>>
      %dma_wait3A_553 = tpu.memref_slice %arg4[%mul3A_438] : memref<41600000xf32, #tpu.memory_space<hbm>> -> memref<16384xf32, #tpu.memory_space<hbm>>
      tpu.wait_dma2 semaphore(%arg9 : memref<!tpu.dma_semaphore, #tpu.memory_space<semaphore_mem>>) src(%arg7 : memref<16384xf32, #tpu.memory_space<vmem>>) dst(%dma_wait3A_553 : memref<16384xf32, #tpu.memory_space<hbm>>)
      %dma_wait3A_554 = tpu.memref_slice %arg4[%mul3A_549] : memref<41600000xf32, #tpu.memory_space<hbm>> -> memref<16384xf32, #tpu.memory_space<hbm>>
      %dma_wait3A_555 = tpu.memref_slice %arg4[%mul3A_549] : memref<41600000xf32, #tpu.memory_space<hbm>> -> memref<16384xf32, #tpu.memory_space<hbm>>
      tpu.wait_dma2 semaphore(%arg10 : memref<!tpu.dma_semaphore, #tpu.memory_space<semaphore_mem>>) src(%arg8 : memref<16384xf32, #tpu.memory_space<vmem>>) dst(%dma_wait3A_555 : memref<16384xf32, #tpu.memory_space<hbm>>)
    }
    %while3A_19 = arith.constant 1 : i32
    scf.for %while3A_23 = %while3A_17 to %while3A_13 step %while3A_19  : i32 {
      %add3A_24 = arith.addi %add3A_7, %while3A_23 : i32
      %mul3A_25 = arith.constant 2 : i32
      %mul3A_26 = arith.muli %add3A_24, %mul3A_25 : i32
      %add3A_27 = arith.constant 1 : i32
      %add3A_28 = arith.addi %mul3A_26, %add3A_27 : i32
      %mul3A_29 = arith.constant 8 : i32
      %mul3A_30 = arith.muli %mul3A_26, %mul3A_29 : i32
      %add3A_31 = arith.constant 0 : i32
      %add3A_32 = arith.addi %mul3A_30, %add3A_31 : i32
      %mul3A_33 = arith.constant 128 : i32
      %mul3A_34 = arith.muli %add3A_32, %mul3A_33 : i32
      %dma_start3A = arith.constant 0 : i32
      %dma_start3A_35 = arith.constant 0 : i32
      %dma_start3A_36 = arith.constant 0 : i32
      %dma_start3A_37 = tpu.memref_slice %arg5[%dma_start3A, %dma_start3A_35, %dma_start3A_36] : memref<8x16x128xf32, #tpu.memory_space<vmem>> -> memref<1x16x128xf32, #tpu.memory_space<vmem>>
      %dma_start3A_38 = tpu.memref_squeeze %dma_start3A_37 : memref<1x16x128xf32, #tpu.memory_space<vmem>> -> memref<16x128xf32, #tpu.memory_space<vmem>>
      %dma_start3A_39 = arith.constant 0 : i32
      %dma_start3A_40 = tpu.memref_slice %arg2[%dma_start3A_39, %mul3A_34] : memref<16x2600000xf32, #tpu.memory_space<hbm>> -> memref<16x128xf32, #tpu.memory_space<hbm>>
      %dma_start3A_41 = arith.constant 0 : i32
      %dma_start3A_42 = arith.constant 0 : i32
      %dma_start3A_43 = tpu.memref_slice %arg5[%dma_start3A, %dma_start3A_41, %dma_start3A_42] : memref<8x16x128xf32, #tpu.memory_space<vmem>> -> memref<1x16x128xf32, #tpu.memory_space<vmem>>
      %dma_start3A_44 = tpu.memref_squeeze %dma_start3A_43 : memref<1x16x128xf32, #tpu.memory_space<vmem>> -> memref<16x128xf32, #tpu.memory_space<vmem>>
      %dma_start3A_45 = arith.constant 0 : i32
      %dma_start3A_46 = tpu.memref_slice %arg2[%dma_start3A_45, %mul3A_34] : memref<16x2600000xf32, #tpu.memory_space<hbm>> -> memref<16x128xf32, #tpu.memory_space<hbm>>
      tpu.enqueue_dma source(%dma_start3A_46 : memref<16x128xf32, #tpu.memory_space<hbm>>) target(%dma_start3A_44 : memref<16x128xf32, #tpu.memory_space<vmem>>) target_semaphore(%arg9 : memref<!tpu.dma_semaphore, #tpu.memory_space<semaphore_mem>>)
      %mul3A_47 = arith.constant 8 : i32
      %mul3A_48 = arith.muli %mul3A_26, %mul3A_47 : i32
      %add3A_49 = arith.constant 1 : i32
      %add3A_50 = arith.addi %mul3A_48, %add3A_49 : i32
      %mul3A_51 = arith.constant 128 : i32
      %mul3A_52 = arith.muli %add3A_50, %mul3A_51 : i32
      %dma_start3A_53 = arith.constant 1 : i32
      %dma_start3A_54 = arith.constant 0 : i32
      %dma_start3A_55 = arith.constant 0 : i32
      %dma_start3A_56 = tpu.memref_slice %arg5[%dma_start3A_53, %dma_start3A_54, %dma_start3A_55] : memref<8x16x128xf32, #tpu.memory_space<vmem>> -> memref<1x16x128xf32, #tpu.memory_space<vmem>>
      %dma_start3A_57 = tpu.memref_squeeze %dma_start3A_56 : memref<1x16x128xf32, #tpu.memory_space<vmem>> -> memref<16x128xf32, #tpu.memory_space<vmem>>
      %dma_start3A_58 = arith.constant 0 : i32
      %dma_start3A_59 = tpu.memref_slice %arg2[%dma_start3A_58, %mul3A_52] : memref<16x2600000xf32, #tpu.memory_space<hbm>> -> memref<16x128xf32, #tpu.memory_space<hbm>>
      %dma_start3A_60 = arith.constant 0 : i32
      %dma_start3A_61 = arith.constant 0 : i32
      %dma_start3A_62 = tpu.memref_slice %arg5[%dma_start3A_53, %dma_start3A_60, %dma_start3A_61] : memref<8x16x128xf32, #tpu.memory_space<vmem>> -> memref<1x16x128xf32, #tpu.memory_space<vmem>>
      %dma_start3A_63 = tpu.memref_squeeze %dma_start3A_62 : memref<1x16x128xf32, #tpu.memory_space<vmem>> -> memref<16x128xf32, #tpu.memory_space<vmem>>
      %dma_start3A_64 = arith.constant 0 : i32
      %dma_start3A_65 = tpu.memref_slice %arg2[%dma_start3A_64, %mul3A_52] : memref<16x2600000xf32, #tpu.memory_space<hbm>> -> memref<16x128xf32, #tpu.memory_space<hbm>>
      tpu.enqueue_dma source(%dma_start3A_65 : memref<16x128xf32, #tpu.memory_space<hbm>>) target(%dma_start3A_63 : memref<16x128xf32, #tpu.memory_space<vmem>>) target_semaphore(%arg9 : memref<!tpu.dma_semaphore, #tpu.memory_space<semaphore_mem>>)
      %mul3A_66 = arith.constant 8 : i32
      %mul3A_67 = arith.muli %mul3A_26, %mul3A_66 : i32
      %add3A_68 = arith.constant 2 : i32
      %add3A_69 = arith.addi %mul3A_67, %add3A_68 : i32
      %mul3A_70 = arith.constant 128 : i32
      %mul3A_71 = arith.muli %add3A_69, %mul3A_70 : i32
      %dma_start3A_72 = arith.constant 2 : i32
      %dma_start3A_73 = arith.constant 0 : i32
      %dma_start3A_74 = arith.constant 0 : i32
      %dma_start3A_75 = tpu.memref_slice %arg5[%dma_start3A_72, %dma_start3A_73, %dma_start3A_74] : memref<8x16x128xf32, #tpu.memory_space<vmem>> -> memref<1x16x128xf32, #tpu.memory_space<vmem>>
      %dma_start3A_76 = tpu.memref_squeeze %dma_start3A_75 : memref<1x16x128xf32, #tpu.memory_space<vmem>> -> memref<16x128xf32, #tpu.memory_space<vmem>>
      %dma_start3A_77 = arith.constant 0 : i32
      %dma_start3A_78 = tpu.memref_slice %arg2[%dma_start3A_77, %mul3A_71] : memref<16x2600000xf32, #tpu.memory_space<hbm>> -> memref<16x128xf32, #tpu.memory_space<hbm>>
      %dma_start3A_79 = arith.constant 0 : i32
      %dma_start3A_80 = arith.constant 0 : i32
      %dma_start3A_81 = tpu.memref_slice %arg5[%dma_start3A_72, %dma_start3A_79, %dma_start3A_80] : memref<8x16x128xf32, #tpu.memory_space<vmem>> -> memref<1x16x128xf32, #tpu.memory_space<vmem>>
      %dma_start3A_82 = tpu.memref_squeeze %dma_start3A_81 : memref<1x16x128xf32, #tpu.memory_space<vmem>> -> memref<16x128xf32, #tpu.memory_space<vmem>>
      %dma_start3A_83 = arith.constant 0 : i32
      %dma_start3A_84 = tpu.memref_slice %arg2[%dma_start3A_83, %mul3A_71] : memref<16x2600000xf32, #tpu.memory_space<hbm>> -> memref<16x128xf32, #tpu.memory_space<hbm>>
      tpu.enqueue_dma source(%dma_start3A_84 : memref<16x128xf32, #tpu.memory_space<hbm>>) target(%dma_start3A_82 : memref<16x128xf32, #tpu.memory_space<vmem>>) target_semaphore(%arg9 : memref<!tpu.dma_semaphore, #tpu.memory_space<semaphore_mem>>)
      %mul3A_85 = arith.constant 8 : i32
      %mul3A_86 = arith.muli %mul3A_26, %mul3A_85 : i32
      %add3A_87 = arith.constant 3 : i32
      %add3A_88 = arith.addi %mul3A_86, %add3A_87 : i32
      %mul3A_89 = arith.constant 128 : i32
      %mul3A_90 = arith.muli %add3A_88, %mul3A_89 : i32
      %dma_start3A_91 = arith.constant 3 : i32
      %dma_start3A_92 = arith.constant 0 : i32
      %dma_start3A_93 = arith.constant 0 : i32
      %dma_start3A_94 = tpu.memref_slice %arg5[%dma_start3A_91, %dma_start3A_92, %dma_start3A_93] : memref<8x16x128xf32, #tpu.memory_space<vmem>> -> memref<1x16x128xf32, #tpu.memory_space<vmem>>
      %dma_start3A_95 = tpu.memref_squeeze %dma_start3A_94 : memref<1x16x128xf32, #tpu.memory_space<vmem>> -> memref<16x128xf32, #tpu.memory_space<vmem>>
      %dma_start3A_96 = arith.constant 0 : i32
      %dma_start3A_97 = tpu.memref_slice %arg2[%dma_start3A_96, %mul3A_90] : memref<16x2600000xf32, #tpu.memory_space<hbm>> -> memref<16x128xf32, #tpu.memory_space<hbm>>
      %dma_start3A_98 = arith.constant 0 : i32
      %dma_start3A_99 = arith.constant 0 : i32
      %dma_start3A_100 = tpu.memref_slice %arg5[%dma_start3A_91, %dma_start3A_98, %dma_start3A_99] : memref<8x16x128xf32, #tpu.memory_space<vmem>> -> memref<1x16x128xf32, #tpu.memory_space<vmem>>
      %dma_start3A_101 = tpu.memref_squeeze %dma_start3A_100 : memref<1x16x128xf32, #tpu.memory_space<vmem>> -> memref<16x128xf32, #tpu.memory_space<vmem>>
      %dma_start3A_102 = arith.constant 0 : i32
      %dma_start3A_103 = tpu.memref_slice %arg2[%dma_start3A_102, %mul3A_90] : memref<16x2600000xf32, #tpu.memory_space<hbm>> -> memref<16x128xf32, #tpu.memory_space<hbm>>
      tpu.enqueue_dma source(%dma_start3A_103 : memref<16x128xf32, #tpu.memory_space<hbm>>) target(%dma_start3A_101 : memref<16x128xf32, #tpu.memory_space<vmem>>) target_semaphore(%arg9 : memref<!tpu.dma_semaphore, #tpu.memory_space<semaphore_mem>>)
      %mul3A_104 = arith.constant 8 : i32
      %mul3A_105 = arith.muli %mul3A_26, %mul3A_104 : i32
      %add3A_106 = arith.constant 4 : i32
      %add3A_107 = arith.addi %mul3A_105, %add3A_106 : i32
      %mul3A_108 = arith.constant 128 : i32
      %mul3A_109 = arith.muli %add3A_107, %mul3A_108 : i32
      %dma_start3A_110 = arith.constant 4 : i32
      %dma_start3A_111 = arith.constant 0 : i32
      %dma_start3A_112 = arith.constant 0 : i32
      %dma_start3A_113 = tpu.memref_slice %arg5[%dma_start3A_110, %dma_start3A_111, %dma_start3A_112] : memref<8x16x128xf32, #tpu.memory_space<vmem>> -> memref<1x16x128xf32, #tpu.memory_space<vmem>>
      %dma_start3A_114 = tpu.memref_squeeze %dma_start3A_113 : memref<1x16x128xf32, #tpu.memory_space<vmem>> -> memref<16x128xf32, #tpu.memory_space<vmem>>
      %dma_start3A_115 = arith.constant 0 : i32
      %dma_start3A_116 = tpu.memref_slice %arg2[%dma_start3A_115, %mul3A_109] : memref<16x2600000xf32, #tpu.memory_space<hbm>> -> memref<16x128xf32, #tpu.memory_space<hbm>>
      %dma_start3A_117 = arith.constant 0 : i32
      %dma_start3A_118 = arith.constant 0 : i32
      %dma_start3A_119 = tpu.memref_slice %arg5[%dma_start3A_110, %dma_start3A_117, %dma_start3A_118] : memref<8x16x128xf32, #tpu.memory_space<vmem>> -> memref<1x16x128xf32, #tpu.memory_space<vmem>>
      %dma_start3A_120 = tpu.memref_squeeze %dma_start3A_119 : memref<1x16x128xf32, #tpu.memory_space<vmem>> -> memref<16x128xf32, #tpu.memory_space<vmem>>
      %dma_start3A_121 = arith.constant 0 : i32
      %dma_start3A_122 = tpu.memref_slice %arg2[%dma_start3A_121, %mul3A_109] : memref<16x2600000xf32, #tpu.memory_space<hbm>> -> memref<16x128xf32, #tpu.memory_space<hbm>>
      tpu.enqueue_dma source(%dma_start3A_122 : memref<16x128xf32, #tpu.memory_space<hbm>>) target(%dma_start3A_120 : memref<16x128xf32, #tpu.memory_space<vmem>>) target_semaphore(%arg9 : memref<!tpu.dma_semaphore, #tpu.memory_space<semaphore_mem>>)
      %mul3A_123 = arith.constant 8 : i32
      %mul3A_124 = arith.muli %mul3A_26, %mul3A_123 : i32
      %add3A_125 = arith.constant 5 : i32
      %add3A_126 = arith.addi %mul3A_124, %add3A_125 : i32
      %mul3A_127 = arith.constant 128 : i32
      %mul3A_128 = arith.muli %add3A_126, %mul3A_127 : i32
      %dma_start3A_129 = arith.constant 5 : i32
      %dma_start3A_130 = arith.constant 0 : i32
      %dma_start3A_131 = arith.constant 0 : i32
      %dma_start3A_132 = tpu.memref_slice %arg5[%dma_start3A_129, %dma_start3A_130, %dma_start3A_131] : memref<8x16x128xf32, #tpu.memory_space<vmem>> -> memref<1x16x128xf32, #tpu.memory_space<vmem>>
      %dma_start3A_133 = tpu.memref_squeeze %dma_start3A_132 : memref<1x16x128xf32, #tpu.memory_space<vmem>> -> memref<16x128xf32, #tpu.memory_space<vmem>>
      %dma_start3A_134 = arith.constant 0 : i32
      %dma_start3A_135 = tpu.memref_slice %arg2[%dma_start3A_134, %mul3A_128] : memref<16x2600000xf32, #tpu.memory_space<hbm>> -> memref<16x128xf32, #tpu.memory_space<hbm>>
      %dma_start3A_136 = arith.constant 0 : i32
      %dma_start3A_137 = arith.constant 0 : i32
      %dma_start3A_138 = tpu.memref_slice %arg5[%dma_start3A_129, %dma_start3A_136, %dma_start3A_137] : memref<8x16x128xf32, #tpu.memory_space<vmem>> -> memref<1x16x128xf32, #tpu.memory_space<vmem>>
      %dma_start3A_139 = tpu.memref_squeeze %dma_start3A_138 : memref<1x16x128xf32, #tpu.memory_space<vmem>> -> memref<16x128xf32, #tpu.memory_space<vmem>>
      %dma_start3A_140 = arith.constant 0 : i32
      %dma_start3A_141 = tpu.memref_slice %arg2[%dma_start3A_140, %mul3A_128] : memref<16x2600000xf32, #tpu.memory_space<hbm>> -> memref<16x128xf32, #tpu.memory_space<hbm>>
      tpu.enqueue_dma source(%dma_start3A_141 : memref<16x128xf32, #tpu.memory_space<hbm>>) target(%dma_start3A_139 : memref<16x128xf32, #tpu.memory_space<vmem>>) target_semaphore(%arg9 : memref<!tpu.dma_semaphore, #tpu.memory_space<semaphore_mem>>)
      %mul3A_142 = arith.constant 8 : i32
      %mul3A_143 = arith.muli %mul3A_26, %mul3A_142 : i32
      %add3A_144 = arith.constant 6 : i32
      %add3A_145 = arith.addi %mul3A_143, %add3A_144 : i32
      %mul3A_146 = arith.constant 128 : i32
      %mul3A_147 = arith.muli %add3A_145, %mul3A_146 : i32
      %dma_start3A_148 = arith.constant 6 : i32
      %dma_start3A_149 = arith.constant 0 : i32
      %dma_start3A_150 = arith.constant 0 : i32
      %dma_start3A_151 = tpu.memref_slice %arg5[%dma_start3A_148, %dma_start3A_149, %dma_start3A_150] : memref<8x16x128xf32, #tpu.memory_space<vmem>> -> memref<1x16x128xf32, #tpu.memory_space<vmem>>
      %dma_start3A_152 = tpu.memref_squeeze %dma_start3A_151 : memref<1x16x128xf32, #tpu.memory_space<vmem>> -> memref<16x128xf32, #tpu.memory_space<vmem>>
      %dma_start3A_153 = arith.constant 0 : i32
      %dma_start3A_154 = tpu.memref_slice %arg2[%dma_start3A_153, %mul3A_147] : memref<16x2600000xf32, #tpu.memory_space<hbm>> -> memref<16x128xf32, #tpu.memory_space<hbm>>
      %dma_start3A_155 = arith.constant 0 : i32
      %dma_start3A_156 = arith.constant 0 : i32
      %dma_start3A_157 = tpu.memref_slice %arg5[%dma_start3A_148, %dma_start3A_155, %dma_start3A_156] : memref<8x16x128xf32, #tpu.memory_space<vmem>> -> memref<1x16x128xf32, #tpu.memory_space<vmem>>
      %dma_start3A_158 = tpu.memref_squeeze %dma_start3A_157 : memref<1x16x128xf32, #tpu.memory_space<vmem>> -> memref<16x128xf32, #tpu.memory_space<vmem>>
      %dma_start3A_159 = arith.constant 0 : i32
      %dma_start3A_160 = tpu.memref_slice %arg2[%dma_start3A_159, %mul3A_147] : memref<16x2600000xf32, #tpu.memory_space<hbm>> -> memref<16x128xf32, #tpu.memory_space<hbm>>
      tpu.enqueue_dma source(%dma_start3A_160 : memref<16x128xf32, #tpu.memory_space<hbm>>) target(%dma_start3A_158 : memref<16x128xf32, #tpu.memory_space<vmem>>) target_semaphore(%arg9 : memref<!tpu.dma_semaphore, #tpu.memory_space<semaphore_mem>>)
      %mul3A_161 = arith.constant 8 : i32
      %mul3A_162 = arith.muli %mul3A_26, %mul3A_161 : i32
      %add3A_163 = arith.constant 7 : i32
      %add3A_164 = arith.addi %mul3A_162, %add3A_163 : i32
      %mul3A_165 = arith.constant 128 : i32
      %mul3A_166 = arith.muli %add3A_164, %mul3A_165 : i32
      %dma_start3A_167 = arith.constant 7 : i32
      %dma_start3A_168 = arith.constant 0 : i32
      %dma_start3A_169 = arith.constant 0 : i32
      %dma_start3A_170 = tpu.memref_slice %arg5[%dma_start3A_167, %dma_start3A_168, %dma_start3A_169] : memref<8x16x128xf32, #tpu.memory_space<vmem>> -> memref<1x16x128xf32, #tpu.memory_space<vmem>>
      %dma_start3A_171 = tpu.memref_squeeze %dma_start3A_170 : memref<1x16x128xf32, #tpu.memory_space<vmem>> -> memref<16x128xf32, #tpu.memory_space<vmem>>
      %dma_start3A_172 = arith.constant 0 : i32
      %dma_start3A_173 = tpu.memref_slice %arg2[%dma_start3A_172, %mul3A_166] : memref<16x2600000xf32, #tpu.memory_space<hbm>> -> memref<16x128xf32, #tpu.memory_space<hbm>>
      %dma_start3A_174 = arith.constant 0 : i32
      %dma_start3A_175 = arith.constant 0 : i32
      %dma_start3A_176 = tpu.memref_slice %arg5[%dma_start3A_167, %dma_start3A_174, %dma_start3A_175] : memref<8x16x128xf32, #tpu.memory_space<vmem>> -> memref<1x16x128xf32, #tpu.memory_space<vmem>>
      %dma_start3A_177 = tpu.memref_squeeze %dma_start3A_176 : memref<1x16x128xf32, #tpu.memory_space<vmem>> -> memref<16x128xf32, #tpu.memory_space<vmem>>
      %dma_start3A_178 = arith.constant 0 : i32
      %dma_start3A_179 = tpu.memref_slice %arg2[%dma_start3A_178, %mul3A_166] : memref<16x2600000xf32, #tpu.memory_space<hbm>> -> memref<16x128xf32, #tpu.memory_space<hbm>>
      tpu.enqueue_dma source(%dma_start3A_179 : memref<16x128xf32, #tpu.memory_space<hbm>>) target(%dma_start3A_177 : memref<16x128xf32, #tpu.memory_space<vmem>>) target_semaphore(%arg9 : memref<!tpu.dma_semaphore, #tpu.memory_space<semaphore_mem>>)
      %mul3A_180 = arith.constant 8 : i32
      %mul3A_181 = arith.muli %add3A_28, %mul3A_180 : i32
      %add3A_182 = arith.constant 0 : i32
      %add3A_183 = arith.addi %mul3A_181, %add3A_182 : i32
      %mul3A_184 = arith.constant 128 : i32
      %mul3A_185 = arith.muli %add3A_183, %mul3A_184 : i32
      %dma_start3A_186 = arith.constant 0 : i32
      %dma_start3A_187 = arith.constant 0 : i32
      %dma_start3A_188 = arith.constant 0 : i32
      %dma_start3A_189 = tpu.memref_slice %arg6[%dma_start3A_186, %dma_start3A_187, %dma_start3A_188] : memref<8x16x128xf32, #tpu.memory_space<vmem>> -> memref<1x16x128xf32, #tpu.memory_space<vmem>>
      %dma_start3A_190 = tpu.memref_squeeze %dma_start3A_189 : memref<1x16x128xf32, #tpu.memory_space<vmem>> -> memref<16x128xf32, #tpu.memory_space<vmem>>
      %dma_start3A_191 = arith.constant 0 : i32
      %dma_start3A_192 = tpu.memref_slice %arg2[%dma_start3A_191, %mul3A_185] : memref<16x2600000xf32, #tpu.memory_space<hbm>> -> memref<16x128xf32, #tpu.memory_space<hbm>>
      %dma_start3A_193 = arith.constant 0 : i32
      %dma_start3A_194 = arith.constant 0 : i32
      %dma_start3A_195 = tpu.memref_slice %arg6[%dma_start3A_186, %dma_start3A_193, %dma_start3A_194] : memref<8x16x128xf32, #tpu.memory_space<vmem>> -> memref<1x16x128xf32, #tpu.memory_space<vmem>>
      %dma_start3A_196 = tpu.memref_squeeze %dma_start3A_195 : memref<1x16x128xf32, #tpu.memory_space<vmem>> -> memref<16x128xf32, #tpu.memory_space<vmem>>
      %dma_start3A_197 = arith.constant 0 : i32
      %dma_start3A_198 = tpu.memref_slice %arg2[%dma_start3A_197, %mul3A_185] : memref<16x2600000xf32, #tpu.memory_space<hbm>> -> memref<16x128xf32, #tpu.memory_space<hbm>>
      tpu.enqueue_dma source(%dma_start3A_198 : memref<16x128xf32, #tpu.memory_space<hbm>>) target(%dma_start3A_196 : memref<16x128xf32, #tpu.memory_space<vmem>>) target_semaphore(%arg10 : memref<!tpu.dma_semaphore, #tpu.memory_space<semaphore_mem>>)
      %mul3A_199 = arith.constant 8 : i32
      %mul3A_200 = arith.muli %add3A_28, %mul3A_199 : i32
      %add3A_201 = arith.constant 1 : i32
      %add3A_202 = arith.addi %mul3A_200, %add3A_201 : i32
      %mul3A_203 = arith.constant 128 : i32
      %mul3A_204 = arith.muli %add3A_202, %mul3A_203 : i32
      %dma_start3A_205 = arith.constant 1 : i32
      %dma_start3A_206 = arith.constant 0 : i32
      %dma_start3A_207 = arith.constant 0 : i32
      %dma_start3A_208 = tpu.memref_slice %arg6[%dma_start3A_205, %dma_start3A_206, %dma_start3A_207] : memref<8x16x128xf32, #tpu.memory_space<vmem>> -> memref<1x16x128xf32, #tpu.memory_space<vmem>>
      %dma_start3A_209 = tpu.memref_squeeze %dma_start3A_208 : memref<1x16x128xf32, #tpu.memory_space<vmem>> -> memref<16x128xf32, #tpu.memory_space<vmem>>
      %dma_start3A_210 = arith.constant 0 : i32
      %dma_start3A_211 = tpu.memref_slice %arg2[%dma_start3A_210, %mul3A_204] : memref<16x2600000xf32, #tpu.memory_space<hbm>> -> memref<16x128xf32, #tpu.memory_space<hbm>>
      %dma_start3A_212 = arith.constant 0 : i32
      %dma_start3A_213 = arith.constant 0 : i32
      %dma_start3A_214 = tpu.memref_slice %arg6[%dma_start3A_205, %dma_start3A_212, %dma_start3A_213] : memref<8x16x128xf32, #tpu.memory_space<vmem>> -> memref<1x16x128xf32, #tpu.memory_space<vmem>>
      %dma_start3A_215 = tpu.memref_squeeze %dma_start3A_214 : memref<1x16x128xf32, #tpu.memory_space<vmem>> -> memref<16x128xf32, #tpu.memory_space<vmem>>
      %dma_start3A_216 = arith.constant 0 : i32
      %dma_start3A_217 = tpu.memref_slice %arg2[%dma_start3A_216, %mul3A_204] : memref<16x2600000xf32, #tpu.memory_space<hbm>> -> memref<16x128xf32, #tpu.memory_space<hbm>>
      tpu.enqueue_dma source(%dma_start3A_217 : memref<16x128xf32, #tpu.memory_space<hbm>>) target(%dma_start3A_215 : memref<16x128xf32, #tpu.memory_space<vmem>>) target_semaphore(%arg10 : memref<!tpu.dma_semaphore, #tpu.memory_space<semaphore_mem>>)
      %mul3A_218 = arith.constant 8 : i32
      %mul3A_219 = arith.muli %add3A_28, %mul3A_218 : i32
      %add3A_220 = arith.constant 2 : i32
      %add3A_221 = arith.addi %mul3A_219, %add3A_220 : i32
      %mul3A_222 = arith.constant 128 : i32
      %mul3A_223 = arith.muli %add3A_221, %mul3A_222 : i32
      %dma_start3A_224 = arith.constant 2 : i32
      %dma_start3A_225 = arith.constant 0 : i32
      %dma_start3A_226 = arith.constant 0 : i32
      %dma_start3A_227 = tpu.memref_slice %arg6[%dma_start3A_224, %dma_start3A_225, %dma_start3A_226] : memref<8x16x128xf32, #tpu.memory_space<vmem>> -> memref<1x16x128xf32, #tpu.memory_space<vmem>>
      %dma_start3A_228 = tpu.memref_squeeze %dma_start3A_227 : memref<1x16x128xf32, #tpu.memory_space<vmem>> -> memref<16x128xf32, #tpu.memory_space<vmem>>
      %dma_start3A_229 = arith.constant 0 : i32
      %dma_start3A_230 = tpu.memref_slice %arg2[%dma_start3A_229, %mul3A_223] : memref<16x2600000xf32, #tpu.memory_space<hbm>> -> memref<16x128xf32, #tpu.memory_space<hbm>>
      %dma_start3A_231 = arith.constant 0 : i32
      %dma_start3A_232 = arith.constant 0 : i32
      %dma_start3A_233 = tpu.memref_slice %arg6[%dma_start3A_224, %dma_start3A_231, %dma_start3A_232] : memref<8x16x128xf32, #tpu.memory_space<vmem>> -> memref<1x16x128xf32, #tpu.memory_space<vmem>>
      %dma_start3A_234 = tpu.memref_squeeze %dma_start3A_233 : memref<1x16x128xf32, #tpu.memory_space<vmem>> -> memref<16x128xf32, #tpu.memory_space<vmem>>
      %dma_start3A_235 = arith.constant 0 : i32
      %dma_start3A_236 = tpu.memref_slice %arg2[%dma_start3A_235, %mul3A_223] : memref<16x2600000xf32, #tpu.memory_space<hbm>> -> memref<16x128xf32, #tpu.memory_space<hbm>>
      tpu.enqueue_dma source(%dma_start3A_236 : memref<16x128xf32, #tpu.memory_space<hbm>>) target(%dma_start3A_234 : memref<16x128xf32, #tpu.memory_space<vmem>>) target_semaphore(%arg10 : memref<!tpu.dma_semaphore, #tpu.memory_space<semaphore_mem>>)
      %mul3A_237 = arith.constant 8 : i32
      %mul3A_238 = arith.muli %add3A_28, %mul3A_237 : i32
      %add3A_239 = arith.constant 3 : i32
      %add3A_240 = arith.addi %mul3A_238, %add3A_239 : i32
      %mul3A_241 = arith.constant 128 : i32
      %mul3A_242 = arith.muli %add3A_240, %mul3A_241 : i32
      %dma_start3A_243 = arith.constant 3 : i32
      %dma_start3A_244 = arith.constant 0 : i32
      %dma_start3A_245 = arith.constant 0 : i32
      %dma_start3A_246 = tpu.memref_slice %arg6[%dma_start3A_243, %dma_start3A_244, %dma_start3A_245] : memref<8x16x128xf32, #tpu.memory_space<vmem>> -> memref<1x16x128xf32, #tpu.memory_space<vmem>>
      %dma_start3A_247 = tpu.memref_squeeze %dma_start3A_246 : memref<1x16x128xf32, #tpu.memory_space<vmem>> -> memref<16x128xf32, #tpu.memory_space<vmem>>
      %dma_start3A_248 = arith.constant 0 : i32
      %dma_start3A_249 = tpu.memref_slice %arg2[%dma_start3A_248, %mul3A_242] : memref<16x2600000xf32, #tpu.memory_space<hbm>> -> memref<16x128xf32, #tpu.memory_space<hbm>>
      %dma_start3A_250 = arith.constant 0 : i32
      %dma_start3A_251 = arith.constant 0 : i32
      %dma_start3A_252 = tpu.memref_slice %arg6[%dma_start3A_243, %dma_start3A_250, %dma_start3A_251] : memref<8x16x128xf32, #tpu.memory_space<vmem>> -> memref<1x16x128xf32, #tpu.memory_space<vmem>>
      %dma_start3A_253 = tpu.memref_squeeze %dma_start3A_252 : memref<1x16x128xf32, #tpu.memory_space<vmem>> -> memref<16x128xf32, #tpu.memory_space<vmem>>
      %dma_start3A_254 = arith.constant 0 : i32
      %dma_start3A_255 = tpu.memref_slice %arg2[%dma_start3A_254, %mul3A_242] : memref<16x2600000xf32, #tpu.memory_space<hbm>> -> memref<16x128xf32, #tpu.memory_space<hbm>>
      tpu.enqueue_dma source(%dma_start3A_255 : memref<16x128xf32, #tpu.memory_space<hbm>>) target(%dma_start3A_253 : memref<16x128xf32, #tpu.memory_space<vmem>>) target_semaphore(%arg10 : memref<!tpu.dma_semaphore, #tpu.memory_space<semaphore_mem>>)
      %mul3A_256 = arith.constant 8 : i32
      %mul3A_257 = arith.muli %add3A_28, %mul3A_256 : i32
      %add3A_258 = arith.constant 4 : i32
      %add3A_259 = arith.addi %mul3A_257, %add3A_258 : i32
      %mul3A_260 = arith.constant 128 : i32
      %mul3A_261 = arith.muli %add3A_259, %mul3A_260 : i32
      %dma_start3A_262 = arith.constant 4 : i32
      %dma_start3A_263 = arith.constant 0 : i32
      %dma_start3A_264 = arith.constant 0 : i32
      %dma_start3A_265 = tpu.memref_slice %arg6[%dma_start3A_262, %dma_start3A_263, %dma_start3A_264] : memref<8x16x128xf32, #tpu.memory_space<vmem>> -> memref<1x16x128xf32, #tpu.memory_space<vmem>>
      %dma_start3A_266 = tpu.memref_squeeze %dma_start3A_265 : memref<1x16x128xf32, #tpu.memory_space<vmem>> -> memref<16x128xf32, #tpu.memory_space<vmem>>
      %dma_start3A_267 = arith.constant 0 : i32
      %dma_start3A_268 = tpu.memref_slice %arg2[%dma_start3A_267, %mul3A_261] : memref<16x2600000xf32, #tpu.memory_space<hbm>> -> memref<16x128xf32, #tpu.memory_space<hbm>>
      %dma_start3A_269 = arith.constant 0 : i32
      %dma_start3A_270 = arith.constant 0 : i32
      %dma_start3A_271 = tpu.memref_slice %arg6[%dma_start3A_262, %dma_start3A_269, %dma_start3A_270] : memref<8x16x128xf32, #tpu.memory_space<vmem>> -> memref<1x16x128xf32, #tpu.memory_space<vmem>>
      %dma_start3A_272 = tpu.memref_squeeze %dma_start3A_271 : memref<1x16x128xf32, #tpu.memory_space<vmem>> -> memref<16x128xf32, #tpu.memory_space<vmem>>
      %dma_start3A_273 = arith.constant 0 : i32
      %dma_start3A_274 = tpu.memref_slice %arg2[%dma_start3A_273, %mul3A_261] : memref<16x2600000xf32, #tpu.memory_space<hbm>> -> memref<16x128xf32, #tpu.memory_space<hbm>>
      tpu.enqueue_dma source(%dma_start3A_274 : memref<16x128xf32, #tpu.memory_space<hbm>>) target(%dma_start3A_272 : memref<16x128xf32, #tpu.memory_space<vmem>>) target_semaphore(%arg10 : memref<!tpu.dma_semaphore, #tpu.memory_space<semaphore_mem>>)
      %mul3A_275 = arith.constant 8 : i32
      %mul3A_276 = arith.muli %add3A_28, %mul3A_275 : i32
      %add3A_277 = arith.constant 5 : i32
      %add3A_278 = arith.addi %mul3A_276, %add3A_277 : i32
      %mul3A_279 = arith.constant 128 : i32
      %mul3A_280 = arith.muli %add3A_278, %mul3A_279 : i32
      %dma_start3A_281 = arith.constant 5 : i32
      %dma_start3A_282 = arith.constant 0 : i32
      %dma_start3A_283 = arith.constant 0 : i32
      %dma_start3A_284 = tpu.memref_slice %arg6[%dma_start3A_281, %dma_start3A_282, %dma_start3A_283] : memref<8x16x128xf32, #tpu.memory_space<vmem>> -> memref<1x16x128xf32, #tpu.memory_space<vmem>>
      %dma_start3A_285 = tpu.memref_squeeze %dma_start3A_284 : memref<1x16x128xf32, #tpu.memory_space<vmem>> -> memref<16x128xf32, #tpu.memory_space<vmem>>
      %dma_start3A_286 = arith.constant 0 : i32
      %dma_start3A_287 = tpu.memref_slice %arg2[%dma_start3A_286, %mul3A_280] : memref<16x2600000xf32, #tpu.memory_space<hbm>> -> memref<16x128xf32, #tpu.memory_space<hbm>>
      %dma_start3A_288 = arith.constant 0 : i32
      %dma_start3A_289 = arith.constant 0 : i32
      %dma_start3A_290 = tpu.memref_slice %arg6[%dma_start3A_281, %dma_start3A_288, %dma_start3A_289] : memref<8x16x128xf32, #tpu.memory_space<vmem>> -> memref<1x16x128xf32, #tpu.memory_space<vmem>>
      %dma_start3A_291 = tpu.memref_squeeze %dma_start3A_290 : memref<1x16x128xf32, #tpu.memory_space<vmem>> -> memref<16x128xf32, #tpu.memory_space<vmem>>
      %dma_start3A_292 = arith.constant 0 : i32
      %dma_start3A_293 = tpu.memref_slice %arg2[%dma_start3A_292, %mul3A_280] : memref<16x2600000xf32, #tpu.memory_space<hbm>> -> memref<16x128xf32, #tpu.memory_space<hbm>>
      tpu.enqueue_dma source(%dma_start3A_293 : memref<16x128xf32, #tpu.memory_space<hbm>>) target(%dma_start3A_291 : memref<16x128xf32, #tpu.memory_space<vmem>>) target_semaphore(%arg10 : memref<!tpu.dma_semaphore, #tpu.memory_space<semaphore_mem>>)
      %mul3A_294 = arith.constant 8 : i32
      %mul3A_295 = arith.muli %add3A_28, %mul3A_294 : i32
      %add3A_296 = arith.constant 6 : i32
      %add3A_297 = arith.addi %mul3A_295, %add3A_296 : i32
      %mul3A_298 = arith.constant 128 : i32
      %mul3A_299 = arith.muli %add3A_297, %mul3A_298 : i32
      %dma_start3A_300 = arith.constant 6 : i32
      %dma_start3A_301 = arith.constant 0 : i32
      %dma_start3A_302 = arith.constant 0 : i32
      %dma_start3A_303 = tpu.memref_slice %arg6[%dma_start3A_300, %dma_start3A_301, %dma_start3A_302] : memref<8x16x128xf32, #tpu.memory_space<vmem>> -> memref<1x16x128xf32, #tpu.memory_space<vmem>>
      %dma_start3A_304 = tpu.memref_squeeze %dma_start3A_303 : memref<1x16x128xf32, #tpu.memory_space<vmem>> -> memref<16x128xf32, #tpu.memory_space<vmem>>
      %dma_start3A_305 = arith.constant 0 : i32
      %dma_start3A_306 = tpu.memref_slice %arg2[%dma_start3A_305, %mul3A_299] : memref<16x2600000xf32, #tpu.memory_space<hbm>> -> memref<16x128xf32, #tpu.memory_space<hbm>>
      %dma_start3A_307 = arith.constant 0 : i32
      %dma_start3A_308 = arith.constant 0 : i32
      %dma_start3A_309 = tpu.memref_slice %arg6[%dma_start3A_300, %dma_start3A_307, %dma_start3A_308] : memref<8x16x128xf32, #tpu.memory_space<vmem>> -> memref<1x16x128xf32, #tpu.memory_space<vmem>>
      %dma_start3A_310 = tpu.memref_squeeze %dma_start3A_309 : memref<1x16x128xf32, #tpu.memory_space<vmem>> -> memref<16x128xf32, #tpu.memory_space<vmem>>
      %dma_start3A_311 = arith.constant 0 : i32
      %dma_start3A_312 = tpu.memref_slice %arg2[%dma_start3A_311, %mul3A_299] : memref<16x2600000xf32, #tpu.memory_space<hbm>> -> memref<16x128xf32, #tpu.memory_space<hbm>>
      tpu.enqueue_dma source(%dma_start3A_312 : memref<16x128xf32, #tpu.memory_space<hbm>>) target(%dma_start3A_310 : memref<16x128xf32, #tpu.memory_space<vmem>>) target_semaphore(%arg10 : memref<!tpu.dma_semaphore, #tpu.memory_space<semaphore_mem>>)
      %mul3A_313 = arith.constant 8 : i32
      %mul3A_314 = arith.muli %add3A_28, %mul3A_313 : i32
      %add3A_315 = arith.constant 7 : i32
      %add3A_316 = arith.addi %mul3A_314, %add3A_315 : i32
      %mul3A_317 = arith.constant 128 : i32
      %mul3A_318 = arith.muli %add3A_316, %mul3A_317 : i32
      %dma_start3A_319 = arith.constant 7 : i32
      %dma_start3A_320 = arith.constant 0 : i32
      %dma_start3A_321 = arith.constant 0 : i32
      %dma_start3A_322 = tpu.memref_slice %arg6[%dma_start3A_319, %dma_start3A_320, %dma_start3A_321] : memref<8x16x128xf32, #tpu.memory_space<vmem>> -> memref<1x16x128xf32, #tpu.memory_space<vmem>>
      %dma_start3A_323 = tpu.memref_squeeze %dma_start3A_322 : memref<1x16x128xf32, #tpu.memory_space<vmem>> -> memref<16x128xf32, #tpu.memory_space<vmem>>
      %dma_start3A_324 = arith.constant 0 : i32
      %dma_start3A_325 = tpu.memref_slice %arg2[%dma_start3A_324, %mul3A_318] : memref<16x2600000xf32, #tpu.memory_space<hbm>> -> memref<16x128xf32, #tpu.memory_space<hbm>>
      %dma_start3A_326 = arith.constant 0 : i32
      %dma_start3A_327 = arith.constant 0 : i32
      %dma_start3A_328 = tpu.memref_slice %arg6[%dma_start3A_319, %dma_start3A_326, %dma_start3A_327] : memref<8x16x128xf32, #tpu.memory_space<vmem>> -> memref<1x16x128xf32, #tpu.memory_space<vmem>>
      %dma_start3A_329 = tpu.memref_squeeze %dma_start3A_328 : memref<1x16x128xf32, #tpu.memory_space<vmem>> -> memref<16x128xf32, #tpu.memory_space<vmem>>
      %dma_start3A_330 = arith.constant 0 : i32
      %dma_start3A_331 = tpu.memref_slice %arg2[%dma_start3A_330, %mul3A_318] : memref<16x2600000xf32, #tpu.memory_space<hbm>> -> memref<16x128xf32, #tpu.memory_space<hbm>>
      tpu.enqueue_dma source(%dma_start3A_331 : memref<16x128xf32, #tpu.memory_space<hbm>>) target(%dma_start3A_329 : memref<16x128xf32, #tpu.memory_space<vmem>>) target_semaphore(%arg10 : memref<!tpu.dma_semaphore, #tpu.memory_space<semaphore_mem>>)
      %dma_wait3A = arith.constant 0 : i32
      %dma_wait3A_332 = arith.constant 0 : i32
      %dma_wait3A_333 = arith.constant 0 : i32
      %dma_wait3A_334 = tpu.memref_slice %arg5[%dma_wait3A, %dma_wait3A_332, %dma_wait3A_333] : memref<8x16x128xf32, #tpu.memory_space<vmem>> -> memref<1x16x128xf32, #tpu.memory_space<vmem>>
      %dma_wait3A_335 = tpu.memref_squeeze %dma_wait3A_334 : memref<1x16x128xf32, #tpu.memory_space<vmem>> -> memref<16x128xf32, #tpu.memory_space<vmem>>
      %dma_wait3A_336 = arith.constant 0 : i32
      %dma_wait3A_337 = tpu.memref_slice %arg2[%dma_wait3A_336, %mul3A_34] : memref<16x2600000xf32, #tpu.memory_space<hbm>> -> memref<16x128xf32, #tpu.memory_space<hbm>>
      %dma_wait3A_338 = arith.constant 0 : i32
      %dma_wait3A_339 = arith.constant 0 : i32
      %dma_wait3A_340 = tpu.memref_slice %arg5[%dma_wait3A, %dma_wait3A_338, %dma_wait3A_339] : memref<8x16x128xf32, #tpu.memory_space<vmem>> -> memref<1x16x128xf32, #tpu.memory_space<vmem>>
      %dma_wait3A_341 = tpu.memref_squeeze %dma_wait3A_340 : memref<1x16x128xf32, #tpu.memory_space<vmem>> -> memref<16x128xf32, #tpu.memory_space<vmem>>
      %dma_wait3A_342 = arith.constant 0 : i32
      %dma_wait3A_343 = tpu.memref_slice %arg2[%dma_wait3A_342, %mul3A_34] : memref<16x2600000xf32, #tpu.memory_space<hbm>> -> memref<16x128xf32, #tpu.memory_space<hbm>>
      tpu.wait_dma2 semaphore(%arg9 : memref<!tpu.dma_semaphore, #tpu.memory_space<semaphore_mem>>) src(%dma_wait3A_343 : memref<16x128xf32, #tpu.memory_space<hbm>>) dst(%dma_wait3A_341 : memref<16x128xf32, #tpu.memory_space<vmem>>)
      %dma_wait3A_344 = arith.constant 1 : i32
      %dma_wait3A_345 = arith.constant 0 : i32
      %dma_wait3A_346 = arith.constant 0 : i32
      %dma_wait3A_347 = tpu.memref_slice %arg5[%dma_wait3A_344, %dma_wait3A_345, %dma_wait3A_346] : memref<8x16x128xf32, #tpu.memory_space<vmem>> -> memref<1x16x128xf32, #tpu.memory_space<vmem>>
      %dma_wait3A_348 = tpu.memref_squeeze %dma_wait3A_347 : memref<1x16x128xf32, #tpu.memory_space<vmem>> -> memref<16x128xf32, #tpu.memory_space<vmem>>
      %dma_wait3A_349 = arith.constant 0 : i32
      %dma_wait3A_350 = tpu.memref_slice %arg2[%dma_wait3A_349, %mul3A_52] : memref<16x2600000xf32, #tpu.memory_space<hbm>> -> memref<16x128xf32, #tpu.memory_space<hbm>>
      %dma_wait3A_351 = arith.constant 0 : i32
      %dma_wait3A_352 = arith.constant 0 : i32
      %dma_wait3A_353 = tpu.memref_slice %arg5[%dma_wait3A_344, %dma_wait3A_351, %dma_wait3A_352] : memref<8x16x128xf32, #tpu.memory_space<vmem>> -> memref<1x16x128xf32, #tpu.memory_space<vmem>>
      %dma_wait3A_354 = tpu.memref_squeeze %dma_wait3A_353 : memref<1x16x128xf32, #tpu.memory_space<vmem>> -> memref<16x128xf32, #tpu.memory_space<vmem>>
      %dma_wait3A_355 = arith.constant 0 : i32
      %dma_wait3A_356 = tpu.memref_slice %arg2[%dma_wait3A_355, %mul3A_52] : memref<16x2600000xf32, #tpu.memory_space<hbm>> -> memref<16x128xf32, #tpu.memory_space<hbm>>
      tpu.wait_dma2 semaphore(%arg9 : memref<!tpu.dma_semaphore, #tpu.memory_space<semaphore_mem>>) src(%dma_wait3A_356 : memref<16x128xf32, #tpu.memory_space<hbm>>) dst(%dma_wait3A_354 : memref<16x128xf32, #tpu.memory_space<vmem>>)
      %dma_wait3A_357 = arith.constant 2 : i32
      %dma_wait3A_358 = arith.constant 0 : i32
      %dma_wait3A_359 = arith.constant 0 : i32
      %dma_wait3A_360 = tpu.memref_slice %arg5[%dma_wait3A_357, %dma_wait3A_358, %dma_wait3A_359] : memref<8x16x128xf32, #tpu.memory_space<vmem>> -> memref<1x16x128xf32, #tpu.memory_space<vmem>>
      %dma_wait3A_361 = tpu.memref_squeeze %dma_wait3A_360 : memref<1x16x128xf32, #tpu.memory_space<vmem>> -> memref<16x128xf32, #tpu.memory_space<vmem>>
      %dma_wait3A_362 = arith.constant 0 : i32
      %dma_wait3A_363 = tpu.memref_slice %arg2[%dma_wait3A_362, %mul3A_71] : memref<16x2600000xf32, #tpu.memory_space<hbm>> -> memref<16x128xf32, #tpu.memory_space<hbm>>
      %dma_wait3A_364 = arith.constant 0 : i32
      %dma_wait3A_365 = arith.constant 0 : i32
      %dma_wait3A_366 = tpu.memref_slice %arg5[%dma_wait3A_357, %dma_wait3A_364, %dma_wait3A_365] : memref<8x16x128xf32, #tpu.memory_space<vmem>> -> memref<1x16x128xf32, #tpu.memory_space<vmem>>
      %dma_wait3A_367 = tpu.memref_squeeze %dma_wait3A_366 : memref<1x16x128xf32, #tpu.memory_space<vmem>> -> memref<16x128xf32, #tpu.memory_space<vmem>>
      %dma_wait3A_368 = arith.constant 0 : i32
      %dma_wait3A_369 = tpu.memref_slice %arg2[%dma_wait3A_368, %mul3A_71] : memref<16x2600000xf32, #tpu.memory_space<hbm>> -> memref<16x128xf32, #tpu.memory_space<hbm>>
      tpu.wait_dma2 semaphore(%arg9 : memref<!tpu.dma_semaphore, #tpu.memory_space<semaphore_mem>>) src(%dma_wait3A_369 : memref<16x128xf32, #tpu.memory_space<hbm>>) dst(%dma_wait3A_367 : memref<16x128xf32, #tpu.memory_space<vmem>>)
      %dma_wait3A_370 = arith.constant 3 : i32
      %dma_wait3A_371 = arith.constant 0 : i32
      %dma_wait3A_372 = arith.constant 0 : i32
      %dma_wait3A_373 = tpu.memref_slice %arg5[%dma_wait3A_370, %dma_wait3A_371, %dma_wait3A_372] : memref<8x16x128xf32, #tpu.memory_space<vmem>> -> memref<1x16x128xf32, #tpu.memory_space<vmem>>
      %dma_wait3A_374 = tpu.memref_squeeze %dma_wait3A_373 : memref<1x16x128xf32, #tpu.memory_space<vmem>> -> memref<16x128xf32, #tpu.memory_space<vmem>>
      %dma_wait3A_375 = arith.constant 0 : i32
      %dma_wait3A_376 = tpu.memref_slice %arg2[%dma_wait3A_375, %mul3A_90] : memref<16x2600000xf32, #tpu.memory_space<hbm>> -> memref<16x128xf32, #tpu.memory_space<hbm>>
      %dma_wait3A_377 = arith.constant 0 : i32
      %dma_wait3A_378 = arith.constant 0 : i32
      %dma_wait3A_379 = tpu.memref_slice %arg5[%dma_wait3A_370, %dma_wait3A_377, %dma_wait3A_378] : memref<8x16x128xf32, #tpu.memory_space<vmem>> -> memref<1x16x128xf32, #tpu.memory_space<vmem>>
      %dma_wait3A_380 = tpu.memref_squeeze %dma_wait3A_379 : memref<1x16x128xf32, #tpu.memory_space<vmem>> -> memref<16x128xf32, #tpu.memory_space<vmem>>
      %dma_wait3A_381 = arith.constant 0 : i32
      %dma_wait3A_382 = tpu.memref_slice %arg2[%dma_wait3A_381, %mul3A_90] : memref<16x2600000xf32, #tpu.memory_space<hbm>> -> memref<16x128xf32, #tpu.memory_space<hbm>>
      tpu.wait_dma2 semaphore(%arg9 : memref<!tpu.dma_semaphore, #tpu.memory_space<semaphore_mem>>) src(%dma_wait3A_382 : memref<16x128xf32, #tpu.memory_space<hbm>>) dst(%dma_wait3A_380 : memref<16x128xf32, #tpu.memory_space<vmem>>)
      %dma_wait3A_383 = arith.constant 4 : i32
      %dma_wait3A_384 = arith.constant 0 : i32
      %dma_wait3A_385 = arith.constant 0 : i32
      %dma_wait3A_386 = tpu.memref_slice %arg5[%dma_wait3A_383, %dma_wait3A_384, %dma_wait3A_385] : memref<8x16x128xf32, #tpu.memory_space<vmem>> -> memref<1x16x128xf32, #tpu.memory_space<vmem>>
      %dma_wait3A_387 = tpu.memref_squeeze %dma_wait3A_386 : memref<1x16x128xf32, #tpu.memory_space<vmem>> -> memref<16x128xf32, #tpu.memory_space<vmem>>
      %dma_wait3A_388 = arith.constant 0 : i32
      %dma_wait3A_389 = tpu.memref_slice %arg2[%dma_wait3A_388, %mul3A_109] : memref<16x2600000xf32, #tpu.memory_space<hbm>> -> memref<16x128xf32, #tpu.memory_space<hbm>>
      %dma_wait3A_390 = arith.constant 0 : i32
      %dma_wait3A_391 = arith.constant 0 : i32
      %dma_wait3A_392 = tpu.memref_slice %arg5[%dma_wait3A_383, %dma_wait3A_390, %dma_wait3A_391] : memref<8x16x128xf32, #tpu.memory_space<vmem>> -> memref<1x16x128xf32, #tpu.memory_space<vmem>>
      %dma_wait3A_393 = tpu.memref_squeeze %dma_wait3A_392 : memref<1x16x128xf32, #tpu.memory_space<vmem>> -> memref<16x128xf32, #tpu.memory_space<vmem>>
      %dma_wait3A_394 = arith.constant 0 : i32
      %dma_wait3A_395 = tpu.memref_slice %arg2[%dma_wait3A_394, %mul3A_109] : memref<16x2600000xf32, #tpu.memory_space<hbm>> -> memref<16x128xf32, #tpu.memory_space<hbm>>
      tpu.wait_dma2 semaphore(%arg9 : memref<!tpu.dma_semaphore, #tpu.memory_space<semaphore_mem>>) src(%dma_wait3A_395 : memref<16x128xf32, #tpu.memory_space<hbm>>) dst(%dma_wait3A_393 : memref<16x128xf32, #tpu.memory_space<vmem>>)
      %dma_wait3A_396 = arith.constant 5 : i32
      %dma_wait3A_397 = arith.constant 0 : i32
      %dma_wait3A_398 = arith.constant 0 : i32
      %dma_wait3A_399 = tpu.memref_slice %arg5[%dma_wait3A_396, %dma_wait3A_397, %dma_wait3A_398] : memref<8x16x128xf32, #tpu.memory_space<vmem>> -> memref<1x16x128xf32, #tpu.memory_space<vmem>>
      %dma_wait3A_400 = tpu.memref_squeeze %dma_wait3A_399 : memref<1x16x128xf32, #tpu.memory_space<vmem>> -> memref<16x128xf32, #tpu.memory_space<vmem>>
      %dma_wait3A_401 = arith.constant 0 : i32
      %dma_wait3A_402 = tpu.memref_slice %arg2[%dma_wait3A_401, %mul3A_128] : memref<16x2600000xf32, #tpu.memory_space<hbm>> -> memref<16x128xf32, #tpu.memory_space<hbm>>
      %dma_wait3A_403 = arith.constant 0 : i32
      %dma_wait3A_404 = arith.constant 0 : i32
      %dma_wait3A_405 = tpu.memref_slice %arg5[%dma_wait3A_396, %dma_wait3A_403, %dma_wait3A_404] : memref<8x16x128xf32, #tpu.memory_space<vmem>> -> memref<1x16x128xf32, #tpu.memory_space<vmem>>
      %dma_wait3A_406 = tpu.memref_squeeze %dma_wait3A_405 : memref<1x16x128xf32, #tpu.memory_space<vmem>> -> memref<16x128xf32, #tpu.memory_space<vmem>>
      %dma_wait3A_407 = arith.constant 0 : i32
      %dma_wait3A_408 = tpu.memref_slice %arg2[%dma_wait3A_407, %mul3A_128] : memref<16x2600000xf32, #tpu.memory_space<hbm>> -> memref<16x128xf32, #tpu.memory_space<hbm>>
      tpu.wait_dma2 semaphore(%arg9 : memref<!tpu.dma_semaphore, #tpu.memory_space<semaphore_mem>>) src(%dma_wait3A_408 : memref<16x128xf32, #tpu.memory_space<hbm>>) dst(%dma_wait3A_406 : memref<16x128xf32, #tpu.memory_space<vmem>>)
      %dma_wait3A_409 = arith.constant 6 : i32
      %dma_wait3A_410 = arith.constant 0 : i32
      %dma_wait3A_411 = arith.constant 0 : i32
      %dma_wait3A_412 = tpu.memref_slice %arg5[%dma_wait3A_409, %dma_wait3A_410, %dma_wait3A_411] : memref<8x16x128xf32, #tpu.memory_space<vmem>> -> memref<1x16x128xf32, #tpu.memory_space<vmem>>
      %dma_wait3A_413 = tpu.memref_squeeze %dma_wait3A_412 : memref<1x16x128xf32, #tpu.memory_space<vmem>> -> memref<16x128xf32, #tpu.memory_space<vmem>>
      %dma_wait3A_414 = arith.constant 0 : i32
      %dma_wait3A_415 = tpu.memref_slice %arg2[%dma_wait3A_414, %mul3A_147] : memref<16x2600000xf32, #tpu.memory_space<hbm>> -> memref<16x128xf32, #tpu.memory_space<hbm>>
      %dma_wait3A_416 = arith.constant 0 : i32
      %dma_wait3A_417 = arith.constant 0 : i32
      %dma_wait3A_418 = tpu.memref_slice %arg5[%dma_wait3A_409, %dma_wait3A_416, %dma_wait3A_417] : memref<8x16x128xf32, #tpu.memory_space<vmem>> -> memref<1x16x128xf32, #tpu.memory_space<vmem>>
      %dma_wait3A_419 = tpu.memref_squeeze %dma_wait3A_418 : memref<1x16x128xf32, #tpu.memory_space<vmem>> -> memref<16x128xf32, #tpu.memory_space<vmem>>
      %dma_wait3A_420 = arith.constant 0 : i32
      %dma_wait3A_421 = tpu.memref_slice %arg2[%dma_wait3A_420, %mul3A_147] : memref<16x2600000xf32, #tpu.memory_space<hbm>> -> memref<16x128xf32, #tpu.memory_space<hbm>>
      tpu.wait_dma2 semaphore(%arg9 : memref<!tpu.dma_semaphore, #tpu.memory_space<semaphore_mem>>) src(%dma_wait3A_421 : memref<16x128xf32, #tpu.memory_space<hbm>>) dst(%dma_wait3A_419 : memref<16x128xf32, #tpu.memory_space<vmem>>)
      %dma_wait3A_422 = arith.constant 7 : i32
      %dma_wait3A_423 = arith.constant 0 : i32
      %dma_wait3A_424 = arith.constant 0 : i32
      %dma_wait3A_425 = tpu.memref_slice %arg5[%dma_wait3A_422, %dma_wait3A_423, %dma_wait3A_424] : memref<8x16x128xf32, #tpu.memory_space<vmem>> -> memref<1x16x128xf32, #tpu.memory_space<vmem>>
      %dma_wait3A_426 = tpu.memref_squeeze %dma_wait3A_425 : memref<1x16x128xf32, #tpu.memory_space<vmem>> -> memref<16x128xf32, #tpu.memory_space<vmem>>
      %dma_wait3A_427 = arith.constant 0 : i32
      %dma_wait3A_428 = tpu.memref_slice %arg2[%dma_wait3A_427, %mul3A_166] : memref<16x2600000xf32, #tpu.memory_space<hbm>> -> memref<16x128xf32, #tpu.memory_space<hbm>>
      %dma_wait3A_429 = arith.constant 0 : i32
      %dma_wait3A_430 = arith.constant 0 : i32
      %dma_wait3A_431 = tpu.memref_slice %arg5[%dma_wait3A_422, %dma_wait3A_429, %dma_wait3A_430] : memref<8x16x128xf32, #tpu.memory_space<vmem>> -> memref<1x16x128xf32, #tpu.memory_space<vmem>>
      %dma_wait3A_432 = tpu.memref_squeeze %dma_wait3A_431 : memref<1x16x128xf32, #tpu.memory_space<vmem>> -> memref<16x128xf32, #tpu.memory_space<vmem>>
      %dma_wait3A_433 = arith.constant 0 : i32
      %dma_wait3A_434 = tpu.memref_slice %arg2[%dma_wait3A_433, %mul3A_166] : memref<16x2600000xf32, #tpu.memory_space<hbm>> -> memref<16x128xf32, #tpu.memory_space<hbm>>
      tpu.wait_dma2 semaphore(%arg9 : memref<!tpu.dma_semaphore, #tpu.memory_space<semaphore_mem>>) src(%dma_wait3A_434 : memref<16x128xf32, #tpu.memory_space<hbm>>) dst(%dma_wait3A_432 : memref<16x128xf32, #tpu.memory_space<vmem>>)
      %parallel_loop3A = arith.constant 0 : i32
      %parallel_loop3A_435 = arith.constant 1024 : i32
      %parallel_loop3A_436 = arith.constant 1 : i32
      scf.for %parallel_loop3A_556 = %parallel_loop3A to %parallel_loop3A_435 step %parallel_loop3A_436  : i32 {
        %parallel_loop3A_557 = arith.constant 3 : i32
        %parallel_loop3A_558 = arith.shrsi %parallel_loop3A_556, %parallel_loop3A_557 : i32
        %parallel_loop3A_559 = arith.constant 7 : i32
        %parallel_loop3A_560 = arith.andi %parallel_loop3A_556, %parallel_loop3A_559 : i32
        %parallel_loop3A_561 = arith.constant 4 : i32
        %parallel_loop3A_562 = arith.shrsi %parallel_loop3A_558, %parallel_loop3A_561 : i32
        %parallel_loop3A_563 = arith.constant 15 : i32
        %parallel_loop3A_564 = arith.andi %parallel_loop3A_558, %parallel_loop3A_563 : i32
        %parallel_loop3A_565 = arith.constant 16 : i32
        %parallel_loop3A_566 = arith.muli %parallel_loop3A_560, %parallel_loop3A_565 : i32
        %parallel_loop3A_567 = arith.index_cast %parallel_loop3A_562 : i32 to index
        %parallel_loop3A_568 = arith.index_cast %parallel_loop3A_564 : i32 to index
        %parallel_loop3A_569 = arith.index_cast %parallel_loop3A_566 : i32 to index
        %parallel_loop3A_570 = tpu.vector_load %arg5[%parallel_loop3A_567, %parallel_loop3A_568, %parallel_loop3A_569] {strides = array<i32>} : memref<8x16x128xf32, #tpu.memory_space<vmem>>, vector<16xf32>,
        %parallel_loop3A_571 = arith.constant 2048 : i32
        %parallel_loop3A_572 = arith.muli %parallel_loop3A_562, %parallel_loop3A_571 : i32
        %parallel_loop3A_573 = arith.constant 256 : i32
        %parallel_loop3A_574 = arith.muli %parallel_loop3A_560, %parallel_loop3A_573 : i32
        %parallel_loop3A_575 = arith.addi %parallel_loop3A_572, %parallel_loop3A_574 : i32
        %parallel_loop3A_576 = arith.addi %parallel_loop3A_575, %parallel_loop3A_564 : i32
        %parallel_loop3A_577 = vector.broadcast %parallel_loop3A_576 : i32 to vector<16xi32>
        %parallel_loop3A_578 = arith.addi %mul3A_10, %parallel_loop3A_577 : vector<16xi32>
        tpu.vector_store_idx %arg7[%parallel_loop3A_578], %parallel_loop3A_570 : memref<16384xf32, #tpu.memory_space<vmem>>[vector<16xi32>], vector<16xf32>,
      } {sc.loop_unroll_factor = 16 : i64, sc.parallel_access}
      %mul3A_437 = arith.constant 16384 : i32
      %mul3A_438 = arith.muli %mul3A_26, %mul3A_437 : i32
      %dma_start3A_439 = tpu.memref_slice %arg4[%mul3A_438] : memref<41600000xf32, #tpu.memory_space<hbm>> -> memref<16384xf32, #tpu.memory_space<hbm>>
      %dma_start3A_440 = tpu.memref_slice %arg4[%mul3A_438] : memref<41600000xf32, #tpu.memory_space<hbm>> -> memref<16384xf32, #tpu.memory_space<hbm>>
      tpu.enqueue_dma source(%arg7 : memref<16384xf32, #tpu.memory_space<vmem>>) target(%dma_start3A_440 : memref<16384xf32, #tpu.memory_space<hbm>>) target_semaphore(%arg9 : memref<!tpu.dma_semaphore, #tpu.memory_space<semaphore_mem>>)
      %dma_wait3A_441 = arith.constant 0 : i32
      %dma_wait3A_442 = arith.constant 0 : i32
      %dma_wait3A_443 = arith.constant 0 : i32
      %dma_wait3A_444 = tpu.memref_slice %arg6[%dma_wait3A_441, %dma_wait3A_442, %dma_wait3A_443] : memref<8x16x128xf32, #tpu.memory_space<vmem>> -> memref<1x16x128xf32, #tpu.memory_space<vmem>>
      %dma_wait3A_445 = tpu.memref_squeeze %dma_wait3A_444 : memref<1x16x128xf32, #tpu.memory_space<vmem>> -> memref<16x128xf32, #tpu.memory_space<vmem>>
      %dma_wait3A_446 = arith.constant 0 : i32
      %dma_wait3A_447 = tpu.memref_slice %arg2[%dma_wait3A_446, %mul3A_185] : memref<16x2600000xf32, #tpu.memory_space<hbm>> -> memref<16x128xf32, #tpu.memory_space<hbm>>
      %dma_wait3A_448 = arith.constant 0 : i32
      %dma_wait3A_449 = arith.constant 0 : i32
      %dma_wait3A_450 = tpu.memref_slice %arg6[%dma_wait3A_441, %dma_wait3A_448, %dma_wait3A_449] : memref<8x16x128xf32, #tpu.memory_space<vmem>> -> memref<1x16x128xf32, #tpu.memory_space<vmem>>
      %dma_wait3A_451 = tpu.memref_squeeze %dma_wait3A_450 : memref<1x16x128xf32, #tpu.memory_space<vmem>> -> memref<16x128xf32, #tpu.memory_space<vmem>>
      %dma_wait3A_452 = arith.constant 0 : i32
      %dma_wait3A_453 = tpu.memref_slice %arg2[%dma_wait3A_452, %mul3A_185] : memref<16x2600000xf32, #tpu.memory_space<hbm>> -> memref<16x128xf32, #tpu.memory_space<hbm>>
      tpu.wait_dma2 semaphore(%arg10 : memref<!tpu.dma_semaphore, #tpu.memory_space<semaphore_mem>>) src(%dma_wait3A_453 : memref<16x128xf32, #tpu.memory_space<hbm>>) dst(%dma_wait3A_451 : memref<16x128xf32, #tpu.memory_space<vmem>>)
      %dma_wait3A_454 = arith.constant 1 : i32
      %dma_wait3A_455 = arith.constant 0 : i32
      %dma_wait3A_456 = arith.constant 0 : i32
      %dma_wait3A_457 = tpu.memref_slice %arg6[%dma_wait3A_454, %dma_wait3A_455, %dma_wait3A_456] : memref<8x16x128xf32, #tpu.memory_space<vmem>> -> memref<1x16x128xf32, #tpu.memory_space<vmem>>
      %dma_wait3A_458 = tpu.memref_squeeze %dma_wait3A_457 : memref<1x16x128xf32, #tpu.memory_space<vmem>> -> memref<16x128xf32, #tpu.memory_space<vmem>>
      %dma_wait3A_459 = arith.constant 0 : i32
      %dma_wait3A_460 = tpu.memref_slice %arg2[%dma_wait3A_459, %mul3A_204] : memref<16x2600000xf32, #tpu.memory_space<hbm>> -> memref<16x128xf32, #tpu.memory_space<hbm>>
      %dma_wait3A_461 = arith.constant 0 : i32
      %dma_wait3A_462 = arith.constant 0 : i32
      %dma_wait3A_463 = tpu.memref_slice %arg6[%dma_wait3A_454, %dma_wait3A_461, %dma_wait3A_462] : memref<8x16x128xf32, #tpu.memory_space<vmem>> -> memref<1x16x128xf32, #tpu.memory_space<vmem>>
      %dma_wait3A_464 = tpu.memref_squeeze %dma_wait3A_463 : memref<1x16x128xf32, #tpu.memory_space<vmem>> -> memref<16x128xf32, #tpu.memory_space<vmem>>
      %dma_wait3A_465 = arith.constant 0 : i32
      %dma_wait3A_466 = tpu.memref_slice %arg2[%dma_wait3A_465, %mul3A_204] : memref<16x2600000xf32, #tpu.memory_space<hbm>> -> memref<16x128xf32, #tpu.memory_space<hbm>>
      tpu.wait_dma2 semaphore(%arg10 : memref<!tpu.dma_semaphore, #tpu.memory_space<semaphore_mem>>) src(%dma_wait3A_466 : memref<16x128xf32, #tpu.memory_space<hbm>>) dst(%dma_wait3A_464 : memref<16x128xf32, #tpu.memory_space<vmem>>)
      %dma_wait3A_467 = arith.constant 2 : i32
      %dma_wait3A_468 = arith.constant 0 : i32
      %dma_wait3A_469 = arith.constant 0 : i32
      %dma_wait3A_470 = tpu.memref_slice %arg6[%dma_wait3A_467, %dma_wait3A_468, %dma_wait3A_469] : memref<8x16x128xf32, #tpu.memory_space<vmem>> -> memref<1x16x128xf32, #tpu.memory_space<vmem>>
      %dma_wait3A_471 = tpu.memref_squeeze %dma_wait3A_470 : memref<1x16x128xf32, #tpu.memory_space<vmem>> -> memref<16x128xf32, #tpu.memory_space<vmem>>
      %dma_wait3A_472 = arith.constant 0 : i32
      %dma_wait3A_473 = tpu.memref_slice %arg2[%dma_wait3A_472, %mul3A_223] : memref<16x2600000xf32, #tpu.memory_space<hbm>> -> memref<16x128xf32, #tpu.memory_space<hbm>>
      %dma_wait3A_474 = arith.constant 0 : i32
      %dma_wait3A_475 = arith.constant 0 : i32
      %dma_wait3A_476 = tpu.memref_slice %arg6[%dma_wait3A_467, %dma_wait3A_474, %dma_wait3A_475] : memref<8x16x128xf32, #tpu.memory_space<vmem>> -> memref<1x16x128xf32, #tpu.memory_space<vmem>>
      %dma_wait3A_477 = tpu.memref_squeeze %dma_wait3A_476 : memref<1x16x128xf32, #tpu.memory_space<vmem>> -> memref<16x128xf32, #tpu.memory_space<vmem>>
      %dma_wait3A_478 = arith.constant 0 : i32
      %dma_wait3A_479 = tpu.memref_slice %arg2[%dma_wait3A_478, %mul3A_223] : memref<16x2600000xf32, #tpu.memory_space<hbm>> -> memref<16x128xf32, #tpu.memory_space<hbm>>
      tpu.wait_dma2 semaphore(%arg10 : memref<!tpu.dma_semaphore, #tpu.memory_space<semaphore_mem>>) src(%dma_wait3A_479 : memref<16x128xf32, #tpu.memory_space<hbm>>) dst(%dma_wait3A_477 : memref<16x128xf32, #tpu.memory_space<vmem>>)
      %dma_wait3A_480 = arith.constant 3 : i32
      %dma_wait3A_481 = arith.constant 0 : i32
      %dma_wait3A_482 = arith.constant 0 : i32
      %dma_wait3A_483 = tpu.memref_slice %arg6[%dma_wait3A_480, %dma_wait3A_481, %dma_wait3A_482] : memref<8x16x128xf32, #tpu.memory_space<vmem>> -> memref<1x16x128xf32, #tpu.memory_space<vmem>>
      %dma_wait3A_484 = tpu.memref_squeeze %dma_wait3A_483 : memref<1x16x128xf32, #tpu.memory_space<vmem>> -> memref<16x128xf32, #tpu.memory_space<vmem>>
      %dma_wait3A_485 = arith.constant 0 : i32
      %dma_wait3A_486 = tpu.memref_slice %arg2[%dma_wait3A_485, %mul3A_242] : memref<16x2600000xf32, #tpu.memory_space<hbm>> -> memref<16x128xf32, #tpu.memory_space<hbm>>
      %dma_wait3A_487 = arith.constant 0 : i32
      %dma_wait3A_488 = arith.constant 0 : i32
      %dma_wait3A_489 = tpu.memref_slice %arg6[%dma_wait3A_480, %dma_wait3A_487, %dma_wait3A_488] : memref<8x16x128xf32, #tpu.memory_space<vmem>> -> memref<1x16x128xf32, #tpu.memory_space<vmem>>
      %dma_wait3A_490 = tpu.memref_squeeze %dma_wait3A_489 : memref<1x16x128xf32, #tpu.memory_space<vmem>> -> memref<16x128xf32, #tpu.memory_space<vmem>>
      %dma_wait3A_491 = arith.constant 0 : i32
      %dma_wait3A_492 = tpu.memref_slice %arg2[%dma_wait3A_491, %mul3A_242] : memref<16x2600000xf32, #tpu.memory_space<hbm>> -> memref<16x128xf32, #tpu.memory_space<hbm>>
      tpu.wait_dma2 semaphore(%arg10 : memref<!tpu.dma_semaphore, #tpu.memory_space<semaphore_mem>>) src(%dma_wait3A_492 : memref<16x128xf32, #tpu.memory_space<hbm>>) dst(%dma_wait3A_490 : memref<16x128xf32, #tpu.memory_space<vmem>>)
      %dma_wait3A_493 = arith.constant 4 : i32
      %dma_wait3A_494 = arith.constant 0 : i32
      %dma_wait3A_495 = arith.constant 0 : i32
      %dma_wait3A_496 = tpu.memref_slice %arg6[%dma_wait3A_493, %dma_wait3A_494, %dma_wait3A_495] : memref<8x16x128xf32, #tpu.memory_space<vmem>> -> memref<1x16x128xf32, #tpu.memory_space<vmem>>
      %dma_wait3A_497 = tpu.memref_squeeze %dma_wait3A_496 : memref<1x16x128xf32, #tpu.memory_space<vmem>> -> memref<16x128xf32, #tpu.memory_space<vmem>>
      %dma_wait3A_498 = arith.constant 0 : i32
      %dma_wait3A_499 = tpu.memref_slice %arg2[%dma_wait3A_498, %mul3A_261] : memref<16x2600000xf32, #tpu.memory_space<hbm>> -> memref<16x128xf32, #tpu.memory_space<hbm>>
      %dma_wait3A_500 = arith.constant 0 : i32
      %dma_wait3A_501 = arith.constant 0 : i32
      %dma_wait3A_502 = tpu.memref_slice %arg6[%dma_wait3A_493, %dma_wait3A_500, %dma_wait3A_501] : memref<8x16x128xf32, #tpu.memory_space<vmem>> -> memref<1x16x128xf32, #tpu.memory_space<vmem>>
      %dma_wait3A_503 = tpu.memref_squeeze %dma_wait3A_502 : memref<1x16x128xf32, #tpu.memory_space<vmem>> -> memref<16x128xf32, #tpu.memory_space<vmem>>
      %dma_wait3A_504 = arith.constant 0 : i32
      %dma_wait3A_505 = tpu.memref_slice %arg2[%dma_wait3A_504, %mul3A_261] : memref<16x2600000xf32, #tpu.memory_space<hbm>> -> memref<16x128xf32, #tpu.memory_space<hbm>>
      tpu.wait_dma2 semaphore(%arg10 : memref<!tpu.dma_semaphore, #tpu.memory_space<semaphore_mem>>) src(%dma_wait3A_505 : memref<16x128xf32, #tpu.memory_space<hbm>>) dst(%dma_wait3A_503 : memref<16x128xf32, #tpu.memory_space<vmem>>)
      %dma_wait3A_506 = arith.constant 5 : i32
      %dma_wait3A_507 = arith.constant 0 : i32
      %dma_wait3A_508 = arith.constant 0 : i32
      %dma_wait3A_509 = tpu.memref_slice %arg6[%dma_wait3A_506, %dma_wait3A_507, %dma_wait3A_508] : memref<8x16x128xf32, #tpu.memory_space<vmem>> -> memref<1x16x128xf32, #tpu.memory_space<vmem>>
      %dma_wait3A_510 = tpu.memref_squeeze %dma_wait3A_509 : memref<1x16x128xf32, #tpu.memory_space<vmem>> -> memref<16x128xf32, #tpu.memory_space<vmem>>
      %dma_wait3A_511 = arith.constant 0 : i32
      %dma_wait3A_512 = tpu.memref_slice %arg2[%dma_wait3A_511, %mul3A_280] : memref<16x2600000xf32, #tpu.memory_space<hbm>> -> memref<16x128xf32, #tpu.memory_space<hbm>>
      %dma_wait3A_513 = arith.constant 0 : i32
      %dma_wait3A_514 = arith.constant 0 : i32
      %dma_wait3A_515 = tpu.memref_slice %arg6[%dma_wait3A_506, %dma_wait3A_513, %dma_wait3A_514] : memref<8x16x128xf32, #tpu.memory_space<vmem>> -> memref<1x16x128xf32, #tpu.memory_space<vmem>>
      %dma_wait3A_516 = tpu.memref_squeeze %dma_wait3A_515 : memref<1x16x128xf32, #tpu.memory_space<vmem>> -> memref<16x128xf32, #tpu.memory_space<vmem>>
      %dma_wait3A_517 = arith.constant 0 : i32
      %dma_wait3A_518 = tpu.memref_slice %arg2[%dma_wait3A_517, %mul3A_280] : memref<16x2600000xf32, #tpu.memory_space<hbm>> -> memref<16x128xf32, #tpu.memory_space<hbm>>
      tpu.wait_dma2 semaphore(%arg10 : memref<!tpu.dma_semaphore, #tpu.memory_space<semaphore_mem>>) src(%dma_wait3A_518 : memref<16x128xf32, #tpu.memory_space<hbm>>) dst(%dma_wait3A_516 : memref<16x128xf32, #tpu.memory_space<vmem>>)
      %dma_wait3A_519 = arith.constant 6 : i32
      %dma_wait3A_520 = arith.constant 0 : i32
      %dma_wait3A_521 = arith.constant 0 : i32
      %dma_wait3A_522 = tpu.memref_slice %arg6[%dma_wait3A_519, %dma_wait3A_520, %dma_wait3A_521] : memref<8x16x128xf32, #tpu.memory_space<vmem>> -> memref<1x16x128xf32, #tpu.memory_space<vmem>>
      %dma_wait3A_523 = tpu.memref_squeeze %dma_wait3A_522 : memref<1x16x128xf32, #tpu.memory_space<vmem>> -> memref<16x128xf32, #tpu.memory_space<vmem>>
      %dma_wait3A_524 = arith.constant 0 : i32
      %dma_wait3A_525 = tpu.memref_slice %arg2[%dma_wait3A_524, %mul3A_299] : memref<16x2600000xf32, #tpu.memory_space<hbm>> -> memref<16x128xf32, #tpu.memory_space<hbm>>
      %dma_wait3A_526 = arith.constant 0 : i32
      %dma_wait3A_527 = arith.constant 0 : i32
      %dma_wait3A_528 = tpu.memref_slice %arg6[%dma_wait3A_519, %dma_wait3A_526, %dma_wait3A_527] : memref<8x16x128xf32, #tpu.memory_space<vmem>> -> memref<1x16x128xf32, #tpu.memory_space<vmem>>
      %dma_wait3A_529 = tpu.memref_squeeze %dma_wait3A_528 : memref<1x16x128xf32, #tpu.memory_space<vmem>> -> memref<16x128xf32, #tpu.memory_space<vmem>>
      %dma_wait3A_530 = arith.constant 0 : i32
      %dma_wait3A_531 = tpu.memref_slice %arg2[%dma_wait3A_530, %mul3A_299] : memref<16x2600000xf32, #tpu.memory_space<hbm>> -> memref<16x128xf32, #tpu.memory_space<hbm>>
      tpu.wait_dma2 semaphore(%arg10 : memref<!tpu.dma_semaphore, #tpu.memory_space<semaphore_mem>>) src(%dma_wait3A_531 : memref<16x128xf32, #tpu.memory_space<hbm>>) dst(%dma_wait3A_529 : memref<16x128xf32, #tpu.memory_space<vmem>>)
      %dma_wait3A_532 = arith.constant 7 : i32
      %dma_wait3A_533 = arith.constant 0 : i32
      %dma_wait3A_534 = arith.constant 0 : i32
      %dma_wait3A_535 = tpu.memref_slice %arg6[%dma_wait3A_532, %dma_wait3A_533, %dma_wait3A_534] : memref<8x16x128xf32, #tpu.memory_space<vmem>> -> memref<1x16x128xf32, #tpu.memory_space<vmem>>
      %dma_wait3A_536 = tpu.memref_squeeze %dma_wait3A_535 : memref<1x16x128xf32, #tpu.memory_space<vmem>> -> memref<16x128xf32, #tpu.memory_space<vmem>>
      %dma_wait3A_537 = arith.constant 0 : i32
      %dma_wait3A_538 = tpu.memref_slice %arg2[%dma_wait3A_537, %mul3A_318] : memref<16x2600000xf32, #tpu.memory_space<hbm>> -> memref<16x128xf32, #tpu.memory_space<hbm>>
      %dma_wait3A_539 = arith.constant 0 : i32
      %dma_wait3A_540 = arith.constant 0 : i32
      %dma_wait3A_541 = tpu.memref_slice %arg6[%dma_wait3A_532, %dma_wait3A_539, %dma_wait3A_540] : memref<8x16x128xf32, #tpu.memory_space<vmem>> -> memref<1x16x128xf32, #tpu.memory_space<vmem>>
      %dma_wait3A_542 = tpu.memref_squeeze %dma_wait3A_541 : memref<1x16x128xf32, #tpu.memory_space<vmem>> -> memref<16x128xf32, #tpu.memory_space<vmem>>
      %dma_wait3A_543 = arith.constant 0 : i32
      %dma_wait3A_544 = tpu.memref_slice %arg2[%dma_wait3A_543, %mul3A_318] : memref<16x2600000xf32, #tpu.memory_space<hbm>> -> memref<16x128xf32, #tpu.memory_space<hbm>>
      tpu.wait_dma2 semaphore(%arg10 : memref<!tpu.dma_semaphore, #tpu.memory_space<semaphore_mem>>) src(%dma_wait3A_544 : memref<16x128xf32, #tpu.memory_space<hbm>>) dst(%dma_wait3A_542 : memref<16x128xf32, #tpu.memory_space<vmem>>)
      %parallel_loop3A_545 = arith.constant 0 : i32
      %parallel_loop3A_546 = arith.constant 1024 : i32
      %parallel_loop3A_547 = arith.constant 1 : i32
      scf.for %parallel_loop3A_556 = %parallel_loop3A_545 to %parallel_loop3A_546 step %parallel_loop3A_547  : i32 {
        %parallel_loop3A_557 = arith.constant 3 : i32
        %parallel_loop3A_558 = arith.shrsi %parallel_loop3A_556, %parallel_loop3A_557 : i32
        %parallel_loop3A_559 = arith.constant 7 : i32
        %parallel_loop3A_560 = arith.andi %parallel_loop3A_556, %parallel_loop3A_559 : i32
        %parallel_loop3A_561 = arith.constant 4 : i32
        %parallel_loop3A_562 = arith.shrsi %parallel_loop3A_558, %parallel_loop3A_561 : i32
        %parallel_loop3A_563 = arith.constant 15 : i32
        %parallel_loop3A_564 = arith.andi %parallel_loop3A_558, %parallel_loop3A_563 : i32
        %parallel_loop3A_565 = arith.constant 16 : i32
        %parallel_loop3A_566 = arith.muli %parallel_loop3A_560, %parallel_loop3A_565 : i32
        %parallel_loop3A_567 = arith.index_cast %parallel_loop3A_562 : i32 to index
        %parallel_loop3A_568 = arith.index_cast %parallel_loop3A_564 : i32 to index
        %parallel_loop3A_569 = arith.index_cast %parallel_loop3A_566 : i32 to index
        %parallel_loop3A_570 = tpu.vector_load %arg6[%parallel_loop3A_567, %parallel_loop3A_568, %parallel_loop3A_569] {strides = array<i32>} : memref<8x16x128xf32, #tpu.memory_space<vmem>>, vector<16xf32>,
        %parallel_loop3A_571 = arith.constant 2048 : i32
        %parallel_loop3A_572 = arith.muli %parallel_loop3A_562, %parallel_loop3A_571 : i32
        %parallel_loop3A_573 = arith.constant 256 : i32
        %parallel_loop3A_574 = arith.muli %parallel_loop3A_560, %parallel_loop3A_573 : i32
        %parallel_loop3A_575 = arith.addi %parallel_loop3A_572, %parallel_loop3A_574 : i32
        %parallel_loop3A_576 = arith.addi %parallel_loop3A_575, %parallel_loop3A_564 : i32
        %parallel_loop3A_577 = vector.broadcast %parallel_loop3A_576 : i32 to vector<16xi32>
        %parallel_loop3A_578 = arith.addi %mul3A_10, %parallel_loop3A_577 : vector<16xi32>
        tpu.vector_store_idx %arg8[%parallel_loop3A_578], %parallel_loop3A_570 : memref<16384xf32, #tpu.memory_space<vmem>>[vector<16xi32>], vector<16xf32>,
      } {sc.loop_unroll_factor = 16 : i64, sc.parallel_access}
      %mul3A_548 = arith.constant 16384 : i32
      %mul3A_549 = arith.muli %add3A_28, %mul3A_548 : i32
      %dma_start3A_550 = tpu.memref_slice %arg4[%mul3A_549] : memref<41600000xf32, #tpu.memory_space<hbm>> -> memref<16384xf32, #tpu.memory_space<hbm>>
      %dma_start3A_551 = tpu.memref_slice %arg4[%mul3A_549] : memref<41600000xf32, #tpu.memory_space<hbm>> -> memref<16384xf32, #tpu.memory_space<hbm>>
      tpu.enqueue_dma source(%arg8 : memref<16384xf32, #tpu.memory_space<vmem>>) target(%dma_start3A_551 : memref<16384xf32, #tpu.memory_space<hbm>>) target_semaphore(%arg10 : memref<!tpu.dma_semaphore, #tpu.memory_space<semaphore_mem>>)
      %dma_wait3A_552 = tpu.memref_slice %arg4[%mul3A_438] : memref<41600000xf32, #tpu.memory_space<hbm>> -> memref<16384xf32, #tpu.memory_space<hbm>>
      %dma_wait3A_553 = tpu.memref_slice %arg4[%mul3A_438] : memref<41600000xf32, #tpu.memory_space<hbm>> -> memref<16384xf32, #tpu.memory_space<hbm>>
      tpu.wait_dma2 semaphore(%arg9 : memref<!tpu.dma_semaphore, #tpu.memory_space<semaphore_mem>>) src(%arg7 : memref<16384xf32, #tpu.memory_space<vmem>>) dst(%dma_wait3A_553 : memref<16384xf32, #tpu.memory_space<hbm>>)
      %dma_wait3A_554 = tpu.memref_slice %arg4[%mul3A_549] : memref<41600000xf32, #tpu.memory_space<hbm>> -> memref<16384xf32, #tpu.memory_space<hbm>>
      %dma_wait3A_555 = tpu.memref_slice %arg4[%mul3A_549] : memref<41600000xf32, #tpu.memory_space<hbm>> -> memref<16384xf32, #tpu.memory_space<hbm>>
      tpu.wait_dma2 semaphore(%arg10 : memref<!tpu.dma_semaphore, #tpu.memory_space<semaphore_mem>>) src(%arg8 : memref<16384xf32, #tpu.memory_space<vmem>>) dst(%dma_wait3A_555 : memref<16384xf32, #tpu.memory_space<hbm>>)
    }
    %eq3A = arith.constant 31 : i32
    %eq3A_20 = arith.cmpi eq, %add3A, %eq3A : i32
    %convert_element_type3A_21 = arith.extui %eq3A_20 : i1 to i32
    %cond3A = arith.constant 0 : i32
    %cond3A_22 = arith.cmpi ne, %convert_element_type3A_21, %cond3A : i32
    scf.if %cond3A_22 {
      %dma_start3A = arith.constant 0 : i32
      %dma_start3A_23 = arith.constant 0 : i32
      %dma_start3A_24 = arith.constant 0 : i32
      %dma_start3A_25 = tpu.memref_slice %arg5[%dma_start3A, %dma_start3A_23, %dma_start3A_24] : memref<8x16x128xf32, #tpu.memory_space<vmem>> -> memref<1x16x128xf32, #tpu.memory_space<vmem>>
      %dma_start3A_26 = tpu.memref_squeeze %dma_start3A_25 : memref<1x16x128xf32, #tpu.memory_space<vmem>> -> memref<16x128xf32, #tpu.memory_space<vmem>>
      %dma_start3A_27 = arith.constant 0 : i32
      %dma_start3A_28 = arith.constant 2598912 : i32
      %dma_start3A_29 = tpu.memref_slice %arg2[%dma_start3A_27, %dma_start3A_28] : memref<16x2600000xf32, #tpu.memory_space<hbm>> -> memref<16x128xf32, #tpu.memory_space<hbm>>
      %dma_start3A_30 = arith.constant 0 : i32
      %dma_start3A_31 = arith.constant 0 : i32
      %dma_start3A_32 = tpu.memref_slice %arg5[%dma_start3A, %dma_start3A_30, %dma_start3A_31] : memref<8x16x128xf32, #tpu.memory_space<vmem>> -> memref<1x16x128xf32, #tpu.memory_space<vmem>>
      %dma_start3A_33 = tpu.memref_squeeze %dma_start3A_32 : memref<1x16x128xf32, #tpu.memory_space<vmem>> -> memref<16x128xf32, #tpu.memory_space<vmem>>
      %dma_start3A_34 = arith.constant 0 : i32
      %dma_start3A_35 = arith.constant 2598912 : i32
      %dma_start3A_36 = tpu.memref_slice %arg2[%dma_start3A_34, %dma_start3A_35] : memref<16x2600000xf32, #tpu.memory_space<hbm>> -> memref<16x128xf32, #tpu.memory_space<hbm>>
      tpu.enqueue_dma source(%dma_start3A_36 : memref<16x128xf32, #tpu.memory_space<hbm>>) target(%dma_start3A_33 : memref<16x128xf32, #tpu.memory_space<vmem>>) target_semaphore(%arg9 : memref<!tpu.dma_semaphore, #tpu.memory_space<semaphore_mem>>)
      %dma_start3A_37 = arith.constant 1 : i32
      %dma_start3A_38 = arith.constant 0 : i32
      %dma_start3A_39 = arith.constant 0 : i32
      %dma_start3A_40 = tpu.memref_slice %arg5[%dma_start3A_37, %dma_start3A_38, %dma_start3A_39] : memref<8x16x128xf32, #tpu.memory_space<vmem>> -> memref<1x16x128xf32, #tpu.memory_space<vmem>>
      %dma_start3A_41 = tpu.memref_squeeze %dma_start3A_40 : memref<1x16x128xf32, #tpu.memory_space<vmem>> -> memref<16x128xf32, #tpu.memory_space<vmem>>
      %dma_start3A_42 = arith.constant 0 : i32
      %dma_start3A_43 = arith.constant 2599040 : i32
      %dma_start3A_44 = tpu.memref_slice %arg2[%dma_start3A_42, %dma_start3A_43] : memref<16x2600000xf32, #tpu.memory_space<hbm>> -> memref<16x128xf32, #tpu.memory_space<hbm>>
      %dma_start3A_45 = arith.constant 0 : i32
      %dma_start3A_46 = arith.constant 0 : i32
      %dma_start3A_47 = tpu.memref_slice %arg5[%dma_start3A_37, %dma_start3A_45, %dma_start3A_46] : memref<8x16x128xf32, #tpu.memory_space<vmem>> -> memref<1x16x128xf32, #tpu.memory_space<vmem>>
      %dma_start3A_48 = tpu.memref_squeeze %dma_start3A_47 : memref<1x16x128xf32, #tpu.memory_space<vmem>> -> memref<16x128xf32, #tpu.memory_space<vmem>>
      %dma_start3A_49 = arith.constant 0 : i32
      %dma_start3A_50 = arith.constant 2599040 : i32
      %dma_start3A_51 = tpu.memref_slice %arg2[%dma_start3A_49, %dma_start3A_50] : memref<16x2600000xf32, #tpu.memory_space<hbm>> -> memref<16x128xf32, #tpu.memory_space<hbm>>
      tpu.enqueue_dma source(%dma_start3A_51 : memref<16x128xf32, #tpu.memory_space<hbm>>) target(%dma_start3A_48 : memref<16x128xf32, #tpu.memory_space<vmem>>) target_semaphore(%arg9 : memref<!tpu.dma_semaphore, #tpu.memory_space<semaphore_mem>>)
      %dma_start3A_52 = arith.constant 2 : i32
      %dma_start3A_53 = arith.constant 0 : i32
      %dma_start3A_54 = arith.constant 0 : i32
      %dma_start3A_55 = tpu.memref_slice %arg5[%dma_start3A_52, %dma_start3A_53, %dma_start3A_54] : memref<8x16x128xf32, #tpu.memory_space<vmem>> -> memref<1x16x128xf32, #tpu.memory_space<vmem>>
      %dma_start3A_56 = tpu.memref_squeeze %dma_start3A_55 : memref<1x16x128xf32, #tpu.memory_space<vmem>> -> memref<16x128xf32, #tpu.memory_space<vmem>>
      %dma_start3A_57 = arith.constant 0 : i32
      %dma_start3A_58 = arith.constant 2599168 : i32
      %dma_start3A_59 = tpu.memref_slice %arg2[%dma_start3A_57, %dma_start3A_58] : memref<16x2600000xf32, #tpu.memory_space<hbm>> -> memref<16x128xf32, #tpu.memory_space<hbm>>
      %dma_start3A_60 = arith.constant 0 : i32
      %dma_start3A_61 = arith.constant 0 : i32
      %dma_start3A_62 = tpu.memref_slice %arg5[%dma_start3A_52, %dma_start3A_60, %dma_start3A_61] : memref<8x16x128xf32, #tpu.memory_space<vmem>> -> memref<1x16x128xf32, #tpu.memory_space<vmem>>
      %dma_start3A_63 = tpu.memref_squeeze %dma_start3A_62 : memref<1x16x128xf32, #tpu.memory_space<vmem>> -> memref<16x128xf32, #tpu.memory_space<vmem>>
      %dma_start3A_64 = arith.constant 0 : i32
      %dma_start3A_65 = arith.constant 2599168 : i32
      %dma_start3A_66 = tpu.memref_slice %arg2[%dma_start3A_64, %dma_start3A_65] : memref<16x2600000xf32, #tpu.memory_space<hbm>> -> memref<16x128xf32, #tpu.memory_space<hbm>>
      tpu.enqueue_dma source(%dma_start3A_66 : memref<16x128xf32, #tpu.memory_space<hbm>>) target(%dma_start3A_63 : memref<16x128xf32, #tpu.memory_space<vmem>>) target_semaphore(%arg9 : memref<!tpu.dma_semaphore, #tpu.memory_space<semaphore_mem>>)
      %dma_start3A_67 = arith.constant 3 : i32
      %dma_start3A_68 = arith.constant 0 : i32
      %dma_start3A_69 = arith.constant 0 : i32
      %dma_start3A_70 = tpu.memref_slice %arg5[%dma_start3A_67, %dma_start3A_68, %dma_start3A_69] : memref<8x16x128xf32, #tpu.memory_space<vmem>> -> memref<1x16x128xf32, #tpu.memory_space<vmem>>
      %dma_start3A_71 = tpu.memref_squeeze %dma_start3A_70 : memref<1x16x128xf32, #tpu.memory_space<vmem>> -> memref<16x128xf32, #tpu.memory_space<vmem>>
      %dma_start3A_72 = arith.constant 0 : i32
      %dma_start3A_73 = arith.constant 2599296 : i32
      %dma_start3A_74 = tpu.memref_slice %arg2[%dma_start3A_72, %dma_start3A_73] : memref<16x2600000xf32, #tpu.memory_space<hbm>> -> memref<16x128xf32, #tpu.memory_space<hbm>>
      %dma_start3A_75 = arith.constant 0 : i32
      %dma_start3A_76 = arith.constant 0 : i32
      %dma_start3A_77 = tpu.memref_slice %arg5[%dma_start3A_67, %dma_start3A_75, %dma_start3A_76] : memref<8x16x128xf32, #tpu.memory_space<vmem>> -> memref<1x16x128xf32, #tpu.memory_space<vmem>>
      %dma_start3A_78 = tpu.memref_squeeze %dma_start3A_77 : memref<1x16x128xf32, #tpu.memory_space<vmem>> -> memref<16x128xf32, #tpu.memory_space<vmem>>
      %dma_start3A_79 = arith.constant 0 : i32
      %dma_start3A_80 = arith.constant 2599296 : i32
      %dma_start3A_81 = tpu.memref_slice %arg2[%dma_start3A_79, %dma_start3A_80] : memref<16x2600000xf32, #tpu.memory_space<hbm>> -> memref<16x128xf32, #tpu.memory_space<hbm>>
      tpu.enqueue_dma source(%dma_start3A_81 : memref<16x128xf32, #tpu.memory_space<hbm>>) target(%dma_start3A_78 : memref<16x128xf32, #tpu.memory_space<vmem>>) target_semaphore(%arg9 : memref<!tpu.dma_semaphore, #tpu.memory_space<semaphore_mem>>)
      %dma_start3A_82 = arith.constant 4 : i32
      %dma_start3A_83 = arith.constant 0 : i32
      %dma_start3A_84 = arith.constant 0 : i32
      %dma_start3A_85 = tpu.memref_slice %arg5[%dma_start3A_82, %dma_start3A_83, %dma_start3A_84] : memref<8x16x128xf32, #tpu.memory_space<vmem>> -> memref<1x16x128xf32, #tpu.memory_space<vmem>>
      %dma_start3A_86 = tpu.memref_squeeze %dma_start3A_85 : memref<1x16x128xf32, #tpu.memory_space<vmem>> -> memref<16x128xf32, #tpu.memory_space<vmem>>
      %dma_start3A_87 = arith.constant 0 : i32
      %dma_start3A_88 = arith.constant 2599424 : i32
      %dma_start3A_89 = tpu.memref_slice %arg2[%dma_start3A_87, %dma_start3A_88] : memref<16x2600000xf32, #tpu.memory_space<hbm>> -> memref<16x128xf32, #tpu.memory_space<hbm>>
      %dma_start3A_90 = arith.constant 0 : i32
      %dma_start3A_91 = arith.constant 0 : i32
      %dma_start3A_92 = tpu.memref_slice %arg5[%dma_start3A_82, %dma_start3A_90, %dma_start3A_91] : memref<8x16x128xf32, #tpu.memory_space<vmem>> -> memref<1x16x128xf32, #tpu.memory_space<vmem>>
      %dma_start3A_93 = tpu.memref_squeeze %dma_start3A_92 : memref<1x16x128xf32, #tpu.memory_space<vmem>> -> memref<16x128xf32, #tpu.memory_space<vmem>>
      %dma_start3A_94 = arith.constant 0 : i32
      %dma_start3A_95 = arith.constant 2599424 : i32
      %dma_start3A_96 = tpu.memref_slice %arg2[%dma_start3A_94, %dma_start3A_95] : memref<16x2600000xf32, #tpu.memory_space<hbm>> -> memref<16x128xf32, #tpu.memory_space<hbm>>
      tpu.enqueue_dma source(%dma_start3A_96 : memref<16x128xf32, #tpu.memory_space<hbm>>) target(%dma_start3A_93 : memref<16x128xf32, #tpu.memory_space<vmem>>) target_semaphore(%arg9 : memref<!tpu.dma_semaphore, #tpu.memory_space<semaphore_mem>>)
      %dma_start3A_97 = arith.constant 5 : i32
      %dma_start3A_98 = arith.constant 0 : i32
      %dma_start3A_99 = arith.constant 0 : i32
      %dma_start3A_100 = tpu.memref_slice %arg5[%dma_start3A_97, %dma_start3A_98, %dma_start3A_99] : memref<8x16x128xf32, #tpu.memory_space<vmem>> -> memref<1x16x128xf32, #tpu.memory_space<vmem>>
      %dma_start3A_101 = tpu.memref_squeeze %dma_start3A_100 : memref<1x16x128xf32, #tpu.memory_space<vmem>> -> memref<16x128xf32, #tpu.memory_space<vmem>>
      %dma_start3A_102 = arith.constant 0 : i32
      %dma_start3A_103 = arith.constant 2599552 : i32
      %dma_start3A_104 = tpu.memref_slice %arg2[%dma_start3A_102, %dma_start3A_103] : memref<16x2600000xf32, #tpu.memory_space<hbm>> -> memref<16x128xf32, #tpu.memory_space<hbm>>
      %dma_start3A_105 = arith.constant 0 : i32
      %dma_start3A_106 = arith.constant 0 : i32
      %dma_start3A_107 = tpu.memref_slice %arg5[%dma_start3A_97, %dma_start3A_105, %dma_start3A_106] : memref<8x16x128xf32, #tpu.memory_space<vmem>> -> memref<1x16x128xf32, #tpu.memory_space<vmem>>
      %dma_start3A_108 = tpu.memref_squeeze %dma_start3A_107 : memref<1x16x128xf32, #tpu.memory_space<vmem>> -> memref<16x128xf32, #tpu.memory_space<vmem>>
      %dma_start3A_109 = arith.constant 0 : i32
      %dma_start3A_110 = arith.constant 2599552 : i32
      %dma_start3A_111 = tpu.memref_slice %arg2[%dma_start3A_109, %dma_start3A_110] : memref<16x2600000xf32, #tpu.memory_space<hbm>> -> memref<16x128xf32, #tpu.memory_space<hbm>>
      tpu.enqueue_dma source(%dma_start3A_111 : memref<16x128xf32, #tpu.memory_space<hbm>>) target(%dma_start3A_108 : memref<16x128xf32, #tpu.memory_space<vmem>>) target_semaphore(%arg9 : memref<!tpu.dma_semaphore, #tpu.memory_space<semaphore_mem>>)
      %dma_start3A_112 = arith.constant 6 : i32
      %dma_start3A_113 = arith.constant 0 : i32
      %dma_start3A_114 = arith.constant 0 : i32
      %dma_start3A_115 = tpu.memref_slice %arg5[%dma_start3A_112, %dma_start3A_113, %dma_start3A_114] : memref<8x16x128xf32, #tpu.memory_space<vmem>> -> memref<1x16x128xf32, #tpu.memory_space<vmem>>
      %dma_start3A_116 = tpu.memref_squeeze %dma_start3A_115 : memref<1x16x128xf32, #tpu.memory_space<vmem>> -> memref<16x128xf32, #tpu.memory_space<vmem>>
      %dma_start3A_117 = arith.constant 0 : i32
      %dma_start3A_118 = arith.constant 2599680 : i32
      %dma_start3A_119 = tpu.memref_slice %arg2[%dma_start3A_117, %dma_start3A_118] : memref<16x2600000xf32, #tpu.memory_space<hbm>> -> memref<16x128xf32, #tpu.memory_space<hbm>>
      %dma_start3A_120 = arith.constant 0 : i32
      %dma_start3A_121 = arith.constant 0 : i32
      %dma_start3A_122 = tpu.memref_slice %arg5[%dma_start3A_112, %dma_start3A_120, %dma_start3A_121] : memref<8x16x128xf32, #tpu.memory_space<vmem>> -> memref<1x16x128xf32, #tpu.memory_space<vmem>>
      %dma_start3A_123 = tpu.memref_squeeze %dma_start3A_122 : memref<1x16x128xf32, #tpu.memory_space<vmem>> -> memref<16x128xf32, #tpu.memory_space<vmem>>
      %dma_start3A_124 = arith.constant 0 : i32
      %dma_start3A_125 = arith.constant 2599680 : i32
      %dma_start3A_126 = tpu.memref_slice %arg2[%dma_start3A_124, %dma_start3A_125] : memref<16x2600000xf32, #tpu.memory_space<hbm>> -> memref<16x128xf32, #tpu.memory_space<hbm>>
      tpu.enqueue_dma source(%dma_start3A_126 : memref<16x128xf32, #tpu.memory_space<hbm>>) target(%dma_start3A_123 : memref<16x128xf32, #tpu.memory_space<vmem>>) target_semaphore(%arg9 : memref<!tpu.dma_semaphore, #tpu.memory_space<semaphore_mem>>)
      %dma_start3A_127 = arith.constant 7 : i32
      %dma_start3A_128 = arith.constant 0 : i32
      %dma_start3A_129 = arith.constant 0 : i32
      %dma_start3A_130 = tpu.memref_slice %arg5[%dma_start3A_127, %dma_start3A_128, %dma_start3A_129] : memref<8x16x128xf32, #tpu.memory_space<vmem>> -> memref<1x16x128xf32, #tpu.memory_space<vmem>>
      %dma_start3A_131 = tpu.memref_squeeze %dma_start3A_130 : memref<1x16x128xf32, #tpu.memory_space<vmem>> -> memref<16x128xf32, #tpu.memory_space<vmem>>
      %dma_start3A_132 = arith.constant 0 : i32
      %dma_start3A_133 = arith.constant 2599808 : i32
      %dma_start3A_134 = tpu.memref_slice %arg2[%dma_start3A_132, %dma_start3A_133] : memref<16x2600000xf32, #tpu.memory_space<hbm>> -> memref<16x128xf32, #tpu.memory_space<hbm>>
      %dma_start3A_135 = arith.constant 0 : i32
      %dma_start3A_136 = arith.constant 0 : i32
      %dma_start3A_137 = tpu.memref_slice %arg5[%dma_start3A_127, %dma_start3A_135, %dma_start3A_136] : memref<8x16x128xf32, #tpu.memory_space<vmem>> -> memref<1x16x128xf32, #tpu.memory_space<vmem>>
      %dma_start3A_138 = tpu.memref_squeeze %dma_start3A_137 : memref<1x16x128xf32, #tpu.memory_space<vmem>> -> memref<16x128xf32, #tpu.memory_space<vmem>>
      %dma_start3A_139 = arith.constant 0 : i32
      %dma_start3A_140 = arith.constant 2599808 : i32
      %dma_start3A_141 = tpu.memref_slice %arg2[%dma_start3A_139, %dma_start3A_140] : memref<16x2600000xf32, #tpu.memory_space<hbm>> -> memref<16x128xf32, #tpu.memory_space<hbm>>
      tpu.enqueue_dma source(%dma_start3A_141 : memref<16x128xf32, #tpu.memory_space<hbm>>) target(%dma_start3A_138 : memref<16x128xf32, #tpu.memory_space<vmem>>) target_semaphore(%arg9 : memref<!tpu.dma_semaphore, #tpu.memory_space<semaphore_mem>>)
      %dma_wait3A = arith.constant 0 : i32
      %dma_wait3A_142 = arith.constant 0 : i32
      %dma_wait3A_143 = arith.constant 0 : i32
      %dma_wait3A_144 = tpu.memref_slice %arg5[%dma_wait3A, %dma_wait3A_142, %dma_wait3A_143] : memref<8x16x128xf32, #tpu.memory_space<vmem>> -> memref<1x16x128xf32, #tpu.memory_space<vmem>>
      %dma_wait3A_145 = tpu.memref_squeeze %dma_wait3A_144 : memref<1x16x128xf32, #tpu.memory_space<vmem>> -> memref<16x128xf32, #tpu.memory_space<vmem>>
      %dma_wait3A_146 = arith.constant 0 : i32
      %dma_wait3A_147 = arith.constant 2598912 : i32
      %dma_wait3A_148 = tpu.memref_slice %arg2[%dma_wait3A_146, %dma_wait3A_147] : memref<16x2600000xf32, #tpu.memory_space<hbm>> -> memref<16x128xf32, #tpu.memory_space<hbm>>
      %dma_wait3A_149 = arith.constant 0 : i32
      %dma_wait3A_150 = arith.constant 0 : i32
      %dma_wait3A_151 = tpu.memref_slice %arg5[%dma_wait3A, %dma_wait3A_149, %dma_wait3A_150] : memref<8x16x128xf32, #tpu.memory_space<vmem>> -> memref<1x16x128xf32, #tpu.memory_space<vmem>>
      %dma_wait3A_152 = tpu.memref_squeeze %dma_wait3A_151 : memref<1x16x128xf32, #tpu.memory_space<vmem>> -> memref<16x128xf32, #tpu.memory_space<vmem>>
      %dma_wait3A_153 = arith.constant 0 : i32
      %dma_wait3A_154 = arith.constant 2598912 : i32
      %dma_wait3A_155 = tpu.memref_slice %arg2[%dma_wait3A_153, %dma_wait3A_154] : memref<16x2600000xf32, #tpu.memory_space<hbm>> -> memref<16x128xf32, #tpu.memory_space<hbm>>
      tpu.wait_dma2 semaphore(%arg9 : memref<!tpu.dma_semaphore, #tpu.memory_space<semaphore_mem>>) src(%dma_wait3A_155 : memref<16x128xf32, #tpu.memory_space<hbm>>) dst(%dma_wait3A_152 : memref<16x128xf32, #tpu.memory_space<vmem>>)
      %dma_wait3A_156 = arith.constant 1 : i32
      %dma_wait3A_157 = arith.constant 0 : i32
      %dma_wait3A_158 = arith.constant 0 : i32
      %dma_wait3A_159 = tpu.memref_slice %arg5[%dma_wait3A_156, %dma_wait3A_157, %dma_wait3A_158] : memref<8x16x128xf32, #tpu.memory_space<vmem>> -> memref<1x16x128xf32, #tpu.memory_space<vmem>>
      %dma_wait3A_160 = tpu.memref_squeeze %dma_wait3A_159 : memref<1x16x128xf32, #tpu.memory_space<vmem>> -> memref<16x128xf32, #tpu.memory_space<vmem>>
      %dma_wait3A_161 = arith.constant 0 : i32
      %dma_wait3A_162 = arith.constant 2599040 : i32
      %dma_wait3A_163 = tpu.memref_slice %arg2[%dma_wait3A_161, %dma_wait3A_162] : memref<16x2600000xf32, #tpu.memory_space<hbm>> -> memref<16x128xf32, #tpu.memory_space<hbm>>
      %dma_wait3A_164 = arith.constant 0 : i32
      %dma_wait3A_165 = arith.constant 0 : i32
      %dma_wait3A_166 = tpu.memref_slice %arg5[%dma_wait3A_156, %dma_wait3A_164, %dma_wait3A_165] : memref<8x16x128xf32, #tpu.memory_space<vmem>> -> memref<1x16x128xf32, #tpu.memory_space<vmem>>
      %dma_wait3A_167 = tpu.memref_squeeze %dma_wait3A_166 : memref<1x16x128xf32, #tpu.memory_space<vmem>> -> memref<16x128xf32, #tpu.memory_space<vmem>>
      %dma_wait3A_168 = arith.constant 0 : i32
      %dma_wait3A_169 = arith.constant 2599040 : i32
      %dma_wait3A_170 = tpu.memref_slice %arg2[%dma_wait3A_168, %dma_wait3A_169] : memref<16x2600000xf32, #tpu.memory_space<hbm>> -> memref<16x128xf32, #tpu.memory_space<hbm>>
      tpu.wait_dma2 semaphore(%arg9 : memref<!tpu.dma_semaphore, #tpu.memory_space<semaphore_mem>>) src(%dma_wait3A_170 : memref<16x128xf32, #tpu.memory_space<hbm>>) dst(%dma_wait3A_167 : memref<16x128xf32, #tpu.memory_space<vmem>>)
      %dma_wait3A_171 = arith.constant 2 : i32
      %dma_wait3A_172 = arith.constant 0 : i32
      %dma_wait3A_173 = arith.constant 0 : i32
      %dma_wait3A_174 = tpu.memref_slice %arg5[%dma_wait3A_171, %dma_wait3A_172, %dma_wait3A_173] : memref<8x16x128xf32, #tpu.memory_space<vmem>> -> memref<1x16x128xf32, #tpu.memory_space<vmem>>
      %dma_wait3A_175 = tpu.memref_squeeze %dma_wait3A_174 : memref<1x16x128xf32, #tpu.memory_space<vmem>> -> memref<16x128xf32, #tpu.memory_space<vmem>>
      %dma_wait3A_176 = arith.constant 0 : i32
      %dma_wait3A_177 = arith.constant 2599168 : i32
      %dma_wait3A_178 = tpu.memref_slice %arg2[%dma_wait3A_176, %dma_wait3A_177] : memref<16x2600000xf32, #tpu.memory_space<hbm>> -> memref<16x128xf32, #tpu.memory_space<hbm>>
      %dma_wait3A_179 = arith.constant 0 : i32
      %dma_wait3A_180 = arith.constant 0 : i32
      %dma_wait3A_181 = tpu.memref_slice %arg5[%dma_wait3A_171, %dma_wait3A_179, %dma_wait3A_180] : memref<8x16x128xf32, #tpu.memory_space<vmem>> -> memref<1x16x128xf32, #tpu.memory_space<vmem>>
      %dma_wait3A_182 = tpu.memref_squeeze %dma_wait3A_181 : memref<1x16x128xf32, #tpu.memory_space<vmem>> -> memref<16x128xf32, #tpu.memory_space<vmem>>
      %dma_wait3A_183 = arith.constant 0 : i32
      %dma_wait3A_184 = arith.constant 2599168 : i32
      %dma_wait3A_185 = tpu.memref_slice %arg2[%dma_wait3A_183, %dma_wait3A_184] : memref<16x2600000xf32, #tpu.memory_space<hbm>> -> memref<16x128xf32, #tpu.memory_space<hbm>>
      tpu.wait_dma2 semaphore(%arg9 : memref<!tpu.dma_semaphore, #tpu.memory_space<semaphore_mem>>) src(%dma_wait3A_185 : memref<16x128xf32, #tpu.memory_space<hbm>>) dst(%dma_wait3A_182 : memref<16x128xf32, #tpu.memory_space<vmem>>)
      %dma_wait3A_186 = arith.constant 3 : i32
      %dma_wait3A_187 = arith.constant 0 : i32
      %dma_wait3A_188 = arith.constant 0 : i32
      %dma_wait3A_189 = tpu.memref_slice %arg5[%dma_wait3A_186, %dma_wait3A_187, %dma_wait3A_188] : memref<8x16x128xf32, #tpu.memory_space<vmem>> -> memref<1x16x128xf32, #tpu.memory_space<vmem>>
      %dma_wait3A_190 = tpu.memref_squeeze %dma_wait3A_189 : memref<1x16x128xf32, #tpu.memory_space<vmem>> -> memref<16x128xf32, #tpu.memory_space<vmem>>
      %dma_wait3A_191 = arith.constant 0 : i32
      %dma_wait3A_192 = arith.constant 2599296 : i32
      %dma_wait3A_193 = tpu.memref_slice %arg2[%dma_wait3A_191, %dma_wait3A_192] : memref<16x2600000xf32, #tpu.memory_space<hbm>> -> memref<16x128xf32, #tpu.memory_space<hbm>>
      %dma_wait3A_194 = arith.constant 0 : i32
      %dma_wait3A_195 = arith.constant 0 : i32
      %dma_wait3A_196 = tpu.memref_slice %arg5[%dma_wait3A_186, %dma_wait3A_194, %dma_wait3A_195] : memref<8x16x128xf32, #tpu.memory_space<vmem>> -> memref<1x16x128xf32, #tpu.memory_space<vmem>>
      %dma_wait3A_197 = tpu.memref_squeeze %dma_wait3A_196 : memref<1x16x128xf32, #tpu.memory_space<vmem>> -> memref<16x128xf32, #tpu.memory_space<vmem>>
      %dma_wait3A_198 = arith.constant 0 : i32
      %dma_wait3A_199 = arith.constant 2599296 : i32
      %dma_wait3A_200 = tpu.memref_slice %arg2[%dma_wait3A_198, %dma_wait3A_199] : memref<16x2600000xf32, #tpu.memory_space<hbm>> -> memref<16x128xf32, #tpu.memory_space<hbm>>
      tpu.wait_dma2 semaphore(%arg9 : memref<!tpu.dma_semaphore, #tpu.memory_space<semaphore_mem>>) src(%dma_wait3A_200 : memref<16x128xf32, #tpu.memory_space<hbm>>) dst(%dma_wait3A_197 : memref<16x128xf32, #tpu.memory_space<vmem>>)
      %dma_wait3A_201 = arith.constant 4 : i32
      %dma_wait3A_202 = arith.constant 0 : i32
      %dma_wait3A_203 = arith.constant 0 : i32
      %dma_wait3A_204 = tpu.memref_slice %arg5[%dma_wait3A_201, %dma_wait3A_202, %dma_wait3A_203] : memref<8x16x128xf32, #tpu.memory_space<vmem>> -> memref<1x16x128xf32, #tpu.memory_space<vmem>>
      %dma_wait3A_205 = tpu.memref_squeeze %dma_wait3A_204 : memref<1x16x128xf32, #tpu.memory_space<vmem>> -> memref<16x128xf32, #tpu.memory_space<vmem>>
      %dma_wait3A_206 = arith.constant 0 : i32
      %dma_wait3A_207 = arith.constant 2599424 : i32
      %dma_wait3A_208 = tpu.memref_slice %arg2[%dma_wait3A_206, %dma_wait3A_207] : memref<16x2600000xf32, #tpu.memory_space<hbm>> -> memref<16x128xf32, #tpu.memory_space<hbm>>
      %dma_wait3A_209 = arith.constant 0 : i32
      %dma_wait3A_210 = arith.constant 0 : i32
      %dma_wait3A_211 = tpu.memref_slice %arg5[%dma_wait3A_201, %dma_wait3A_209, %dma_wait3A_210] : memref<8x16x128xf32, #tpu.memory_space<vmem>> -> memref<1x16x128xf32, #tpu.memory_space<vmem>>
      %dma_wait3A_212 = tpu.memref_squeeze %dma_wait3A_211 : memref<1x16x128xf32, #tpu.memory_space<vmem>> -> memref<16x128xf32, #tpu.memory_space<vmem>>
      %dma_wait3A_213 = arith.constant 0 : i32
      %dma_wait3A_214 = arith.constant 2599424 : i32
      %dma_wait3A_215 = tpu.memref_slice %arg2[%dma_wait3A_213, %dma_wait3A_214] : memref<16x2600000xf32, #tpu.memory_space<hbm>> -> memref<16x128xf32, #tpu.memory_space<hbm>>
      tpu.wait_dma2 semaphore(%arg9 : memref<!tpu.dma_semaphore, #tpu.memory_space<semaphore_mem>>) src(%dma_wait3A_215 : memref<16x128xf32, #tpu.memory_space<hbm>>) dst(%dma_wait3A_212 : memref<16x128xf32, #tpu.memory_space<vmem>>)
      %dma_wait3A_216 = arith.constant 5 : i32
      %dma_wait3A_217 = arith.constant 0 : i32
      %dma_wait3A_218 = arith.constant 0 : i32
      %dma_wait3A_219 = tpu.memref_slice %arg5[%dma_wait3A_216, %dma_wait3A_217, %dma_wait3A_218] : memref<8x16x128xf32, #tpu.memory_space<vmem>> -> memref<1x16x128xf32, #tpu.memory_space<vmem>>
      %dma_wait3A_220 = tpu.memref_squeeze %dma_wait3A_219 : memref<1x16x128xf32, #tpu.memory_space<vmem>> -> memref<16x128xf32, #tpu.memory_space<vmem>>
      %dma_wait3A_221 = arith.constant 0 : i32
      %dma_wait3A_222 = arith.constant 2599552 : i32
      %dma_wait3A_223 = tpu.memref_slice %arg2[%dma_wait3A_221, %dma_wait3A_222] : memref<16x2600000xf32, #tpu.memory_space<hbm>> -> memref<16x128xf32, #tpu.memory_space<hbm>>
      %dma_wait3A_224 = arith.constant 0 : i32
      %dma_wait3A_225 = arith.constant 0 : i32
      %dma_wait3A_226 = tpu.memref_slice %arg5[%dma_wait3A_216, %dma_wait3A_224, %dma_wait3A_225] : memref<8x16x128xf32, #tpu.memory_space<vmem>> -> memref<1x16x128xf32, #tpu.memory_space<vmem>>
      %dma_wait3A_227 = tpu.memref_squeeze %dma_wait3A_226 : memref<1x16x128xf32, #tpu.memory_space<vmem>> -> memref<16x128xf32, #tpu.memory_space<vmem>>
      %dma_wait3A_228 = arith.constant 0 : i32
      %dma_wait3A_229 = arith.constant 2599552 : i32
      %dma_wait3A_230 = tpu.memref_slice %arg2[%dma_wait3A_228, %dma_wait3A_229] : memref<16x2600000xf32, #tpu.memory_space<hbm>> -> memref<16x128xf32, #tpu.memory_space<hbm>>
      tpu.wait_dma2 semaphore(%arg9 : memref<!tpu.dma_semaphore, #tpu.memory_space<semaphore_mem>>) src(%dma_wait3A_230 : memref<16x128xf32, #tpu.memory_space<hbm>>) dst(%dma_wait3A_227 : memref<16x128xf32, #tpu.memory_space<vmem>>)
      %dma_wait3A_231 = arith.constant 6 : i32
      %dma_wait3A_232 = arith.constant 0 : i32
      %dma_wait3A_233 = arith.constant 0 : i32
      %dma_wait3A_234 = tpu.memref_slice %arg5[%dma_wait3A_231, %dma_wait3A_232, %dma_wait3A_233] : memref<8x16x128xf32, #tpu.memory_space<vmem>> -> memref<1x16x128xf32, #tpu.memory_space<vmem>>
      %dma_wait3A_235 = tpu.memref_squeeze %dma_wait3A_234 : memref<1x16x128xf32, #tpu.memory_space<vmem>> -> memref<16x128xf32, #tpu.memory_space<vmem>>
      %dma_wait3A_236 = arith.constant 0 : i32
      %dma_wait3A_237 = arith.constant 2599680 : i32
      %dma_wait3A_238 = tpu.memref_slice %arg2[%dma_wait3A_236, %dma_wait3A_237] : memref<16x2600000xf32, #tpu.memory_space<hbm>> -> memref<16x128xf32, #tpu.memory_space<hbm>>
      %dma_wait3A_239 = arith.constant 0 : i32
      %dma_wait3A_240 = arith.constant 0 : i32
      %dma_wait3A_241 = tpu.memref_slice %arg5[%dma_wait3A_231, %dma_wait3A_239, %dma_wait3A_240] : memref<8x16x128xf32, #tpu.memory_space<vmem>> -> memref<1x16x128xf32, #tpu.memory_space<vmem>>
      %dma_wait3A_242 = tpu.memref_squeeze %dma_wait3A_241 : memref<1x16x128xf32, #tpu.memory_space<vmem>> -> memref<16x128xf32, #tpu.memory_space<vmem>>
      %dma_wait3A_243 = arith.constant 0 : i32
      %dma_wait3A_244 = arith.constant 2599680 : i32
      %dma_wait3A_245 = tpu.memref_slice %arg2[%dma_wait3A_243, %dma_wait3A_244] : memref<16x2600000xf32, #tpu.memory_space<hbm>> -> memref<16x128xf32, #tpu.memory_space<hbm>>
      tpu.wait_dma2 semaphore(%arg9 : memref<!tpu.dma_semaphore, #tpu.memory_space<semaphore_mem>>) src(%dma_wait3A_245 : memref<16x128xf32, #tpu.memory_space<hbm>>) dst(%dma_wait3A_242 : memref<16x128xf32, #tpu.memory_space<vmem>>)
      %dma_wait3A_246 = arith.constant 7 : i32
      %dma_wait3A_247 = arith.constant 0 : i32
      %dma_wait3A_248 = arith.constant 0 : i32
      %dma_wait3A_249 = tpu.memref_slice %arg5[%dma_wait3A_246, %dma_wait3A_247, %dma_wait3A_248] : memref<8x16x128xf32, #tpu.memory_space<vmem>> -> memref<1x16x128xf32, #tpu.memory_space<vmem>>
      %dma_wait3A_250 = tpu.memref_squeeze %dma_wait3A_249 : memref<1x16x128xf32, #tpu.memory_space<vmem>> -> memref<16x128xf32, #tpu.memory_space<vmem>>
      %dma_wait3A_251 = arith.constant 0 : i32
      %dma_wait3A_252 = arith.constant 2599808 : i32
      %dma_wait3A_253 = tpu.memref_slice %arg2[%dma_wait3A_251, %dma_wait3A_252] : memref<16x2600000xf32, #tpu.memory_space<hbm>> -> memref<16x128xf32, #tpu.memory_space<hbm>>
      %dma_wait3A_254 = arith.constant 0 : i32
      %dma_wait3A_255 = arith.constant 0 : i32
      %dma_wait3A_256 = tpu.memref_slice %arg5[%dma_wait3A_246, %dma_wait3A_254, %dma_wait3A_255] : memref<8x16x128xf32, #tpu.memory_space<vmem>> -> memref<1x16x128xf32, #tpu.memory_space<vmem>>
      %dma_wait3A_257 = tpu.memref_squeeze %dma_wait3A_256 : memref<1x16x128xf32, #tpu.memory_space<vmem>> -> memref<16x128xf32, #tpu.memory_space<vmem>>
      %dma_wait3A_258 = arith.constant 0 : i32
      %dma_wait3A_259 = arith.constant 2599808 : i32
      %dma_wait3A_260 = tpu.memref_slice %arg2[%dma_wait3A_258, %dma_wait3A_259] : memref<16x2600000xf32, #tpu.memory_space<hbm>> -> memref<16x128xf32, #tpu.memory_space<hbm>>
      tpu.wait_dma2 semaphore(%arg9 : memref<!tpu.dma_semaphore, #tpu.memory_space<semaphore_mem>>) src(%dma_wait3A_260 : memref<16x128xf32, #tpu.memory_space<hbm>>) dst(%dma_wait3A_257 : memref<16x128xf32, #tpu.memory_space<vmem>>)
      %parallel_loop3A = arith.constant 0 : i32
      %parallel_loop3A_261 = arith.constant 1024 : i32
      %parallel_loop3A_262 = arith.constant 1 : i32
      scf.for %parallel_loop3A_263 = %parallel_loop3A to %parallel_loop3A_261 step %parallel_loop3A_262  : i32 {
        %parallel_loop3A_264 = arith.constant 3 : i32
        %parallel_loop3A_265 = arith.shrsi %parallel_loop3A_263, %parallel_loop3A_264 : i32
        %parallel_loop3A_266 = arith.constant 7 : i32
        %parallel_loop3A_267 = arith.andi %parallel_loop3A_263, %parallel_loop3A_266 : i32
        %parallel_loop3A_268 = arith.constant 4 : i32
        %parallel_loop3A_269 = arith.shrsi %parallel_loop3A_265, %parallel_loop3A_268 : i32
        %parallel_loop3A_270 = arith.constant 15 : i32
        %parallel_loop3A_271 = arith.andi %parallel_loop3A_265, %parallel_loop3A_270 : i32
        %parallel_loop3A_272 = arith.constant 16 : i32
        %parallel_loop3A_273 = arith.muli %parallel_loop3A_267, %parallel_loop3A_272 : i32
        %parallel_loop3A_274 = arith.index_cast %parallel_loop3A_269 : i32 to index
        %parallel_loop3A_275 = arith.index_cast %parallel_loop3A_271 : i32 to index
        %parallel_loop3A_276 = arith.index_cast %parallel_loop3A_273 : i32 to index
        %parallel_loop3A_277 = tpu.vector_load %arg5[%parallel_loop3A_274, %parallel_loop3A_275, %parallel_loop3A_276] {strides = array<i32>} : memref<8x16x128xf32, #tpu.memory_space<vmem>>, vector<16xf32>,
        %parallel_loop3A_278 = arith.constant 2048 : i32
        %parallel_loop3A_279 = arith.muli %parallel_loop3A_269, %parallel_loop3A_278 : i32
        %parallel_loop3A_280 = arith.constant 256 : i32
        %parallel_loop3A_281 = arith.muli %parallel_loop3A_267, %parallel_loop3A_280 : i32
        %parallel_loop3A_282 = arith.addi %parallel_loop3A_279, %parallel_loop3A_281 : i32
        %parallel_loop3A_283 = arith.addi %parallel_loop3A_282, %parallel_loop3A_271 : i32
        %parallel_loop3A_284 = vector.broadcast %parallel_loop3A_283 : i32 to vector<16xi32>
        %parallel_loop3A_285 = arith.addi %mul3A_10, %parallel_loop3A_284 : vector<16xi32>
        tpu.vector_store_idx %arg7[%parallel_loop3A_285], %parallel_loop3A_277 : memref<16384xf32, #tpu.memory_space<vmem>>[vector<16xi32>], vector<16xf32>,
      } {sc.loop_unroll_factor = 16 : i64, sc.parallel_access}
      "tpu.region"() ({
        %run_scoped3A = tpu.sem_alloc : memref<!tpu.dma_semaphore, #tpu.memory_space<semaphore_mem>>
        %dma_start3A_263 = arith.constant 41582592 : i32
        %dma_start3A_264 = tpu.memref_slice %arg4[%dma_start3A_263] : memref<41600000xf32, #tpu.memory_space<hbm>> -> memref<16384xf32, #tpu.memory_space<hbm>>
        %dma_start3A_265 = arith.constant 41582592 : i32
        %dma_start3A_266 = tpu.memref_slice %arg4[%dma_start3A_265] : memref<41600000xf32, #tpu.memory_space<hbm>> -> memref<16384xf32, #tpu.memory_space<hbm>>
        tpu.enqueue_dma source(%arg7 : memref<16384xf32, #tpu.memory_space<vmem>>) target(%dma_start3A_266 : memref<16384xf32, #tpu.memory_space<hbm>>) target_semaphore(%run_scoped3A : memref<!tpu.dma_semaphore, #tpu.memory_space<semaphore_mem>>)
        %dma_wait3A_267 = arith.constant 41582592 : i32
        %dma_wait3A_268 = tpu.memref_slice %arg4[%dma_wait3A_267] : memref<41600000xf32, #tpu.memory_space<hbm>> -> memref<16384xf32, #tpu.memory_space<hbm>>
        %dma_wait3A_269 = arith.constant 41582592 : i32
        %dma_wait3A_270 = tpu.memref_slice %arg4[%dma_wait3A_269] : memref<41600000xf32, #tpu.memory_space<hbm>> -> memref<16384xf32, #tpu.memory_space<hbm>>
        tpu.wait_dma2 semaphore(%run_scoped3A : memref<!tpu.dma_semaphore, #tpu.memory_space<semaphore_mem>>) src(%arg7 : memref<16384xf32, #tpu.memory_space<vmem>>) dst(%dma_wait3A_270 : memref<16384xf32, #tpu.memory_space<hbm>>)
        tpu.yield
      }) : () -> ()
      "tpu.region"() ({
        %run_scoped3A = tpu.sem_alloc : memref<!tpu.dma_semaphore, #tpu.memory_space<semaphore_mem>>
        %dma_start3A_263 = arith.constant 0 : i32
        %dma_start3A_264 = tpu.memref_slice %arg8[%dma_start3A_263] : memref<16384xf32, #tpu.memory_space<vmem>> -> memref<1024xf32, #tpu.memory_space<vmem>>
        %dma_start3A_265 = arith.constant 0 : i32
        %dma_start3A_266 = tpu.memref_slice %arg8[%dma_start3A_265] : memref<16384xf32, #tpu.memory_space<vmem>> -> memref<1024xf32, #tpu.memory_space<vmem>>
        tpu.enqueue_dma source(%arg3 : memref<1024xf32, #tpu.memory_space<hbm>>) target(%dma_start3A_266 : memref<1024xf32, #tpu.memory_space<vmem>>) target_semaphore(%run_scoped3A : memref<!tpu.dma_semaphore, #tpu.memory_space<semaphore_mem>>)
        %dma_wait3A_267 = arith.constant 0 : i32
        %dma_wait3A_268 = tpu.memref_slice %arg8[%dma_wait3A_267] : memref<16384xf32, #tpu.memory_space<vmem>> -> memref<1024xf32, #tpu.memory_space<vmem>>
        %dma_wait3A_269 = arith.constant 0 : i32
        %dma_wait3A_270 = tpu.memref_slice %arg8[%dma_wait3A_269] : memref<16384xf32, #tpu.memory_space<vmem>> -> memref<1024xf32, #tpu.memory_space<vmem>>
        tpu.wait_dma2 semaphore(%run_scoped3A : memref<!tpu.dma_semaphore, #tpu.memory_space<semaphore_mem>>) src(%arg3 : memref<1024xf32, #tpu.memory_space<hbm>>) dst(%dma_wait3A_270 : memref<1024xf32, #tpu.memory_space<vmem>>)
        tpu.yield
      }) : () -> ()
      "tpu.region"() ({
        %run_scoped3A = tpu.sem_alloc : memref<!tpu.dma_semaphore, #tpu.memory_space<semaphore_mem>>
        %dma_start3A_263 = arith.constant 0 : i32
        %dma_start3A_264 = tpu.memref_slice %arg8[%dma_start3A_263] : memref<16384xf32, #tpu.memory_space<vmem>> -> memref<1024xf32, #tpu.memory_space<vmem>>
        %dma_start3A_265 = arith.constant 41598976 : i32
        %dma_start3A_266 = tpu.memref_slice %arg4[%dma_start3A_265] : memref<41600000xf32, #tpu.memory_space<hbm>> -> memref<1024xf32, #tpu.memory_space<hbm>>
        %dma_start3A_267 = arith.constant 41598976 : i32
        %dma_start3A_268 = tpu.memref_slice %arg4[%dma_start3A_267] : memref<41600000xf32, #tpu.memory_space<hbm>> -> memref<1024xf32, #tpu.memory_space<hbm>>
        %dma_start3A_269 = arith.constant 0 : i32
        %dma_start3A_270 = tpu.memref_slice %arg8[%dma_start3A_269] : memref<16384xf32, #tpu.memory_space<vmem>> -> memref<1024xf32, #tpu.memory_space<vmem>>
        tpu.enqueue_dma source(%dma_start3A_270 : memref<1024xf32, #tpu.memory_space<vmem>>) target(%dma_start3A_268 : memref<1024xf32, #tpu.memory_space<hbm>>) target_semaphore(%run_scoped3A : memref<!tpu.dma_semaphore, #tpu.memory_space<semaphore_mem>>)
        %dma_wait3A_271 = arith.constant 0 : i32
        %dma_wait3A_272 = tpu.memref_slice %arg8[%dma_wait3A_271] : memref<16384xf32, #tpu.memory_space<vmem>> -> memref<1024xf32, #tpu.memory_space<vmem>>
        %dma_wait3A_273 = arith.constant 41598976 : i32
        %dma_wait3A_274 = tpu.memref_slice %arg4[%dma_wait3A_273] : memref<41600000xf32, #tpu.memory_space<hbm>> -> memref<1024xf32, #tpu.memory_space<hbm>>
        %dma_wait3A_275 = arith.constant 41598976 : i32
        %dma_wait3A_276 = tpu.memref_slice %arg4[%dma_wait3A_275] : memref<41600000xf32, #tpu.memory_space<hbm>> -> memref<1024xf32, #tpu.memory_space<hbm>>
        %dma_wait3A_277 = arith.constant 0 : i32
        %dma_wait3A_278 = tpu.memref_slice %arg8[%dma_wait3A_277] : memref<16384xf32, #tpu.memory_space<vmem>> -> memref<1024xf32, #tpu.memory_space<vmem>>
        tpu.wait_dma2 semaphore(%run_scoped3A : memref<!tpu.dma_semaphore, #tpu.memory_space<semaphore_mem>>) src(%dma_wait3A_278 : memref<1024xf32, #tpu.memory_space<vmem>>) dst(%dma_wait3A_276 : memref<1024xf32, #tpu.memory_space<hbm>>)
        tpu.yield
      }) : () -> ()
    } else {
    }
    return
  }
}

module attributes {stable_mosaic.version = 14 : i64} {
  func.func @_mlp_body(%arg0: i32, %arg1: memref<1024x416xf32, #tpu.memory_space<vmem>>, %arg2: memref<1024x26xf32, #tpu.memory_space<vmem>>, %arg3: memref<416x256xf32, #tpu.memory_space<vmem>>, %arg4: memref<1x256xf32, #tpu.memory_space<vmem>>, %arg5: memref<1x256xf32, #tpu.memory_space<vmem>>, %arg6: memref<1x256xf32, #tpu.memory_space<vmem>>, %arg7: memref<256x128xf32, #tpu.memory_space<vmem>>, %arg8: memref<1x128xf32, #tpu.memory_space<vmem>>, %arg9: memref<1x128xf32, #tpu.memory_space<vmem>>, %arg10: memref<1x128xf32, #tpu.memory_space<vmem>>, %arg11: memref<1x128xf32, #tpu.memory_space<vmem>>, %arg12: memref<1x1xf32, #tpu.memory_space<vmem>>, %arg13: memref<1024x1xf32, #tpu.memory_space<vmem>>) attributes {dimension_semantics = [#tpu.dimension_semantics<arbitrary>], iteration_bounds = array<i64: 16>, scalar_prefetch = 0 : i64, scratch_operands = 0 : i64, tpu.core_type = #tpu.core_type<tc>, window_params = [{transform_indices = @transform_0, window_bounds = array<i64: 1024, 416>}, {transform_indices = @transform_1, window_bounds = array<i64: 1024, 26>}, {pipeline_mode = #tpu.pipeline_mode<synchronous>, transform_indices = @transform_2, window_bounds = array<i64: 416, 256>}, {pipeline_mode = #tpu.pipeline_mode<synchronous>, transform_indices = @transform_3, window_bounds = array<i64: 1, 256>}, {pipeline_mode = #tpu.pipeline_mode<synchronous>, transform_indices = @transform_4, window_bounds = array<i64: 1, 256>}, {pipeline_mode = #tpu.pipeline_mode<synchronous>, transform_indices = @transform_5, window_bounds = array<i64: 1, 256>}, {pipeline_mode = #tpu.pipeline_mode<synchronous>, transform_indices = @transform_6, window_bounds = array<i64: 256, 128>}, {pipeline_mode = #tpu.pipeline_mode<synchronous>, transform_indices = @transform_7, window_bounds = array<i64: 1, 128>}, {pipeline_mode = #tpu.pipeline_mode<synchronous>, transform_indices = @transform_8, window_bounds = array<i64: 1, 128>}, {pipeline_mode = #tpu.pipeline_mode<synchronous>, transform_indices = @transform_9, window_bounds = array<i64: 1, 128>}, {pipeline_mode = #tpu.pipeline_mode<synchronous>, transform_indices = @transform_10, window_bounds = array<i64: 1, 128>}, {pipeline_mode = #tpu.pipeline_mode<synchronous>, transform_indices = @transform_11, window_bounds = array<i64: 1, 1>}, {transform_indices = @transform_12, window_bounds = array<i64: 1024, 1>}]} {
    %get3A = arith.constant 0 : index
    %get3A_0 = arith.constant 0 : index
    %get3A_1 = vector.load %arg5[%get3A, %get3A_0] : memref<1x256xf32, #tpu.memory_space<vmem>>, vector<1x256xf32>
    %mul3A = arith.constant 0.999994993 : f32
    %mul3A_2 = vector.broadcast %mul3A : f32 to vector<1x256xf32>
    %mul3A_3 = arith.mulf %get3A_1, %mul3A_2 : vector<1x256xf32>
    %get3A_4 = arith.constant 0 : index
    %get3A_5 = arith.constant 0 : index
    %get3A_6 = vector.load %arg9[%get3A_4, %get3A_5] : memref<1x128xf32, #tpu.memory_space<vmem>>, vector<1x128xf32>
    %mul3A_7 = arith.constant 0.999994993 : f32
    %mul3A_8 = vector.broadcast %mul3A_7 : f32 to vector<1x128xf32>
    %mul3A_9 = arith.mulf %get3A_6, %mul3A_8 : vector<1x128xf32>
    %get3A_10 = arith.constant 0 : index
    %get3A_11 = arith.constant 0 : index
    %get3A_12 = vector.load %arg1[%get3A_10, %get3A_11] : memref<1024x416xf32, #tpu.memory_space<vmem>>, vector<1024x416xf32>
    %get3A_13 = arith.constant 0 : index
    %get3A_14 = arith.constant 0 : index
    %get3A_15 = vector.load %arg3[%get3A_13, %get3A_14] : memref<416x256xf32, #tpu.memory_space<vmem>>, vector<416x256xf32>
    %dot_general3A = arith.constant dense<0.000000e+00> : vector<1024x256xf32>
    %dot_general3A_16 = tpu.matmul %get3A_12, %get3A_15, %dot_general3A {dimension_numbers = #tpu.dot_dimension_numbers<[1], [0], [0], [1], [0, 0, 1, 1], [], []>, transpose_lhs_hint = false} : vector<1024x416xf32>, vector<416x256xf32>, vector<1024x256xf32> -> vector<1024x256xf32>
    %mul3A_17 = vector.broadcast %mul3A_3 : vector<1x256xf32> to vector<1024x256xf32>
    %mul3A_18 = arith.mulf %dot_general3A_16, %mul3A_17 : vector<1024x256xf32>
    %get3A_19 = arith.constant 0 : index
    %get3A_20 = arith.constant 0 : index
    %get3A_21 = vector.load %arg4[%get3A_19, %get3A_20] : memref<1x256xf32, #tpu.memory_space<vmem>>, vector<1x256xf32>
    %mul3A_22 = arith.mulf %get3A_21, %mul3A_3 : vector<1x256xf32>
    %get3A_23 = arith.constant 0 : index
    %get3A_24 = arith.constant 0 : index
    %get3A_25 = vector.load %arg6[%get3A_23, %get3A_24] : memref<1x256xf32, #tpu.memory_space<vmem>>, vector<1x256xf32>
    %add3A = arith.addf %mul3A_22, %get3A_25 : vector<1x256xf32>
    %add3A_26 = vector.broadcast %add3A : vector<1x256xf32> to vector<1024x256xf32>
    %add3A_27 = arith.addf %mul3A_18, %add3A_26 : vector<1024x256xf32>
    %max3A = arith.constant 0.000000e+00 : f32
    %max3A_28 = vector.broadcast %max3A : f32 to vector<1024x256xf32>
    %max3A_29 = arith.maximumf %add3A_27, %max3A_28 : vector<1024x256xf32>
    %get3A_30 = arith.constant 0 : index
    %get3A_31 = arith.constant 0 : index
    %get3A_32 = vector.load %arg7[%get3A_30, %get3A_31] : memref<256x128xf32, #tpu.memory_space<vmem>>, vector<256x128xf32>
    %dot_general3A_33 = arith.constant dense<0.000000e+00> : vector<1024x128xf32>
    %dot_general3A_34 = tpu.matmul %max3A_29, %get3A_32, %dot_general3A_33 {dimension_numbers = #tpu.dot_dimension_numbers<[1], [0], [0], [1], [0, 0, 1, 1], [], []>, transpose_lhs_hint = false} : vector<1024x256xf32>, vector<256x128xf32>, vector<1024x128xf32> -> vector<1024x128xf32>
    %mul3A_35 = vector.broadcast %mul3A_9 : vector<1x128xf32> to vector<1024x128xf32>
    %mul3A_36 = arith.mulf %dot_general3A_34, %mul3A_35 : vector<1024x128xf32>
    %get3A_37 = arith.constant 0 : index
    %get3A_38 = arith.constant 0 : index
    %get3A_39 = vector.load %arg8[%get3A_37, %get3A_38] : memref<1x128xf32, #tpu.memory_space<vmem>>, vector<1x128xf32>
    %mul3A_40 = arith.mulf %get3A_39, %mul3A_9 : vector<1x128xf32>
    %get3A_41 = arith.constant 0 : index
    %get3A_42 = arith.constant 0 : index
    %get3A_43 = vector.load %arg10[%get3A_41, %get3A_42] : memref<1x128xf32, #tpu.memory_space<vmem>>, vector<1x128xf32>
    %add3A_44 = arith.addf %mul3A_40, %get3A_43 : vector<1x128xf32>
    %add3A_45 = vector.broadcast %add3A_44 : vector<1x128xf32> to vector<1024x128xf32>
    %add3A_46 = arith.addf %mul3A_36, %add3A_45 : vector<1024x128xf32>
    %max3A_47 = arith.constant 0.000000e+00 : f32
    %max3A_48 = vector.broadcast %max3A_47 : f32 to vector<1024x128xf32>
    %max3A_49 = arith.maximumf %add3A_46, %max3A_48 : vector<1024x128xf32>
    %get3A_50 = arith.constant 0 : index
    %get3A_51 = arith.constant 0 : index
    %get3A_52 = vector.load %arg11[%get3A_50, %get3A_51] : memref<1x128xf32, #tpu.memory_space<vmem>>, vector<1x128xf32>
    %mul3A_53 = vector.broadcast %get3A_52 : vector<1x128xf32> to vector<1024x128xf32>
    %mul3A_54 = arith.mulf %max3A_49, %mul3A_53 : vector<1024x128xf32>
    %reduce_sum3A = arith.constant dense<0.000000e+00> : vector<1024xf32>
    %reduce_sum3A_55 = vector.multi_reduction <add>, %mul3A_54, %reduce_sum3A [1] : vector<1024x128xf32> to vector<1024xf32>
    %broadcast_in_dim3A = vector.shape_cast %reduce_sum3A_55 : vector<1024xf32> to vector<1024x1xf32>
    %get3A_56 = arith.constant 0 : index
    %get3A_57 = arith.constant 0 : index
    %get3A_58 = vector.load %arg2[%get3A_56, %get3A_57] : memref<1024x26xf32, #tpu.memory_space<vmem>>, vector<1024x26xf32>
    %reduce_sum3A_59 = arith.constant dense<0.000000e+00> : vector<1024xf32>
    %reduce_sum3A_60 = vector.multi_reduction <add>, %get3A_58, %reduce_sum3A_59 [1] : vector<1024x26xf32> to vector<1024xf32>
    %broadcast_in_dim3A_61 = vector.shape_cast %reduce_sum3A_60 : vector<1024xf32> to vector<1024x1xf32>
    %add3A_62 = arith.addf %broadcast_in_dim3A, %broadcast_in_dim3A_61 : vector<1024x1xf32>
    %get3A_63 = arith.constant 0 : index
    %get3A_64 = arith.constant 0 : index
    %get3A_65 = vector.load %arg12[%get3A_63, %get3A_64] : memref<1x1xf32, #tpu.memory_space<vmem>>, vector<1x1xf32>
    %get3A_66 = vector.extract %get3A_65[0, 0] : f32 from vector<1x1xf32>
    %add3A_67 = vector.broadcast %get3A_66 : f32 to vector<1024x1xf32>
    %add3A_68 = arith.addf %add3A_62, %add3A_67 : vector<1024x1xf32>
    %swap3A = arith.constant 0 : index
    %swap3A_69 = arith.constant 0 : index
    %swap3A_70 = vector.load %arg13[%swap3A, %swap3A_69] : memref<1024x1xf32, #tpu.memory_space<vmem>>, vector<1024x1xf32>
    tpu.vector_store %arg13[%swap3A, %swap3A_69], %add3A_68 {strides = array<i32>} : memref<1024x1xf32, #tpu.memory_space<vmem>>, vector<1024x1xf32>,
    return
  }
  func.func @transform_0(%arg0: i32) -> (i32, i32) {
    %c0_i32 = arith.constant 0 : i32
    %c0_i32_0 = arith.constant 0 : i32
    return %arg0, %c0_i32 : i32, i32
  }
  func.func @transform_1(%arg0: i32) -> (i32, i32) {
    %c0_i32 = arith.constant 0 : i32
    %c0_i32_0 = arith.constant 0 : i32
    return %arg0, %c0_i32 : i32, i32
  }
  func.func @transform_2(%arg0: i32) -> (i32, i32) {
    %c0_i32 = arith.constant 0 : i32
    %c0_i32_0 = arith.constant 0 : i32
    %c0_i32_1 = arith.constant 0 : i32
    return %c0_i32, %c0_i32_0 : i32, i32
  }
  func.func @transform_3(%arg0: i32) -> (i32, i32) {
    %c0_i32 = arith.constant 0 : i32
    %c0_i32_0 = arith.constant 0 : i32
    %c0_i32_1 = arith.constant 0 : i32
    return %c0_i32, %c0_i32_0 : i32, i32
  }
  func.func @transform_4(%arg0: i32) -> (i32, i32) {
    %c0_i32 = arith.constant 0 : i32
    %c0_i32_0 = arith.constant 0 : i32
    %c0_i32_1 = arith.constant 0 : i32
    return %c0_i32, %c0_i32_0 : i32, i32
  }
  func.func @transform_5(%arg0: i32) -> (i32, i32) {
    %c0_i32 = arith.constant 0 : i32
    %c0_i32_0 = arith.constant 0 : i32
    %c0_i32_1 = arith.constant 0 : i32
    return %c0_i32, %c0_i32_0 : i32, i32
  }
  func.func @transform_6(%arg0: i32) -> (i32, i32) {
    %c0_i32 = arith.constant 0 : i32
    %c0_i32_0 = arith.constant 0 : i32
    %c0_i32_1 = arith.constant 0 : i32
    return %c0_i32, %c0_i32_0 : i32, i32
  }
  func.func @transform_7(%arg0: i32) -> (i32, i32) {
    %c0_i32 = arith.constant 0 : i32
    %c0_i32_0 = arith.constant 0 : i32
    %c0_i32_1 = arith.constant 0 : i32
    return %c0_i32, %c0_i32_0 : i32, i32
  }
  func.func @transform_8(%arg0: i32) -> (i32, i32) {
    %c0_i32 = arith.constant 0 : i32
    %c0_i32_0 = arith.constant 0 : i32
    %c0_i32_1 = arith.constant 0 : i32
    return %c0_i32, %c0_i32_0 : i32, i32
  }
  func.func @transform_9(%arg0: i32) -> (i32, i32) {
    %c0_i32 = arith.constant 0 : i32
    %c0_i32_0 = arith.constant 0 : i32
    %c0_i32_1 = arith.constant 0 : i32
    return %c0_i32, %c0_i32_0 : i32, i32
  }
  func.func @transform_10(%arg0: i32) -> (i32, i32) {
    %c0_i32 = arith.constant 0 : i32
    %c0_i32_0 = arith.constant 0 : i32
    %c0_i32_1 = arith.constant 0 : i32
    return %c0_i32, %c0_i32_0 : i32, i32
  }
  func.func @transform_11(%arg0: i32) -> (i32, i32) {
    %c0_i32 = arith.constant 0 : i32
    %c0_i32_0 = arith.constant 0 : i32
    %c0_i32_1 = arith.constant 0 : i32
    return %c0_i32, %c0_i32_0 : i32, i32
  }
  func.func @transform_12(%arg0: i32) -> (i32, i32) {
    %c0_i32 = arith.constant 0 : i32
    %c0_i32_0 = arith.constant 0 : i32
    return %arg0, %c0_i32 : i32, i32
  }
}

</mosaic_0001>

<sc_bundles>
// kernel: kernel.5.cloned.1.call-start
scs
__scs_entry_jumppad:
0x0: {  	(pc) =	sbr.rel $0x88, $3  }
0x1: {  	(tag) =	ssettag $0x0;
	lr =	simm.s32 $0x1  }
0x2: {  	[smem:$0x3F93] =	sst lr;
	_ =	strace $0xD0000000  }
0x3: {  	_ = 	snop  }
0x4: {  	_ = 	snop  }
0x5: {  	_ = 	snop  }
0x6: {  	_ = 	snop  }
0x7: {  	_ = 	snop  }
__scs_overlays_trampoline_lowered:
0x8: {  	[smem:$0x3FA2] =	sst s0  }
0x9: {  	[smem:$0x3FA3] =	sst s1  }
0xa: {  	[smem:$0x3FA4] =	sst s2  }
0xb: {  	[smem:$0x3FA5] =	sst s3  }
0xc: {  	[smem:$0x3FA6] =	sst s4  }
0xd: {  	[smem:$0x3FA7] =	sst s5  }
0xe: {  	[smem:$0x3FA8] =	sst s6  }
0xf: {  	[smem:$0x3FA9] =	sst s7  }
0x10: {  	[smem:$0x3FAA] =	sst s8  }
0x11: {  	[smem:$0x3FAB] =	sst s9;
	s0 =	simm.s32 @!p0 $0x0  }
0x12: {  	s1 =	sld [smem:$0x3F91];
	s0 =	simm.s32 @p0 $0x1  }
0x13: {  	[smem:$0x3FAC] =	sst s0;
	s0 =	simm.s32 @!p1 $0x0  }
0x14: {  	s2 =	sld [smem:$0x3F90];
	s0 =	simm.s32 @p1 $0x1  }
0x15: {  	[smem:$0x3FAD] =	sst s0;
	s0 =	simm.s32 @!p2 $0x0  }
0x16: {  	s3 =	sld [smem:$0x3FDB];
	s0 =	simm.s32 @p2 $0x1  }
0x17: {  	s4 =	simm.s32 $0x1BF5;
	[smem:$0x3FAF] =	sst s0  }
0x18: {  	s0 =	sld [smem:$0x3F92];
	_ =	swait.ge [sflag:s4], $0x0  }
0x19: {  	s7 =	sld [smem:$0x3F93]  }
0x1a: {  	s8 =	sadd.s32 $0xFFFFE003, lr  }
0x1b: {  	s9 =	sadd.s32 $0xFFFFFEF7, lr;
	s5 =	simm.s32 $0xFFFFFFFF;
	p2 =	slt.u32 s8, $0xFFFFF086  }
0x1c: {  	p1 =	slt.u32 s9, $0xF7A;
	s5 =	simm.s32 @!p2 $0x0  }
0x1d: {  	s5 =	simm.s32 @p1 $0x1;
	p0 =	seq.s32 s7, s2  }
0x1e: {  	s7 =	smul.u32 @!p0 $0xF7A, s2;
	p2 =	seq.s32 @!p0 s5, $0x0  }
0x1f: {  	s9 =	smul.u32 $0xF7A, s1;
	s8 =	simm.s32 @!p0 $0x1BF5;
	p2 =	por !p2, p0  }
0x20: {  	[sflag:s8] =	ssyncset.s32 @!p0 $0xFFFFF086;
	s6 =	sadd.s32 @!p0 s3, s7;
	s7 =	simm.s32 @!p0 $0x108  }
0x21: {  	s3 =	sadd.s32 s3, s9;
	s6 =	sadd.s32 @!p0 $0x88, s6;
	s7 =	simm.s32 @p2 $0x1082  }
0x22: {  	[simem:s7], [sflag:s8] =	dma.local @!p0 [hbm:s6], $0xF7A  }
0x23: {  	s9 =	sor.u32 $0xD0000000, s2;
	s6 =	simm.s32 $0x108;
	_ =	swait.ge @!p0 [sflag:s8], $0x0  }
0x24: {  	s3 =	sadd.s32 $0x88, s3;
	s6 =	simm.s32 @!p1 $0x1082;
	[sflag:s4] =	ssyncset.s32 $0xFFFFF086  }
0x25: {  	[simem:s6], [sflag:s4] =	dma.local [hbm:s3], $0xF7A  }
0x26: {  	[smem:$0x3F93] =	sst s1;
	(tag) =	ssettag s2;
	_ =	strace s9  }
0x27: {  	s1 =	sld [smem:$0x3FA3]  }
0x28: {  	s2 =	sld [smem:$0x3FA4]  }
0x29: {  	s4 =	sld [smem:$0x3FA6]  }
0x2a: {  	p0 =	seq.s32 s5, $0x0;
	s5 =	sld [smem:$0x3FA7]  }
0x2b: {  	s6 =	sld [smem:$0x3FA8]  }
0x2c: {  	s7 =	sld [smem:$0x3FA9]  }
0x2d: {  	s3 =	simm.s32 $0x108;
	s8 =	sld [smem:$0x3FAA]  }
0x2e: {  	s3 =	simm.s32 @!p0 $0x1082;
	s9 =	sld [smem:$0x3FAB]  }
0x2f: {  	lr =	sadd.s32 s0, s3;
	s0 =	sld [smem:$0x3FA2]  }
0x30: {  	s3 =	sld [smem:$0x3FA5]  }
0x31: {  	[smem:$0x3FAE] =	sst s10  }
0x32: {  	s10 =	sld [smem:$0x3FAC];
	_ =	sdelay $0x3  }
0x33: {  	p0 =	seq.s32 s10, $0x1;
	s10 =	sld [smem:$0x3FAE];
	_ =	sdelay $0x3  }
0x34: {  	[smem:$0x3FAE] =	sst s10  }
0x35: {  	s10 =	sld [smem:$0x3FAD];
	_ =	sdelay $0x3  }
0x36: {  	p1 =	seq.s32 s10, $0x1;
	s10 =	sld [smem:$0x3FAE];
	_ =	sdelay $0x3  }
0x37: {  	[smem:$0x3FAE] =	sst s10  }
0x38: {  	s10 =	sld [smem:$0x3FAF]  }
0x39: {  	_ = 	snop;
	(pc) =	sbr.ind lr, $3  }
0x3a: {  	_ = 	snop  }
0x3b: {  	_ = 	snop  }
0x3c: {  	p2 =	seq.s32 s10, $0x1;
	s10 =	sld [smem:$0x3FAE]  }
0x3d: {  	_ =	shalt  }
0x3e: {  	_ =	shalt  }
0x3f: {  	_ =	shalt  }
0x40: {  	_ =	shalt  }
0x41: {  	_ =	shalt  }
0x42: {  	_ =	shalt  }
0x43: {  	_ =	shalt  }
0x44: {  	_ =	shalt  }
0x45: {  	_ =	shalt  }
0x46: {  	_ =	shalt  }
0x47: {  	_ =	shalt  }
0x48: {  	_ =	shalt  }
0x49: {  	_ =	shalt  }
0x4a: {  	_ =	shalt  }
0x4b: {  	_ =	shalt  }
0x4c: {  	_ =	shalt  }
0x4d: {  	_ =	shalt  }
0x4e: {  	_ =	shalt  }
0x4f: {  	_ =	shalt  }
0x50: {  	_ =	shalt  }
0x51: {  	_ =	shalt  }
0x52: {  	_ =	shalt  }
0x53: {  	_ =	shalt  }
0x54: {  	_ =	shalt  }
0x55: {  	_ =	shalt  }
0x56: {  	_ =	shalt  }
0x57: {  	_ =	shalt  }
0x58: {  	_ =	shalt  }
0x59: {  	_ =	shalt  }
0x5a: {  	_ =	shalt  }
0x5b: {  	_ =	shalt  }
0x5c: {  	_ =	shalt  }
0x5d: {  	_ =	shalt  }
0x5e: {  	_ =	shalt  }
0x5f: {  	_ =	shalt  }
0x60: {  	_ =	shalt  }
0x61: {  	_ =	shalt  }
0x62: {  	_ =	shalt  }
0x63: {  	_ =	shalt  }
0x64: {  	_ =	shalt  }
0x65: {  	_ =	shalt  }
0x66: {  	_ =	shalt  }
0x67: {  	_ =	shalt  }
0x68: {  	_ =	shalt  }
0x69: {  	_ =	shalt  }
0x6a: {  	_ =	shalt  }
0x6b: {  	_ =	shalt  }
0x6c: {  	_ =	shalt  }
0x6d: {  	_ =	shalt  }
0x6e: {  	_ =	shalt  }
0x6f: {  	_ =	shalt  }
0x70: {  	_ =	shalt  }
0x71: {  	_ =	shalt  }
0x72: {  	_ =	shalt  }
0x73: {  	_ =	shalt  }
0x74: {  	_ =	shalt  }
0x75: {  	_ =	shalt  }
0x76: {  	_ =	shalt  }
0x77: {  	_ =	shalt  }
0x78: {  	_ =	shalt  }
0x79: {  	_ =	shalt  }
0x7a: {  	_ =	shalt  }
0x7b: {  	_ =	shalt  }
0x7c: {  	_ =	shalt  }
0x7d: {  	_ =	shalt  }
0x7e: {  	_ =	shalt  }
0x7f: {  	_ =	shalt  }
0x80: {  	_ =	shalt  }
0x81: {  	_ =	shalt  }
0x82: {  	_ =	shalt  }
0x83: {  	_ =	shalt  }
0x84: {  	_ =	shalt  }
0x85: {  	_ =	shalt  }
0x86: {  	_ =	shalt  }
0x87: {  	_ =	shalt  }
.Lfunc_end0:
.L_simem_size_0:
called_computation_lowered:
.L_overlay_start_0:
0x88: {  	s2 =	sld [smem:$0x3FD9]  }
0x89: {  	s3 =	sld [smem:$0x3FFE];
	_ =	sdelay $0x1  }
0x8a: {  	s1 =	srdreg.scid  }
0x8b: {  	s0 =	sand.u32 $0x1, s1  }
0x8c: {  	s17 =	sshll.u32 s0, $0xA;
	s2 =	sadd.s32 s3, s2  }
0x8d: {  	s2 =	sadd.s32 s2, s17  }
0x8e: {  	[smem:$0x3FBA] =	sst s2  }
0x8f: {  	_ = 	snop  }
0x90: {  	s2 =	sld [smem:$0x3FC8]  }
0x91: {  	s18 =	sld [smem:$0x3FD0];
	(tm) =	ssettm $0x1  }
0x92: {  	s4 =	sld [smem:$0x3FFB];
	_ =	sdelay $0x3  }
0x93: {  	_ =	strace s4  }
0x94: {  	s4 =	sld [smem:$0x3FFC];
	_ =	sdelay $0x3  }
0x95: {  	_ =	strace s4  }
0x96: {  	s4 =	sld [smem:$0x3FFD];
	_ =	sdelay $0x3  }
0x97: {  	_ =	strace s4  }
0x98: {  	_ =	strace $0x8FFFFFFF  }
0x99: {  	s19 =	sld [smem:$0x3FDB];
	_ =	sdelay $0x1  }
0x9a: {  	s5 =	simm.s32 $_scs_section_size  }
0x9b: {  	s6 =	simm.s32 $_size__tile_overlayer_lowered;
	s7 =	simm.s32 $_tile_overlayer_lowered  }
0x9c: {  	s22 =	simm.s32 $0x1BFF;
	s21 =	sshll.u32 s7, $0x1;
	s4 =	sadd.s32 s5, s19  }
0x9d: {  	s8 =	simm.s32 $0x0;
	s20 =	sshll.u32 s6, $0x1;
	s6 =	sadd.s32 s21, s4  }
0x9e: {  	[timem:s8], [sflag:s22] =	dma.local [hbm:s6], s20  }
0x9f: {  	_ =	swait.ge [sflag:s22], s20  }
0xa0: {  	s5 =	ssub.s32 $0x0, s20;
	[sflag:s22] =	ssyncset.done $0x0  }
0xa1: {  	[sflag:s22] =	ssyncadd.s32 s5;
	_ =	sdelay $0x1  }
0xa2: {  	s23 =	simm.s32 $0x1B8B  }
0xa3: {  	_ =	swait.ge [sflag:s23], $0x1  }
0xa4: {  	[sflag:s23] =	ssyncset.done $0x0  }
0xa5: {  	s25 =	simm.s32 $0x1B8E;
	s24 =	sld [smem:$0x3FFE];
	[sflag:s23] =	ssyncadd.s32 $0xFFFFFFFF  }
0xa6: {  	s26 =	simm.s32 $execute0_lowered;
	[smem:$0x3FD2] =	sst s25  }
0xa7: {  	s6 =	sshll.u32 s26, $0x1;
	_ =	strace $0x80000046;
	[dreg:$0x1] =	wrdreg $0xFFFFFFFF  }
0xa8: {  	s28 =	simm.s32 $_size_execute0_lowered;
	s4 =	sadd.s32 s4, s6;
	[dreg:$0x0] =	wrdreg $0x0  }
0xa9: {  	s6 =	sshll.u32 s28, $0x1;
	[dreg:$0x2] =	wrdreg s4  }
0xaa: {  	[dreg:$0x3] =	wrdreg s6  }
0xab: {  	[dreg:$0x4] =	wrdreg $0xC0  }
0xac: {  	_ =	task [dreg:s8], $0x5FFFF  }
0xad: {  	[dreg:$0x1] =	wrdreg $0xFFFFFFFF  }
0xae: {  	[dreg:$0x0] =	wrdreg $0x60  }
0xaf: {  	[dreg:$0x2] =	wrdreg s2  }
0xb0: {  	[dreg:$0x3] =	wrdreg s18  }
0xb1: {  	[dreg:$0x4] =	wrdreg s24  }
0xb2: {  	[dreg:$0x5] =	wrdreg $0x9  }
0xb3: {  	_ =	task.clear_ibuf [dreg:s8], $0x6FFFF;
	_ =	strace $0x90000046  }
0xb4: {  	s29 =	simm.s32 $0x9;
	_ =	strace $0x80000048  }
0xb5: {  	_ =	swait.ge [sflag:s29], $0x1  }
0xb6: {  	[sflag:s29] =	ssyncadd.s32 $0xFFFFFFFF  }
0xb7: {  	_ =	strace $0x90000048  }
0xb8: {  	_ =	sfence  }
0xb9: {  	s30 =	sld [smem:$0x0];
	_ =	sdelay $0x2  }
0xba: {  	s31 =	sshll.u32 s1, $0xD;
	s1 =	sshrl.u32 s1, $0x2  }
0xbb: {  	s3 =	sand.u32 $0x4000, s31;
	s1 =	sadd.s32 s1, s30  }
0xbc: {  	s0 =	sor.u32 s3, s0;
	s1 =	sshll.u32 s1, $0x11  }
0xbd: {  	s0 =	sor.u32 s1, s0  }
0xbe: {  	s0 =	sadd.s32 $0x8F2B, s0  }
0xbf: {  	[sflag:s0] =	ssyncadd.remote.s32 $0x1  }
0xc0: {  	_ =	sfence.sel $0xFFFF  }
0xc1: {  	[dreg:$0x0] =	wrdreg $0xFFFFFFFF;
	(pc) =	sbr.abs _section_cstart, $3  }
0xc2: {  	[dreg:$0x1] =	wrdreg $0xFFFFFFFF  }
0xc3: {  	_ =	task.clear_ibuf [dreg:s8], $0x2FFFF;
	_ =	strace $0x9FFFFFFF  }
0xc4: {  	(tm) =	ssettm $0x7FFFFFFF  }
0xc5: {  	_ =	shalt  }
tec
execute0_lowered:
.L_overlay_start_1:
0x0: {  	(tag) =	ssettag $0x1  }
0x1: {  	s5 =	rddreg [dreg:$0x0]  }
0x2: {  	s0 =	rddreg [dreg:$0x2];
	s2 =	simm.s32 $0x0  }
0x3: {  	[smem:$0x7FF] =	sst s2;
	s7 =	sadd.s32 $0x180, s5  }
0x4: {  	s14 =	sadd.s32 $0x200, s5;
	_ =	strace $0x80000047;
	[dreg:$0x5] =	wrdreg s7  }
0x5: {  	s15 =	sadd.s32 $0x280, s5;
	[dreg:$0x6] =	wrdreg s14  }
0x6: {  	s16 =	sadd.s32 $0x300, s5;
	[dreg:$0x7] =	wrdreg s15  }
0x7: {  	s18 =	sadd.s32 $0x27A800, s5;
	[dreg:$0x8] =	wrdreg s16  }
0x8: {  	s19 =	sadd.s32 $0x27A880, s5;
	[dreg:$0x9] =	wrdreg s18  }
0x9: {  	s20 =	sadd.s32 $0x27A900, s5;
	[dreg:$0xa] =	wrdreg s19  }
0xa: {  	s1 =	srdreg.scid;
	s21 =	sadd.s32 $0x27A980, s5;
	[dreg:$0xb] =	wrdreg s20  }
0xb: {  	s4 =	stileid.u32;
	s22 =	sadd.s32 $0x27AA00, s5;
	[dreg:$0xd] =	wrdreg s21  }
0xc: {  	s6 =	simm.s32 $0x28;
	s23 =	sadd.s32 $0x80, s5;
	[dreg:$0xe] =	wrdreg s22  }
0xd: {  	s28 =	simm.s32 $0x13D6400;
	s24 =	sadd.s32 $0x27AA80, s5;
	[dreg:$0xf] =	wrdreg s23  }
0xe: {  	s1 =	sand.u32 $0x1, s1;
	s25 =	sadd.s32 $0x27AB00, s5;
	[dreg:$0x10] =	wrdreg s24  }
0xf: {  	s4 =	sshll.u32 s4, $0x1;
	s26 =	sadd.s32 $0x380, s5;
	[dreg:$0x11] =	wrdreg s25  }
0x10: {  	s17 =	sadd.s32 $0x2A00, s0;
	s29 =	sadd.s32 $0x27AB80, s5;
	[dreg:$0x12] =	wrdreg s26  }
0x11: {  	s30 =	sadd.s32 $0x4F7A00, s0;
	s0 =	sadd.s32 $0x4F8200, s0;
	[dreg:$0x13] =	wrdreg s29  }
0x12: {  	s12 =	ssub.s32 $0x2, s1;
	s1 =	sor.u32 s1, s4;
	[dreg:$0x14] =	wrdreg s30  }
0x13: {  	s22 =	sadd.s32 $0x100, s5;
	[dreg:$0x15] =	wrdreg s0;
	s26 =	simm.s32 $0x400  }
0x14: {  	s24 =	simm.s32 $0x1;
	s25 =	simm.s32 $0x8000;
	s13 =	smul.u32 $0x27, s1  }
.Ltmp0:
0x15: {  	s3 =	sshrl.u32 s12, $0x1;
	p0 =	slt.u32 s1, $0x15;
	(pc) =	sbr.rel .LBB2_1-.Ltmp0, $4  }
0x16: {  	s4 =	smin.u32 s1, $0x15;
	s2 =	ssub.s32 s12, s3;
	s6 =	simm.s32 @!p0 $0x27  }
0x17: {  	p0 =	sne.s32 s1, $0x1F;
	[dreg:$0x4] =	wrdreg s6;
	s3 =	sadd.s32 s4, s13  }
0x18: {  	v0 =	vlaneseq.u32;
	s12 =	simm.s32 $0xC000;
	s31 =	smax.u32 s2, $0x1;
	[dreg:$0xc] =	wrdreg s3  }
0x19: {  	v0 =	vmul.u32 $0x10, v0;
	s1 =	simm.s32 $0x0;
	s4 =	simm.s32 $0x2;
	[dreg:$0x16] =	wrdreg s31  }
.LBB2_11:
0x1a: {  	s1 =	sadd.s32 $0x1, s1;
	s0 =	rddreg [dreg:$0x16]  }
0x1b: {  	p1 =	sne.s32 s1, s0  }
.Ltmp1:
0x1c: {  	_ = 	snop;
	(pc) =	sbr.rel @!p1 .LBB2_12-.Ltmp1, $1  }
0x1d: {  	_ =	sdelay $0x3  }
.LBB2_1:
0x1e: {  	[dreg:$0x17] =	wrdreg s1;
	s13 =	simm.s32 $0x0  }
.LBB2_2:
0x1f: {  	s0 =	rddreg [dreg:$0xc]  }
0x20: {  	s16 =	sadd.s32 s13, s0  }
0x21: {  	s0 =	sshll.u32 s16, $0xB  }
0x22: {  	s3 =	rddreg [dreg:$0x0];
	s0 =	sand.u32 $0x1FFFF800, s0  }
0x23: {  	s2 =	simm.s32 $0x0;
	s9 =	rddreg [dreg:$0xf];
	s1 =	sadd.s32 s3, s0  }
0x24: {  	[tilespmem:s2], [sflag:$0x1] =	stream.strided.gather [hbm4b:s1+s26], $0x800, s28, s26, $0x38;
	[tilespmem:$0x10000] =	vst v63  }
0x25: {  	s5 =	simm.s32 $0x800;
	s7 =	sadd.s32 s0, s9  }
0x26: {  	[tilespmem:s5], [sflag:$0x1] =	stream.strided.gather [hbm4b:s7+s26], $0x800, s28, s26, $0x38;
	[tilespmem:$0x10000] =	vst v63  }
0x27: {  	s10 =	simm.s32 $0x1000;
	s8 =	sadd.s32 s0, s22;
	s5 =	rddreg [dreg:$0x5]  }
0x28: {  	[tilespmem:s10], [sflag:$0x1] =	stream.strided.gather [hbm4b:s8+s26], $0x800, s28, s26, $0x38;
	[tilespmem:$0x10000] =	vst v63  }
0x29: {  	s6 =	simm.s32 $0x1800;
	s11 =	sadd.s32 s0, s5  }
0x2a: {  	[tilespmem:s6], [sflag:$0x1] =	stream.strided.gather [hbm4b:s11+s26], $0x800, s28, s26, $0x38;
	[tilespmem:$0x10000] =	vst v63  }
0x2b: {  	s6 =	rddreg [dreg:$0x6]  }
0x2c: {  	s7 =	simm.s32 $0x2000;
	s14 =	sadd.s32 s0, s6  }
0x2d: {  	[tilespmem:s7], [sflag:$0x1] =	stream.strided.gather [hbm4b:s14+s26], $0x800, s28, s26, $0x38;
	[tilespmem:$0x10000] =	vst v63  }
0x2e: {  	s7 =	rddreg [dreg:$0x7]  }
0x2f: {  	s8 =	simm.s32 $0x2800;
	s15 =	sadd.s32 s0, s7  }
0x30: {  	[tilespmem:s8], [sflag:$0x1] =	stream.strided.gather [hbm4b:s15+s26], $0x800, s28, s26, $0x38;
	[tilespmem:$0x10000] =	vst v63  }
0x31: {  	s8 =	rddreg [dreg:$0x8]  }
0x32: {  	s10 =	simm.s32 $0x3000;
	s18 =	sadd.s32 s0, s8  }
0x33: {  	[tilespmem:s10], [sflag:$0x1] =	stream.strided.gather [hbm4b:s18+s26], $0x800, s28, s26, $0x38;
	[tilespmem:$0x10000] =	vst v63  }
0x34: {  	s15 =	sshllo.u32 s16, $0x1;
	s10 =	rddreg [dreg:$0x12]  }
0x35: {  	s19 =	simm.s32 $0x3800;
	s20 =	sshll.u32 s15, $0xA;
	s0 =	sadd.s32 s0, s10  }
0x36: {  	[tilespmem:s19], [sflag:$0x1] =	stream.strided.gather [hbm4b:s0+s26], $0x800, s28, s26, $0x38;
	[tilespmem:$0x10000] =	vst v63  }
0x37: {  	s0 =	sand.u32 $0x1FFFFC00, s20  }
0x38: {  	s23 =	simm.s32 $0x4000;
	s21 =	sadd.s32 s3, s0  }
0x39: {  	[tilespmem:s23], [sflag:$0x2] =	stream.strided.gather [hbm4b:s21+s26], $0x800, s28, s26, $0x38;
	[tilespmem:$0x10000] =	vst v63  }
0x3a: {  	s31 =	simm.s32 $0x4800;
	s30 =	sadd.s32 s0, s9  }
0x3b: {  	[tilespmem:s31], [sflag:$0x2] =	stream.strided.gather [hbm4b:s30+s26], $0x800, s28, s26, $0x38;
	[tilespmem:$0x10000] =	vst v63  }
0x3c: {  	s11 =	simm.s32 $0x5000;
	s9 =	sadd.s32 s0, s22  }
0x3d: {  	[tilespmem:s11], [sflag:$0x2] =	stream.strided.gather [hbm4b:s9+s26], $0x800, s28, s26, $0x38;
	[tilespmem:$0x10000] =	vst v63  }
0x3e: {  	s18 =	simm.s32 $0x5800;
	s14 =	sadd.s32 s0, s5  }
0x3f: {  	[tilespmem:s18], [sflag:$0x2] =	stream.strided.gather [hbm4b:s14+s26], $0x800, s28, s26, $0x38;
	[tilespmem:$0x10000] =	vst v63  }
0x40: {  	s20 =	simm.s32 $0x6000;
	s19 =	sadd.s32 s0, s6  }
0x41: {  	[tilespmem:s20], [sflag:$0x2] =	stream.strided.gather [hbm4b:s19+s26], $0x800, s28, s26, $0x38;
	[tilespmem:$0x10000] =	vst v63  }
0x42: {  	s21 =	sadd.s32 s0, s7;
	s23 =	simm.s32 $0x6800  }
0x43: {  	[tilespmem:s23], [sflag:$0x2] =	stream.strided.gather [hbm4b:s21+s26], $0x800, s28, s26, $0x38;
	[tilespmem:$0x10000] =	vst v63  }
0x44: {  	s30 =	sadd.s32 s0, s8;
	s31 =	simm.s32 $0x7000  }
0x45: {  	[tilespmem:s31], [sflag:$0x2] =	stream.strided.gather [hbm4b:s30+s26], $0x800, s28, s26, $0x38;
	[tilespmem:$0x10000] =	vst v63  }
0x46: {  	s5 =	simm.s32 $0x7800;
	s0 =	sadd.s32 s0, s10  }
0x47: {  	[tilespmem:s5], [sflag:$0x2] =	stream.strided.gather [hbm4b:s0+s26], $0x800, s28, s26, $0x38;
	[tilespmem:$0x10000] =	vst v63  }
0x48: {  	_ =	swait.ge [sflag:s24], $0x800  }
0x49: {  	[sflag:s24] =	ssyncset.done $0x0  }
0x4a: {  	[sflag:s24] =	ssyncadd.s32 $0xFFFFF800  }
0x4b: {  	_ =	swait.ge [sflag:s24], $0x800  }
0x4c: {  	[sflag:s24] =	ssyncset.done $0x0  }
0x4d: {  	[sflag:s24] =	ssyncadd.s32 $0xFFFFF800  }
0x4e: {  	_ =	swait.ge [sflag:s24], $0x800  }
0x4f: {  	[sflag:s24] =	ssyncset.done $0x0  }
0x50: {  	[sflag:s24] =	ssyncadd.s32 $0xFFFFF800  }
0x51: {  	_ =	swait.ge [sflag:s24], $0x800  }
0x52: {  	[sflag:s24] =	ssyncset.done $0x0  }
0x53: {  	[sflag:s24] =	ssyncadd.s32 $0xFFFFF800  }
0x54: {  	_ =	swait.ge [sflag:s24], $0x800  }
0x55: {  	[sflag:s24] =	ssyncset.done $0x0  }
0x56: {  	[sflag:s24] =	ssyncadd.s32 $0xFFFFF800  }
0x57: {  	_ =	swait.ge [sflag:s24], $0x800  }
0x58: {  	[sflag:s24] =	ssyncset.done $0x0  }
0x59: {  	[sflag:s24] =	ssyncadd.s32 $0xFFFFF800  }
0x5a: {  	_ =	swait.ge [sflag:s24], $0x800  }
0x5b: {  	[sflag:s24] =	ssyncset.done $0x0  }
0x5c: {  	[sflag:s24] =	ssyncadd.s32 $0xFFFFF800  }
0x5d: {  	s6 =	sand.u32 $0xE, s2;
	s7 =	sand.u32 $0x7, s2;
	_ =	swait.ge [sflag:s24], $0x800  }
0x5e: {  	s2 =	sand.u32 $0x3800, s2;
	s8 =	sshll.u32 s6, $0x7;
	[sflag:s24] =	ssyncset.done $0x0  }
0x5f: {  	s1 =	sshll.u32 s7, $0x1;
	s3 =	sor.u32 s8, s2;
	[sflag:s24] =	ssyncadd.s32 $0xFFFFF800  }
0x60: {  	s1 =	sadd.s32 $0x0, s1;
	v1 =	vld [tilespmem:s3+$0x70]  }
0x61: {  	s11 =	sor.u32 s6, s2;
	s18 =	sor.u32 $0x700, s1;
	v3 =	vld [tilespmem:s3+$0x30]  }
0x62: {  	v6 =	vor.u32 s18, v0;
	s19 =	sor.u32 $0x100, s11;
	v4 =	vld [tilespmem:s3+$0x10]  }
0x63: {  	s10 =	sor.u32 $0x400, s11;
	v7 =	vor.u32 s19, v0;
	v2 =	vld [tilespmem:s3+$0x60]  }
0x64: {  	v15 =	vor.u32 s10, v0;
	s0 =	sor.u32 $0x1, s6;
	v14 =	vld [tilespmem:s3+$0x40]  }
0x65: {  	v8 =	vor.u32 s11, v0;
	s9 =	sor.u32 $0x300, s11;
	s21 =	sshll.u32 s0, $0x7;
	s18 =	sor.u32 s2, s0;
	v9 =	vld [tilespmem:s3+$0x0]  }
0x66: {  	v10 =	vor.u32 s9, v0;
	s29 =	sor.u32 s21, s2;
	s14 =	sor.u32 $0x500, s18;
	v5 =	vld [tilespmem:s3+$0x20]  }
0x67: {  	s30 =	sor.u32 $0x600, s18;
	v16 =	vor.u32 s14, v0;
	v17 =	vld [tilespmem:s29+$0x50];
	[tilespmem:v6+s25+$0x0] =	vst.idx.msk $0xffff, v1  }
0x68: {  	s31 =	sor.u32 $0x400, s18;
	v13 =	vor.u32 s30, v0;
	v11 =	vld [tilespmem:s29+$0x60];
	[tilespmem:v7+s25+$0x0] =	vst.idx.msk $0xffff, v4  }
0x69: {  	s20 =	sor.u32 $0x500, s11;
	s19 =	sadd.s32 $0x1, s1;
	s23 =	sor.u32 $0x200, s11;
	v12 =	vld [tilespmem:s29+$0x40];
	[tilespmem:v15+s25+$0x0] =	vst.idx.msk $0xffff, v14;
	v14 =	vor.u32 s31, v0  }
0x6a: {  	s11 =	sor.u32 $0x600, s11;
	s0 =	sor.u32 $0x700, s19;
	s19 =	simm.s32 $0x0;
	[tilespmem:v8+s25+$0x0] =	vst.idx.msk $0xffff, v9;
	v6 =	vor.u32 s23, v0;
	v8 =	vld [tilespmem:s29+$0x30]  }
0x6b: {  	s21 =	sor.u32 $0x300, s18;
	s2 =	sor.u32 $0x200, s18;
	v1 =	vor.u32 s0, v0;
	[tilespmem:v10+s25+$0x0] =	vst.idx.msk $0xffff, v3;
	s23 =	sor.u32 $0x100, s18;
	v9 =	vld [tilespmem:s29+$0x70];
	v10 =	vor.u32 s11, v0  }
0x6c: {  	v4 =	vor.u32 s21, v0;
	v3 =	vor.u32 s20, v0;
	v7 =	vld [tilespmem:s3+$0x50];
	[tilespmem:v16+s25+$0x0] =	vst.idx.msk $0xffff, v17;
	s0 =	simm.s32 $0x100;
	s3 =	simm.s32 $0x1;
	s21 =	simm.s32 $0x2  }
.LBB2_3:
0x6d: {  	s1 =	sand.u32 $0x7, s3;
	s30 =	sand.u32 $0xE, s21;
	s31 =	sand.u32 $0x3800, s0;
	v15 =	vld [tilespmem:s29+$0x0];
	[tilespmem:v13+s25+$0x0] =	vst.idx.msk $0xffff, v11  }
0x6e: {  	s1 =	sshll.u32 s1, $0x1;
	s11 =	sshll.u32 s30, $0x7;
	s6 =	sor.u32 $0x1, s30;
	v11 =	vld [tilespmem:s29+$0x20];
	[tilespmem:v14+s25+$0x0] =	vst.idx.msk $0xffff, v12  }
0x6f: {  	s1 =	sadd.s32 s1, s0;
	s11 =	sor.u32 s11, s31;
	s14 =	sshll.u32 s6, $0x7;
	[tilespmem:v6+s25+$0x0] =	vst.idx.msk $0xffff, v5;
	v5 =	vor.u32 s18, v0;
	v12 =	vld [tilespmem:s29+$0x10]  }
0x70: {  	v13 =	vor.u32 s2, v0;
	s30 =	sor.u32 s30, s31;
	s18 =	sor.u32 s31, s6;
	v14 =	vld [tilespmem:s11+$0x70];
	s6 =	sadd.s32 $0x1, s1;
	[tilespmem:v10+s25+$0x0] =	vst.idx.msk $0xffff, v2;
	v10 =	vor.u32 s23, v0  }
0x71: {  	v16 =	vor.u32 s30, v0;
	s1 =	sor.u32 $0x700, s1;
	s29 =	sor.u32 s14, s31;
	v17 =	vld [tilespmem:s11+$0x30];
	s2 =	sor.u32 $0x700, s6;
	[tilespmem:v4+s25+$0x0] =	vst.idx.msk $0xffff, v8  }
0x72: {  	s14 =	sor.u32 $0x400, s30;
	s23 =	sor.u32 $0x500, s30;
	s6 =	sor.u32 $0x100, s30;
	v18 =	vor.u32 s1, v0;
	v8 =	vld [tilespmem:s11+$0x10];
	[tilespmem:v1+s25+$0x0] =	vst.idx.msk $0xffff, v9;
	v1 =	vor.u32 s2, v0  }
0x73: {  	s31 =	sor.u32 $0x600, s18;
	s1 =	sor.u32 $0x300, s18;
	v9 =	vor.u32 s6, v0;
	s6 =	sor.u32 $0x500, s18;
	v2 =	vld [tilespmem:s11+$0x60];
	[tilespmem:v3+s25+$0x0] =	vst.idx.msk $0xffff, v7  }
0x74: {  	s5 =	sor.u32 $0x300, s30;
	v19 =	vor.u32 s14, v0;
	s2 =	sor.u32 $0x200, s30;
	v4 =	vor.u32 s1, v0;
	s1 =	sor.u32 $0x400, s18;
	v7 =	vld [tilespmem:s11+$0x0];
	[tilespmem:v5+s25+$0x0] =	vst.idx.msk $0xffff, v15  }
0x75: {  	v6 =	vor.u32 s2, v0;
	v3 =	vor.u32 s23, v0;
	s23 =	sor.u32 $0x100, s18;
	s2 =	sor.u32 $0x200, s18;
	v15 =	vor.u32 s5, v0;
	s5 =	sor.u32 $0x600, s30;
	[tilespmem:v13+s25+$0x0] =	vst.idx.msk $0xffff, v11  }
0x76: {  	s19 =	sadd.s32 $0x10, s19;
	v21 =	vor.u32 s6, v0;
	v13 =	vor.u32 s31, v0;
	v20 =	vld [tilespmem:s11+$0x40];
	[tilespmem:v10+s25+$0x0] =	vst.idx.msk $0xffff, v12  }
0x77: {  	p1 =	slt.u32 s19, $0x3F0;
	v5 =	vld [tilespmem:s11+$0x20];
	[tilespmem:v18+s25+$0x0] =	vst.idx.msk $0xffff, v14;
	v14 =	vor.u32 s1, v0  }
0x78: {  	[tilespmem:v9+s25+$0x0] =	vst.idx.msk $0xffff, v8;
	v18 =	vld [tilespmem:s29+$0x50]  }
.Ltmp2:
0x79: {  	v10 =	vor.u32 s5, v0;
	[tilespmem:v16+s25+$0x0] =	vst.idx.msk $0xffff, v7;
	v11 =	vld [tilespmem:s29+$0x60];
	(pc) =	sbr.rel @p1 .LBB2_3-.Ltmp2, $4  }
0x7a: {  	[tilespmem:v15+s25+$0x0] =	vst.idx.msk $0xffff, v17;
	v12 =	vld [tilespmem:s29+$0x40]  }
0x7b: {  	v8 =	vld [tilespmem:s29+$0x30]  }
0x7c: {  	[tilespmem:v19+s25+$0x0] =	vst.idx.msk $0xffff, v20;
	v9 =	vld [tilespmem:s29+$0x70]  }
0x7d: {  	s3 =	sadd.s32 $0x1, s3;
	s21 =	sadd.s32 $0x2, s21;
	s0 =	sadd.s32 $0x100, s0;
	v7 =	vld [tilespmem:s11+$0x50];
	[tilespmem:v21+s25+$0x0] =	vst.idx.msk $0xffff, v18  }
0x7e: {  	_ =	sdelay $0x3  }
0x7f: {  	[tilespmem:v13+s25+$0x0] =	vst.idx.msk $0xffff, v11  }
0x80: {  	[tilespmem:v6+s25+$0x0] =	vst.idx.msk $0xffff, v5  }
0x81: {  	v11 =	vld [tilespmem:s29+$0x0];
	v5 =	vor.u32 s18, v0;
	[tilespmem:v10+s25+$0x0] =	vst.idx.msk $0xffff, v2  }
0x82: {  	v6 =	vld [tilespmem:s29+$0x20];
	v2 =	vor.u32 s2, v0;
	[tilespmem:v14+s25+$0x0] =	vst.idx.msk $0xffff, v12  }
0x83: {  	v10 =	vld [tilespmem:s29+$0x10];
	v12 =	vor.u32 s23, v0;
	[tilespmem:v4+s25+$0x0] =	vst.idx.msk $0xffff, v8  }
0x84: {  	[tilespmem:v1+s25+$0x0] =	vst.idx.msk $0xffff, v9  }
0x85: {  	[tilespmem:v3+s25+$0x0] =	vst.idx.msk $0xffff, v7  }
0x86: {  	s0 =	sshll.u32 s16, $0xC;
	[tilespmem:v5+s25+$0x0] =	vst.idx.msk $0xffff, v11  }
0x87: {  	s0 =	sand.u32 $0x1FFFF000, s0;
	[tilespmem:v2+s25+$0x0] =	vst.idx.msk $0xffff, v6  }
0x88: {  	s1 =	simm.s32 $0x0;
	s0 =	sadd.s32 s17, s0;
	[tilespmem:v12+s25+$0x0] =	vst.idx.msk $0xffff, v10  }
0x89: {  	[hbm4b:s0+s1] =	stream.linear.scatter [tilespmem:s25], [sflag:$0x1], $0x4000, $0x38;
	[tilespmem:$0x10000] =	vst v63  }
0x8a: {  	_ =	swait.ge [sflag:s4], $0x800  }
0x8b: {  	[sflag:s4] =	ssyncset.done $0x0  }
0x8c: {  	[sflag:s4] =	ssyncadd.s32 $0xFFFFF800  }
0x8d: {  	_ =	swait.ge [sflag:s4], $0x800  }
0x8e: {  	[sflag:s4] =	ssyncset.done $0x0  }
0x8f: {  	[sflag:s4] =	ssyncadd.s32 $0xFFFFF800  }
0x90: {  	_ =	swait.ge [sflag:s4], $0x800  }
0x91: {  	[sflag:s4] =	ssyncset.done $0x0  }
0x92: {  	[sflag:s4] =	ssyncadd.s32 $0xFFFFF800  }
0x93: {  	_ =	swait.ge [sflag:s4], $0x800  }
0x94: {  	[sflag:s4] =	ssyncset.done $0x0  }
0x95: {  	[sflag:s4] =	ssyncadd.s32 $0xFFFFF800  }
0x96: {  	_ =	swait.ge [sflag:s4], $0x800  }
0x97: {  	[sflag:s4] =	ssyncset.done $0x0  }
0x98: {  	[sflag:s4] =	ssyncadd.s32 $0xFFFFF800  }
0x99: {  	_ =	swait.ge [sflag:s4], $0x800  }
0x9a: {  	[sflag:s4] =	ssyncset.done $0x0  }
0x9b: {  	[sflag:s4] =	ssyncadd.s32 $0xFFFFF800  }
0x9c: {  	_ =	swait.ge [sflag:s4], $0x800  }
0x9d: {  	[sflag:s4] =	ssyncset.done $0x0  }
0x9e: {  	s19 =	sand.u32 $0xE, s1;
	[sflag:s4] =	ssyncadd.s32 $0xFFFFF800  }
0x9f: {  	s21 =	sand.u32 $0x3800, s1;
	s3 =	sor.u32 $0x1, s19;
	_ =	swait.ge [sflag:s4], $0x800  }
0xa0: {  	s5 =	sor.u32 $0x4000, s21;
	s6 =	sshll.u32 s3, $0x7;
	[sflag:s4] =	ssyncset.done $0x0  }
0xa1: {  	s16 =	sor.u32 s6, s5;
	[sflag:s4] =	ssyncadd.s32 $0xFFFFF800  }
0xa2: {  	v5 =	vld [tilespmem:s16+$0x60]  }
0xa3: {  	v1 =	vld [tilespmem:s16+$0x50]  }
0xa4: {  	s20 =	smov.u32 s17;
	s29 =	simm.s32 $0x0;
	s3 =	sor.u32 s21, s3;
	v4 =	vld [tilespmem:s16+$0x70]  }
0xa5: {  	s11 =	sshll.u32 s19, $0x7;
	s23 =	sor.u32 $0x200, s3;
	s14 =	sor.u32 $0x300, s3;
	v7 =	vld [tilespmem:s16+$0x40]  }
0xa6: {  	s9 =	sor.u32 $0x600, s3;
	v9 =	vor.u32 s23, v0;
	s0 =	sor.u32 s19, s21;
	s19 =	sor.u32 s11, s5;
	v10 =	vld [tilespmem:s16+$0x20]  }
0xa7: {  	s10 =	sor.u32 $0x500, s3;
	s1 =	sand.u32 $0x7, s1;
	s2 =	sor.u32 $0x100, s0;
	v18 =	vor.u32 s0, v0;
	v12 =	vld [tilespmem:s19+$0x0]  }
0xa8: {  	s17 =	sor.u32 $0x400, s3;
	s23 =	simm.s32 $0x100;
	s1 =	sshll.u32 s1, $0x1;
	v13 =	vor.u32 s2, v0;
	v16 =	vld [tilespmem:s19+$0x10]  }
0xa9: {  	v14 =	vor.u32 s3, v0;
	s21 =	sor.u32 $0x100, s3;
	s3 =	simm.s32 $0x2;
	s1 =	sadd.s32 $0x0, s1;
	v15 =	vld [tilespmem:s16+$0x0]  }
0xaa: {  	v8 =	vor.u32 s9, v0;
	v11 =	vor.u32 s14, v0;
	s18 =	sor.u32 $0x500, s0;
	s8 =	sor.u32 $0x600, s0;
	s7 =	sor.u32 $0x700, s1;
	v17 =	vld [tilespmem:s16+$0x30]  }
0xab: {  	s11 =	sor.u32 $0x300, s0;
	s31 =	sor.u32 $0x200, s0;
	v3 =	vor.u32 s8, v0;
	s1 =	sadd.s32 $0x1, s1;
	v2 =	vor.u32 s7, v0;
	v6 =	vld [tilespmem:s19+$0x20];
	[tilespmem:v9+s12+$0x0] =	vst.idx.msk $0xffff, v10  }
0xac: {  	s2 =	sor.u32 $0x400, s0;
	s0 =	simm.s32 $0x1;
	s30 =	sor.u32 $0x700, s1;
	v10 =	vor.u32 s17, v0;
	v9 =	vor.u32 s10, v0;
	[tilespmem:v18+s12+$0x0] =	vst.idx.msk $0xffff, v12;
	v12 =	vld [tilespmem:s19+$0x30]  }
.LBB2_5:
0xad: {  	s1 =	sand.u32 $0x7, s0;
	s5 =	sand.u32 $0xE, s3;
	s6 =	sand.u32 $0x3800, s23;
	[tilespmem:v13+s12+$0x0] =	vst.idx.msk $0xffff, v16;
	v16 =	vld [tilespmem:s19+$0x40]  }
0xae: {  	v13 =	vor.u32 s11, v0;
	s14 =	sshll.u32 s1, $0x1;
	s7 =	sor.u32 $0x4000, s6;
	s1 =	sor.u32 s5, s6;
	v18 =	vld [tilespmem:s19+$0x50];
	[tilespmem:v14+s12+$0x0] =	vst.idx.msk $0xffff, v15  }
0xaf: {  	v14 =	vor.u32 s18, v0;
	s11 =	sadd.s32 s14, s23;
	s14 =	sor.u32 $0x1, s5;
	s18 =	sor.u32 $0x500, s1;
	v19 =	vld [tilespmem:s19+$0x60];
	[tilespmem:v11+s12+$0x0] =	vst.idx.msk $0xffff, v17  }
0xb0: {  	s8 =	sor.u32 $0x100, s1;
	v17 =	vor.u32 s30, v0;
	s9 =	sor.u32 $0x700, s11;
	s10 =	sshll.u32 s14, $0x7;
	v15 =	vld [tilespmem:s19+$0x70];
	[tilespmem:v8+s12+$0x0] =	vst.idx.msk $0xffff, v5  }
0xb1: {  	v21 =	vor.u32 s2, v0;
	s19 =	sor.u32 $0x600, s1;
	s6 =	sor.u32 s6, s14;
	v20 =	vor.u32 s9, v0;
	v22 =	vld [tilespmem:s16+$0x10];
	s16 =	sor.u32 s10, s7;
	[tilespmem:v10+s12+$0x0] =	vst.idx.msk $0xffff, v7  }
0xb2: {  	v24 =	vor.u32 s21, v0;
	v23 =	vor.u32 s19, v0;
	s2 =	sor.u32 $0x300, s6;
	s9 =	sor.u32 $0x600, s6;
	s10 =	sadd.s32 $0x1, s11;
	v5 =	vld [tilespmem:s16+$0x60];
	[tilespmem:v9+s12+$0x0] =	vst.idx.msk $0xffff, v1  }
0xb3: {  	v25 =	vor.u32 s31, v0;
	s14 =	sor.u32 $0x200, s6;
	s17 =	sor.u32 $0x500, s6;
	v8 =	vor.u32 s9, v0;
	s30 =	sor.u32 $0x700, s10;
	v1 =	vld [tilespmem:s16+$0x50];
	[tilespmem:v13+s12+$0x0] =	vst.idx.msk $0xffff, v12  }
0xb4: {  	s29 =	sadd.s32 $0x10, s29;
	s5 =	sshll.u32 s5, $0x7;
	s11 =	sor.u32 $0x300, s1;
	v13 =	vor.u32 s8, v0;
	v12 =	vor.u32 s14, v0;
	v26 =	vld [tilespmem:s16+$0x70];
	[tilespmem:v14+s12+$0x0] =	vst.idx.msk $0xffff, v18  }
0xb5: {  	p1 =	slt.u32 s29, $0x3F0;
	s21 =	sor.u32 $0x100, s6;
	v11 =	vor.u32 s2, v0;
	v14 =	vor.u32 s6, v0;
	s6 =	sor.u32 $0x400, s6;
	v7 =	vld [tilespmem:s16+$0x40];
	[tilespmem:v17+s12+$0x0] =	vst.idx.msk $0xffff, v4  }
0xb6: {  	s31 =	sor.u32 $0x200, s1;
	s19 =	sor.u32 s5, s7;
	s2 =	sor.u32 $0x400, s1;
	v10 =	vor.u32 s6, v0;
	v18 =	vld [tilespmem:s16+$0x20];
	[tilespmem:v21+s12+$0x0] =	vst.idx.msk $0xffff, v16  }
0xb7: {  	v27 =	vor.u32 s1, v0;
	v9 =	vor.u32 s17, v0;
	v21 =	vld [tilespmem:s19+$0x0];
	[tilespmem:v24+s12+$0x0] =	vst.idx.msk $0xffff, v22  }
.Ltmp3:
0xb8: {  	v16 =	vld [tilespmem:s19+$0x10];
	[tilespmem:v2+s12+$0x0] =	vst.idx.msk $0xffff, v15;
	v2 =	vmov v20;
	(pc) =	sbr.rel @p1 .LBB2_5-.Ltmp3, $4  }
0xb9: {  	v15 =	vld [tilespmem:s16+$0x0];
	[tilespmem:v25+s12+$0x0] =	vst.idx.msk $0xffff, v6;
	v4 =	vmov v26  }
0xba: {  	v17 =	vld [tilespmem:s16+$0x30];
	[tilespmem:v3+s12+$0x0] =	vst.idx.msk $0xffff, v19;
	v3 =	vmov v23  }
0xbb: {  	v6 =	vld [tilespmem:s19+$0x20];
	[tilespmem:v12+s12+$0x0] =	vst.idx.msk $0xffff, v18  }
0xbc: {  	s0 =	sadd.s32 $0x1, s0;
	s3 =	sadd.s32 $0x2, s3;
	s23 =	sadd.s32 $0x100, s23;
	[tilespmem:v27+s12+$0x0] =	vst.idx.msk $0xffff, v21;
	v12 =	vld [tilespmem:s19+$0x30]  }
0xbd: {  	_ =	sdelay $0x3  }
0xbe: {  	[tilespmem:v13+s12+$0x0] =	vst.idx.msk $0xffff, v16  }
0xbf: {  	v54 =	vor.u32 s11, v0;
	[tilespmem:v8+s12+$0x0] =	vst.idx.msk $0xffff, v5  }
0xc0: {  	v55 =	vld [tilespmem:s19+$0x50];
	v56 =	vor.u32 s18, v0;
	[tilespmem:v10+s12+$0x0] =	vst.idx.msk $0xffff, v7  }
0xc1: {  	v57 =	vor.u32 s30, v0;
	[tilespmem:v9+s12+$0x0] =	vst.idx.msk $0xffff, v1  }
0xc2: {  	v58 =	vld [tilespmem:s19+$0x40];
	v59 =	vor.u32 s2, v0;
	[tilespmem:v14+s12+$0x0] =	vst.idx.msk $0xffff, v15  }
0xc3: {  	v60 =	vld [tilespmem:s16+$0x10];
	v61 =	vor.u32 s21, v0;
	[tilespmem:v11+s12+$0x0] =	vst.idx.msk $0xffff, v17  }
0xc4: {  	v1 =	vld [tilespmem:s19+$0x70];
	[tilespmem:v54+s12+$0x0] =	vst.idx.msk $0xffff, v12  }
0xc5: {  	v62 =	vor.u32 s31, v0;
	[tilespmem:v56+s12+$0x0] =	vst.idx.msk $0xffff, v55  }
0xc6: {  	v63 =	vld [tilespmem:s19+$0x60];
	[tilespmem:v57+s12+$0x0] =	vst.idx.msk $0xffff, v4  }
0xc7: {  	[tilespmem:v59+s12+$0x0] =	vst.idx.msk $0xffff, v58  }
0xc8: {  	[tilespmem:v61+s12+$0x0] =	vst.idx.msk $0xffff, v60  }
0xc9: {  	s0 =	sshll.u32 s15, $0xB;
	[tilespmem:v2+s12+$0x0] =	vst.idx.msk $0xffff, v1  }
0xca: {  	s0 =	sand.u32 $0x1FFFF800, s0;
	[tilespmem:v62+s12+$0x0] =	vst.idx.msk $0xffff, v6  }
0xcb: {  	s1 =	simm.s32 $0x0;
	s0 =	sadd.s32 s20, s0;
	[tilespmem:v3+s12+$0x0] =	vst.idx.msk $0xffff, v63  }
0xcc: {  	[hbm4b:s0+s1] =	stream.linear.scatter [tilespmem:s12], [sflag:$0x2], $0x4000, $0x38;
	[tilespmem:$0x10000] =	vst v63  }
0xcd: {  	_ =	swait.ge [sflag:s24], $0x4000  }
0xce: {  	[sflag:s24] =	ssyncset.done $0x0  }
0xcf: {  	[sflag:s24] =	ssyncadd.s32 $0xFFFFC000  }
0xd0: {  	_ =	swait.ge [sflag:s4], $0x4000  }
0xd1: {  	s13 =	sadd.s32 $0x1, s13;
	s31 =	rddreg [dreg:$0x4]  }
0xd2: {  	p1 =	sne.s32 s13, s31  }
.Ltmp4:
0xd3: {  	_ = 	snop;
	(pc) =	sbr.rel @p1 .LBB2_2-.Ltmp4, $3  }
0xd4: {  	_ =	sdelay $0x1  }
0xd5: {  	[sflag:s4] =	ssyncset.done $0x0  }
0xd6: {  	s17 =	smov.u32 s20;
	[sflag:s4] =	ssyncadd.s32 $0xFFFFC000  }
.Ltmp5:
0xd7: {  	(pc) =	sbr.rel @p0 .LBB2_11-.Ltmp5, $2  }
0xd8: {  	_ =	sdelay $0x2  }
0xd9: {  	s1 =	rddreg [dreg:$0x17]  }
0xda: {  	s0 =	simm.s32 $0x0;
	s1 =	rddreg [dreg:$0x9]  }
0xdb: {  	[tilespmem:s0], [sflag:$0x1] =	stream.strided.gather [hbm4b:s1+s26], $0x800, s28, s26, $0x38;
	[tilespmem:$0x10000] =	vst v63  }
0xdc: {  	s21 =	rddreg [dreg:$0xa];
	s2 =	simm.s32 $0x800  }
0xdd: {  	[tilespmem:s2], [sflag:$0x1] =	stream.strided.gather [hbm4b:s21+s26], $0x800, s28, s26, $0x38;
	[tilespmem:$0x10000] =	vst v63  }
0xde: {  	s23 =	rddreg [dreg:$0xb];
	s29 =	simm.s32 $0x1000  }
0xdf: {  	[tilespmem:s29], [sflag:$0x1] =	stream.strided.gather [hbm4b:s23+s26], $0x800, s28, s26, $0x38;
	[tilespmem:$0x10000] =	vst v63  }
0xe0: {  	s30 =	rddreg [dreg:$0xd];
	s31 =	simm.s32 $0x1800  }
0xe1: {  	[tilespmem:s31], [sflag:$0x1] =	stream.strided.gather [hbm4b:s30+s26], $0x800, s28, s26, $0x38;
	[tilespmem:$0x10000] =	vst v63  }
0xe2: {  	s3 =	simm.s32 $0x2000;
	s2 =	rddreg [dreg:$0xe]  }
0xe3: {  	[tilespmem:s3], [sflag:$0x1] =	stream.strided.gather [hbm4b:s2+s26], $0x800, s28, s26, $0x38;
	[tilespmem:$0x10000] =	vst v63  }
0xe4: {  	s5 =	rddreg [dreg:$0x10];
	s6 =	simm.s32 $0x2800  }
0xe5: {  	[tilespmem:s6], [sflag:$0x1] =	stream.strided.gather [hbm4b:s5+s26], $0x800, s28, s26, $0x38;
	[tilespmem:$0x10000] =	vst v63  }
0xe6: {  	s7 =	rddreg [dreg:$0x11];
	s8 =	simm.s32 $0x3000  }
0xe7: {  	[tilespmem:s8], [sflag:$0x1] =	stream.strided.gather [hbm4b:s7+s26], $0x800, s28, s26, $0x38;
	[tilespmem:$0x10000] =	vst v63  }
0xe8: {  	s9 =	rddreg [dreg:$0x13];
	s10 =	simm.s32 $0x3800  }
0xe9: {  	[tilespmem:s10], [sflag:$0x1] =	stream.strided.gather [hbm4b:s9+s26], $0x800, s28, s26, $0x38;
	[tilespmem:$0x10000] =	vst v63  }
0xea: {  	_ =	swait.ge [sflag:s24], $0x800  }
0xeb: {  	[sflag:s24] =	ssyncset.done $0x0  }
0xec: {  	[sflag:s24] =	ssyncadd.s32 $0xFFFFF800  }
0xed: {  	_ =	swait.ge [sflag:s24], $0x800  }
0xee: {  	[sflag:s24] =	ssyncset.done $0x0  }
0xef: {  	[sflag:s24] =	ssyncadd.s32 $0xFFFFF800  }
0xf0: {  	_ =	swait.ge [sflag:s24], $0x800  }
0xf1: {  	[sflag:s24] =	ssyncset.done $0x0  }
0xf2: {  	[sflag:s24] =	ssyncadd.s32 $0xFFFFF800  }
0xf3: {  	_ =	swait.ge [sflag:s24], $0x800  }
0xf4: {  	[sflag:s24] =	ssyncset.done $0x0  }
0xf5: {  	[sflag:s24] =	ssyncadd.s32 $0xFFFFF800  }
0xf6: {  	_ =	swait.ge [sflag:s24], $0x800  }
0xf7: {  	[sflag:s24] =	ssyncset.done $0x0  }
0xf8: {  	[sflag:s24] =	ssyncadd.s32 $0xFFFFF800  }
0xf9: {  	_ =	swait.ge [sflag:s24], $0x800  }
0xfa: {  	[sflag:s24] =	ssyncset.done $0x0  }
0xfb: {  	[sflag:s24] =	ssyncadd.s32 $0xFFFFF800  }
0xfc: {  	_ =	swait.ge [sflag:s24], $0x800  }
0xfd: {  	[sflag:s24] =	ssyncset.done $0x0  }
0xfe: {  	[sflag:s24] =	ssyncadd.s32 $0xFFFFF800  }
0xff: {  	s11 =	sand.u32 $0xE, s0;
	s13 =	sand.u32 $0x7, s0;
	_ =	swait.ge [sflag:s24], $0x800  }
0x100: {  	s0 =	sand.u32 $0x3800, s0;
	s3 =	sshll.u32 s11, $0x7;
	[sflag:s24] =	ssyncset.done $0x0  }
0x101: {  	s2 =	sshll.u32 s13, $0x1;
	s3 =	sor.u32 s3, s0;
	[sflag:s24] =	ssyncadd.s32 $0xFFFFF800  }
0x102: {  	s2 =	sadd.s32 $0x0, s2;
	v1 =	vld [tilespmem:s3+$0x70]  }
0x103: {  	s5 =	sor.u32 s11, s0;
	s6 =	sor.u32 $0x700, s2;
	v3 =	vld [tilespmem:s3+$0x30]  }
0x104: {  	v6 =	vor.u32 s6, v0;
	s7 =	sor.u32 $0x100, s5;
	v4 =	vld [tilespmem:s3+$0x10]  }
0x105: {  	s16 =	sor.u32 $0x400, s5;
	v7 =	vor.u32 s7, v0;
	v2 =	vld [tilespmem:s3+$0x60]  }
0x106: {  	s1 =	sor.u32 $0x1, s11;
	v15 =	vor.u32 s16, v0;
	v14 =	vld [tilespmem:s3+$0x40]  }
0x107: {  	s15 =	sshll.u32 s1, $0x7;
	s13 =	sor.u32 s0, s1;
	v8 =	vor.u32 s5, v0;
	s14 =	sor.u32 $0x300, s5;
	v9 =	vld [tilespmem:s3+$0x0]  }
0x108: {  	s15 =	sor.u32 s15, s0;
	s18 =	sor.u32 $0x500, s13;
	v10 =	vor.u32 s14, v0;
	v5 =	vld [tilespmem:s3+$0x20]  }
0x109: {  	s30 =	sor.u32 $0x600, s13;
	v16 =	vor.u32 s18, v0;
	v17 =	vld [tilespmem:s15+$0x50];
	[tilespmem:v6+s25+$0x0] =	vst.idx.msk $0xffff, v1  }
0x10a: {  	s31 =	sor.u32 $0x400, s13;
	v13 =	vor.u32 s30, v0;
	v11 =	vld [tilespmem:s15+$0x60];
	[tilespmem:v7+s25+$0x0] =	vst.idx.msk $0xffff, v4  }
0x10b: {  	s23 =	sor.u32 $0x300, s13;
	s19 =	sadd.s32 $0x1, s2;
	s29 =	sor.u32 $0x200, s5;
	v12 =	vld [tilespmem:s15+$0x40];
	[tilespmem:v15+s25+$0x0] =	vst.idx.msk $0xffff, v14;
	v14 =	vor.u32 s31, v0  }
0x10c: {  	s20 =	sor.u32 $0x700, s19;
	s21 =	sor.u32 $0x500, s5;
	s5 =	sor.u32 $0x600, s5;
	[tilespmem:v8+s25+$0x0] =	vst.idx.msk $0xffff, v9;
	v6 =	vor.u32 s29, v0;
	v8 =	vld [tilespmem:s15+$0x30]  }
0x10d: {  	s2 =	sor.u32 $0x200, s13;
	s0 =	simm.s32 $0x100;
	s18 =	simm.s32 $0x2;
	v1 =	vor.u32 s20, v0;
	[tilespmem:v10+s25+$0x0] =	vst.idx.msk $0xffff, v3;
	v9 =	vld [tilespmem:s15+$0x70];
	v10 =	vor.u32 s5, v0  }
0x10e: {  	s19 =	sor.u32 $0x100, s13;
	s16 =	simm.s32 $0x0;
	v4 =	vor.u32 s23, v0;
	v3 =	vor.u32 s21, v0;
	v7 =	vld [tilespmem:s3+$0x50];
	[tilespmem:v16+s25+$0x0] =	vst.idx.msk $0xffff, v17;
	s3 =	simm.s32 $0x1  }
.LBB2_9:
0x10f: {  	s1 =	sand.u32 $0x7, s3;
	s5 =	sand.u32 $0xE, s18;
	s6 =	sand.u32 $0x3800, s0;
	v15 =	vld [tilespmem:s15+$0x0];
	[tilespmem:v13+s25+$0x0] =	vst.idx.msk $0xffff, v11  }
0x110: {  	s1 =	sshll.u32 s1, $0x1;
	s7 =	sshll.u32 s5, $0x7;
	s8 =	sor.u32 $0x1, s5;
	v11 =	vld [tilespmem:s15+$0x20];
	[tilespmem:v14+s25+$0x0] =	vst.idx.msk $0xffff, v12  }
0x111: {  	s1 =	sadd.s32 s1, s0;
	s11 =	sor.u32 s7, s6;
	s7 =	sshll.u32 s8, $0x7;
	[tilespmem:v6+s25+$0x0] =	vst.idx.msk $0xffff, v5;
	v5 =	vor.u32 s13, v0;
	v12 =	vld [tilespmem:s15+$0x10]  }
0x112: {  	v13 =	vor.u32 s2, v0;
	s5 =	sor.u32 s5, s6;
	s13 =	sor.u32 s6, s8;
	v14 =	vld [tilespmem:s11+$0x70];
	s8 =	sadd.s32 $0x1, s1;
	[tilespmem:v10+s25+$0x0] =	vst.idx.msk $0xffff, v2;
	v10 =	vor.u32 s19, v0  }
0x113: {  	v16 =	vor.u32 s5, v0;
	s1 =	sor.u32 $0x700, s1;
	s15 =	sor.u32 s7, s6;
	v17 =	vld [tilespmem:s11+$0x30];
	s2 =	sor.u32 $0x700, s8;
	[tilespmem:v4+s25+$0x0] =	vst.idx.msk $0xffff, v8  }
0x114: {  	s6 =	sor.u32 $0x100, s5;
	s7 =	sor.u32 $0x400, s5;
	s8 =	sor.u32 $0x500, s5;
	v18 =	vor.u32 s1, v0;
	v8 =	vld [tilespmem:s11+$0x10];
	[tilespmem:v1+s25+$0x0] =	vst.idx.msk $0xffff, v9;
	v1 =	vor.u32 s2, v0  }
0x115: {  	s9 =	sor.u32 $0x600, s13;
	s1 =	sor.u32 $0x300, s13;
	v9 =	vor.u32 s6, v0;
	s6 =	sor.u32 $0x500, s13;
	v2 =	vld [tilespmem:s11+$0x60];
	[tilespmem:v3+s25+$0x0] =	vst.idx.msk $0xffff, v7  }
0x116: {  	s10 =	sor.u32 $0x300, s5;
	v19 =	vor.u32 s7, v0;
	s2 =	sor.u32 $0x200, s5;
	v4 =	vor.u32 s1, v0;
	s1 =	sor.u32 $0x400, s13;
	v7 =	vld [tilespmem:s11+$0x0];
	[tilespmem:v5+s25+$0x0] =	vst.idx.msk $0xffff, v15  }
0x117: {  	s19 =	sor.u32 $0x100, s13;
	s5 =	sor.u32 $0x600, s5;
	v6 =	vor.u32 s2, v0;
	v3 =	vor.u32 s8, v0;
	s2 =	sor.u32 $0x200, s13;
	v15 =	vor.u32 s10, v0;
	[tilespmem:v13+s25+$0x0] =	vst.idx.msk $0xffff, v11  }
0x118: {  	s16 =	sadd.s32 $0x10, s16;
	v21 =	vor.u32 s6, v0;
	v13 =	vor.u32 s9, v0;
	v20 =	vld [tilespmem:s11+$0x40];
	[tilespmem:v10+s25+$0x0] =	vst.idx.msk $0xffff, v12  }
0x119: {  	p1 =	slt.u32 s16, $0x3F0;
	v5 =	vld [tilespmem:s11+$0x20];
	[tilespmem:v18+s25+$0x0] =	vst.idx.msk $0xffff, v14;
	v14 =	vor.u32 s1, v0  }
0x11a: {  	[tilespmem:v9+s25+$0x0] =	vst.idx.msk $0xffff, v8;
	v18 =	vld [tilespmem:s15+$0x50]  }
.Ltmp6:
0x11b: {  	v10 =	vor.u32 s5, v0;
	[tilespmem:v16+s25+$0x0] =	vst.idx.msk $0xffff, v7;
	v11 =	vld [tilespmem:s15+$0x60];
	(pc) =	sbr.rel @p1 .LBB2_9-.Ltmp6, $4  }
0x11c: {  	[tilespmem:v15+s25+$0x0] =	vst.idx.msk $0xffff, v17;
	v12 =	vld [tilespmem:s15+$0x40]  }
0x11d: {  	v8 =	vld [tilespmem:s15+$0x30]  }
0x11e: {  	[tilespmem:v19+s25+$0x0] =	vst.idx.msk $0xffff, v20;
	v9 =	vld [tilespmem:s15+$0x70]  }
0x11f: {  	s3 =	sadd.s32 $0x1, s3;
	s18 =	sadd.s32 $0x2, s18;
	s0 =	sadd.s32 $0x100, s0;
	v7 =	vld [tilespmem:s11+$0x50];
	[tilespmem:v21+s25+$0x0] =	vst.idx.msk $0xffff, v18  }
0x120: {  	_ =	sdelay $0x3  }
0x121: {  	[tilespmem:v13+s25+$0x0] =	vst.idx.msk $0xffff, v11  }
0x122: {  	[tilespmem:v6+s25+$0x0] =	vst.idx.msk $0xffff, v5  }
0x123: {  	v59 =	vld [tilespmem:s15+$0x0];
	v60 =	vor.u32 s13, v0;
	[tilespmem:v10+s25+$0x0] =	vst.idx.msk $0xffff, v2  }
0x124: {  	v61 =	vld [tilespmem:s15+$0x20];
	v2 =	vor.u32 s2, v0;
	[tilespmem:v14+s25+$0x0] =	vst.idx.msk $0xffff, v12  }
0x125: {  	v62 =	vld [tilespmem:s15+$0x10];
	v63 =	vor.u32 s19, v0;
	[tilespmem:v4+s25+$0x0] =	vst.idx.msk $0xffff, v8  }
0x126: {  	[tilespmem:v1+s25+$0x0] =	vst.idx.msk $0xffff, v9  }
0x127: {  	[tilespmem:v3+s25+$0x0] =	vst.idx.msk $0xffff, v7  }
0x128: {  	[tilespmem:v60+s25+$0x0] =	vst.idx.msk $0xffff, v59  }
0x129: {  	[tilespmem:v2+s25+$0x0] =	vst.idx.msk $0xffff, v61  }
0x12a: {  	[tilespmem:v63+s25+$0x0] =	vst.idx.msk $0xffff, v62  }
0x12b: {  	s1 =	simm.s32 $0x0;
	s29 =	simm.s32 $0x3;
	s0 =	rddreg [dreg:$0x14]  }
0x12c: {  	[hbm4b:s0+s1] =	stream.linear.scatter [tilespmem:s25], [sflag:$0x3], $0x4000, $0x38;
	[tilespmem:$0x10000] =	vst v63  }
0x12d: {  	_ =	swait.ge [sflag:s29], $0x4000  }
0x12e: {  	[sflag:s29] =	ssyncset.done $0x0  }
0x12f: {  	[sflag:s29] =	ssyncadd.s32 $0xFFFFC000  }
0x130: {  	s30 =	rddreg [dreg:$0x1]  }
0x131: {  	[tilespmem:s12], [sflag:$0x3] =	stream.linear.gather [hbm4b:s30+s1], $0x400, $0x38;
	[tilespmem:$0x10000] =	vst v63  }
0x132: {  	_ =	swait.ge [sflag:s29], $0x400  }
0x133: {  	[sflag:s29] =	ssyncset.done $0x0  }
.Ltmp7:
0x134: {  	s31 =	rddreg [dreg:$0x15];
	[sflag:s29] =	ssyncadd.s32 $0xFFFFFC00;
	(pc) =	sbr.rel .LBB2_11-.Ltmp7, $4  }
0x135: {  	[hbm4b:s31+s1] =	stream.linear.scatter [tilespmem:s12], [sflag:$0x3], $0x400, $0x38;
	[tilespmem:$0x10000] =	vst v63  }
0x136: {  	_ =	swait.ge [sflag:s29], $0x400  }
0x137: {  	[sflag:s29] =	ssyncset.done $0x0  }
0x138: {  	s1 =	rddreg [dreg:$0x17];
	[sflag:s29] =	ssyncadd.s32 $0xFFFFFC00  }
.LBB2_12:
0x139: {  	_ =	sfence.sel $0x180000  }
0x13a: {  	[bflag:$0x0] =	sbarrier.arrive $0xFFFF  }
0x13b: {  	_ =	strace $0x90000047  }
0x13c: {  	s0 =	stileid.u32;
	[bflag:$0x2] =	sbarrier.arrive $0xFFFF  }
0x13d: {  	p0 =	sne.s32 s0, $0x0;
	s0 =	rddreg [dreg:$0x3]  }
0x13e: {  	s0 =	sadd.s32 @!p0 $0x100000, s0  }
0x13f: {  	[sflag:s0] =	ssyncadd.tile.s32 @!p0 $0x1;
	_ =	shalt  }
.Lfunc_end2:
_tile_overlayer_lowered:
.L_overlay_start_2:
0x140: {  	(tag) =	ssettag $0x2  }
0x141: {  	s0 =	rddreg [dreg:$0x0];
	s2 =	stileid.u32  }
0x142: {  	s1 =	rddreg [dreg:$0x1];
	p0 =	sne.s32 s2, $0x0  }
0x143: {  	s3 =	rddreg [dreg:$0x2];
	[bflag:$0x3] =	sbarrier.arrive $0xFFFF;
	s2 =	simm.s32 @!p0 $0x1C03  }
0x144: {  	[timem:s3], [sflag:s2] =	dma.local @!p0 [hbm:s0], s1  }
0x145: {  	s0 =	simm.s32 @!p0 $0x3  }
0x146: {  	_ =	swait.ge @!p0 [sflag:s0], s1  }
0x147: {  	s1 =	ssub.s32 @!p0 $0x0, s1;
	[sflag:s0] =	ssyncset.done @!p0 $0x0  }
0x148: {  	[sflag:s0] =	ssyncadd.s32 @!p0 s1  }
0x149: {  	[bflag:$0x3] =	sbarrier.arrive $0xFFFF  }
0x14a: {  	_ =	shalt  }

// kernel: kernel.8.cloned.1.call-start
scs
__scs_entry_jumppad:
0x0: {  	(pc) =	sbr.rel $0x88, $3  }
0x1: {  	(tag) =	ssettag $0x0;
	lr =	simm.s32 $0x1  }
0x2: {  	[smem:$0x3F93] =	sst lr;
	_ =	strace $0xD0000000  }
0x3: {  	_ = 	snop  }
0x4: {  	_ = 	snop  }
0x5: {  	_ = 	snop  }
0x6: {  	_ = 	snop  }
0x7: {  	_ = 	snop  }
__scs_overlays_trampoline_lowered:
0x8: {  	[smem:$0x3FA2] =	sst s0  }
0x9: {  	[smem:$0x3FA3] =	sst s1  }
0xa: {  	[smem:$0x3FA4] =	sst s2  }
0xb: {  	[smem:$0x3FA5] =	sst s3  }
0xc: {  	[smem:$0x3FA6] =	sst s4  }
0xd: {  	[smem:$0x3FA7] =	sst s5  }
0xe: {  	[smem:$0x3FA8] =	sst s6  }
0xf: {  	[smem:$0x3FA9] =	sst s7  }
0x10: {  	[smem:$0x3FAA] =	sst s8  }
0x11: {  	[smem:$0x3FAB] =	sst s9;
	s0 =	simm.s32 @!p0 $0x0  }
0x12: {  	s1 =	sld [smem:$0x3F91];
	s0 =	simm.s32 @p0 $0x1  }
0x13: {  	[smem:$0x3FAC] =	sst s0;
	s0 =	simm.s32 @!p1 $0x0  }
0x14: {  	s2 =	sld [smem:$0x3F90];
	s0 =	simm.s32 @p1 $0x1  }
0x15: {  	[smem:$0x3FAD] =	sst s0;
	s0 =	simm.s32 @!p2 $0x0  }
0x16: {  	s3 =	sld [smem:$0x3FDB];
	s0 =	simm.s32 @p2 $0x1  }
0x17: {  	s4 =	simm.s32 $0x1BF5;
	[smem:$0x3FAF] =	sst s0  }
0x18: {  	s0 =	sld [smem:$0x3F92];
	_ =	swait.ge [sflag:s4], $0x0  }
0x19: {  	s7 =	sld [smem:$0x3F93]  }
0x1a: {  	s8 =	sadd.s32 $0xFFFFE003, lr  }
0x1b: {  	s9 =	sadd.s32 $0xFFFFFEF7, lr;
	s5 =	simm.s32 $0xFFFFFFFF;
	p2 =	slt.u32 s8, $0xFFFFF086  }
0x1c: {  	p1 =	slt.u32 s9, $0xF7A;
	s5 =	simm.s32 @!p2 $0x0  }
0x1d: {  	s5 =	simm.s32 @p1 $0x1;
	p0 =	seq.s32 s7, s2  }
0x1e: {  	s7 =	smul.u32 @!p0 $0xF7A, s2;
	p2 =	seq.s32 @!p0 s5, $0x0  }
0x1f: {  	s9 =	smul.u32 $0xF7A, s1;
	s8 =	simm.s32 @!p0 $0x1BF5;
	p2 =	por !p2, p0  }
0x20: {  	[sflag:s8] =	ssyncset.s32 @!p0 $0xFFFFF086;
	s6 =	sadd.s32 @!p0 s3, s7;
	s7 =	simm.s32 @!p0 $0x108  }
0x21: {  	s3 =	sadd.s32 s3, s9;
	s6 =	sadd.s32 @!p0 $0x88, s6;
	s7 =	simm.s32 @p2 $0x1082  }
0x22: {  	[simem:s7], [sflag:s8] =	dma.local @!p0 [hbm:s6], $0xF7A  }
0x23: {  	s9 =	sor.u32 $0xD0000000, s2;
	s6 =	simm.s32 $0x108;
	_ =	swait.ge @!p0 [sflag:s8], $0x0  }
0x24: {  	s3 =	sadd.s32 $0x88, s3;
	s6 =	simm.s32 @!p1 $0x1082;
	[sflag:s4] =	ssyncset.s32 $0xFFFFF086  }
0x25: {  	[simem:s6], [sflag:s4] =	dma.local [hbm:s3], $0xF7A  }
0x26: {  	[smem:$0x3F93] =	sst s1;
	(tag) =	ssettag s2;
	_ =	strace s9  }
0x27: {  	s1 =	sld [smem:$0x3FA3]  }
0x28: {  	s2 =	sld [smem:$0x3FA4]  }
0x29: {  	s4 =	sld [smem:$0x3FA6]  }
0x2a: {  	p0 =	seq.s32 s5, $0x0;
	s5 =	sld [smem:$0x3FA7]  }
0x2b: {  	s6 =	sld [smem:$0x3FA8]  }
0x2c: {  	s7 =	sld [smem:$0x3FA9]  }
0x2d: {  	s3 =	simm.s32 $0x108;
	s8 =	sld [smem:$0x3FAA]  }
0x2e: {  	s3 =	simm.s32 @!p0 $0x1082;
	s9 =	sld [smem:$0x3FAB]  }
0x2f: {  	lr =	sadd.s32 s0, s3;
	s0 =	sld [smem:$0x3FA2]  }
0x30: {  	s3 =	sld [smem:$0x3FA5]  }
0x31: {  	[smem:$0x3FAE] =	sst s10  }
0x32: {  	s10 =	sld [smem:$0x3FAC];
	_ =	sdelay $0x3  }
0x33: {  	p0 =	seq.s32 s10, $0x1;
	s10 =	sld [smem:$0x3FAE];
	_ =	sdelay $0x3  }
0x34: {  	[smem:$0x3FAE] =	sst s10  }
0x35: {  	s10 =	sld [smem:$0x3FAD];
	_ =	sdelay $0x3  }
0x36: {  	p1 =	seq.s32 s10, $0x1;
	s10 =	sld [smem:$0x3FAE];
	_ =	sdelay $0x3  }
0x37: {  	[smem:$0x3FAE] =	sst s10  }
0x38: {  	s10 =	sld [smem:$0x3FAF]  }
0x39: {  	_ = 	snop;
	(pc) =	sbr.ind lr, $3  }
0x3a: {  	_ = 	snop  }
0x3b: {  	_ = 	snop  }
0x3c: {  	p2 =	seq.s32 s10, $0x1;
	s10 =	sld [smem:$0x3FAE]  }
0x3d: {  	_ =	shalt  }
0x3e: {  	_ =	shalt  }
0x3f: {  	_ =	shalt  }
0x40: {  	_ =	shalt  }
0x41: {  	_ =	shalt  }
0x42: {  	_ =	shalt  }
0x43: {  	_ =	shalt  }
0x44: {  	_ =	shalt  }
0x45: {  	_ =	shalt  }
0x46: {  	_ =	shalt  }
0x47: {  	_ =	shalt  }
0x48: {  	_ =	shalt  }
0x49: {  	_ =	shalt  }
0x4a: {  	_ =	shalt  }
0x4b: {  	_ =	shalt  }
0x4c: {  	_ =	shalt  }
0x4d: {  	_ =	shalt  }
0x4e: {  	_ =	shalt  }
0x4f: {  	_ =	shalt  }
0x50: {  	_ =	shalt  }
0x51: {  	_ =	shalt  }
0x52: {  	_ =	shalt  }
0x53: {  	_ =	shalt  }
0x54: {  	_ =	shalt  }
0x55: {  	_ =	shalt  }
0x56: {  	_ =	shalt  }
0x57: {  	_ =	shalt  }
0x58: {  	_ =	shalt  }
0x59: {  	_ =	shalt  }
0x5a: {  	_ =	shalt  }
0x5b: {  	_ =	shalt  }
0x5c: {  	_ =	shalt  }
0x5d: {  	_ =	shalt  }
0x5e: {  	_ =	shalt  }
0x5f: {  	_ =	shalt  }
0x60: {  	_ =	shalt  }
0x61: {  	_ =	shalt  }
0x62: {  	_ =	shalt  }
0x63: {  	_ =	shalt  }
0x64: {  	_ =	shalt  }
0x65: {  	_ =	shalt  }
0x66: {  	_ =	shalt  }
0x67: {  	_ =	shalt  }
0x68: {  	_ =	shalt  }
0x69: {  	_ =	shalt  }
0x6a: {  	_ =	shalt  }
0x6b: {  	_ =	shalt  }
0x6c: {  	_ =	shalt  }
0x6d: {  	_ =	shalt  }
0x6e: {  	_ =	shalt  }
0x6f: {  	_ =	shalt  }
0x70: {  	_ =	shalt  }
0x71: {  	_ =	shalt  }
0x72: {  	_ =	shalt  }
0x73: {  	_ =	shalt  }
0x74: {  	_ =	shalt  }
0x75: {  	_ =	shalt  }
0x76: {  	_ =	shalt  }
0x77: {  	_ =	shalt  }
0x78: {  	_ =	shalt  }
0x79: {  	_ =	shalt  }
0x7a: {  	_ =	shalt  }
0x7b: {  	_ =	shalt  }
0x7c: {  	_ =	shalt  }
0x7d: {  	_ =	shalt  }
0x7e: {  	_ =	shalt  }
0x7f: {  	_ =	shalt  }
0x80: {  	_ =	shalt  }
0x81: {  	_ =	shalt  }
0x82: {  	_ =	shalt  }
0x83: {  	_ =	shalt  }
0x84: {  	_ =	shalt  }
0x85: {  	_ =	shalt  }
0x86: {  	_ =	shalt  }
0x87: {  	_ =	shalt  }
.Lfunc_end0:
.L_simem_size_0:
called_computation.1_lowered:
.L_overlay_start_0:
0x88: {  	s2 =	sld [smem:$0x3FD9]  }
0x89: {  	s3 =	sld [smem:$0x3FFE];
	_ =	sdelay $0x1  }
0x8a: {  	s1 =	srdreg.scid  }
0x8b: {  	s0 =	sand.u32 $0x1, s1  }
0x8c: {  	s16 =	sshll.u32 s0, $0xA;
	s2 =	sadd.s32 s3, s2  }
0x8d: {  	s2 =	sadd.s32 s2, s16  }
0x8e: {  	[smem:$0x3FBA] =	sst s2  }
0x8f: {  	_ = 	snop  }
0x90: {  	(tm) =	ssettm $0x1  }
0x91: {  	s17 =	sld [smem:$0x3FFB];
	_ =	sdelay $0x3  }
0x92: {  	_ =	strace s17  }
0x93: {  	s2 =	sld [smem:$0x3FFC];
	_ =	sdelay $0x3  }
0x94: {  	_ =	strace s2  }
0x95: {  	s2 =	sld [smem:$0x3FFD];
	_ =	sdelay $0x3  }
0x96: {  	_ =	strace s2  }
0x97: {  	_ =	strace $0x8FFFFFFF  }
0x98: {  	s18 =	sld [smem:$0x3FDB];
	_ =	sdelay $0x1  }
0x99: {  	s19 =	simm.s32 $_scs_section_size  }
0x9a: {  	s4 =	simm.s32 $_size__tile_overlayer_lowered;
	s5 =	simm.s32 $_tile_overlayer_lowered  }
0x9b: {  	s22 =	simm.s32 $0x1BFF;
	s21 =	sshll.u32 s5, $0x1;
	s2 =	sadd.s32 s19, s18  }
0x9c: {  	s6 =	simm.s32 $0x0;
	s20 =	sshll.u32 s4, $0x1;
	s4 =	sadd.s32 s21, s2  }
0x9d: {  	[timem:s6], [sflag:s22] =	dma.local [hbm:s4], s20  }
0x9e: {  	_ =	swait.ge [sflag:s22], s20  }
0x9f: {  	s3 =	ssub.s32 $0x0, s20;
	[sflag:s22] =	ssyncset.done $0x0  }
0xa0: {  	[sflag:s22] =	ssyncadd.s32 s3;
	_ =	sdelay $0x1  }
0xa1: {  	s23 =	simm.s32 $0x1B8B  }
0xa2: {  	_ =	swait.ge [sflag:s23], $0x1  }
0xa3: {  	[sflag:s23] =	ssyncset.done $0x0  }
0xa4: {  	s25 =	simm.s32 $0x1B8E;
	s24 =	sld [smem:$0x3FFE];
	[sflag:s23] =	ssyncadd.s32 $0xFFFFFFFF  }
0xa5: {  	s26 =	simm.s32 $execute0_lowered;
	[smem:$0x3FD2] =	sst s25  }
0xa6: {  	s4 =	sshll.u32 s26, $0x1;
	_ =	strace $0x80000049;
	[dreg:$0x1] =	wrdreg $0xFFFFFFFF  }
0xa7: {  	s28 =	simm.s32 $_size_execute0_lowered;
	s2 =	sadd.s32 s2, s4;
	[dreg:$0x0] =	wrdreg $0x0  }
0xa8: {  	s4 =	sshll.u32 s28, $0x1;
	[dreg:$0x2] =	wrdreg s2  }
0xa9: {  	[dreg:$0x3] =	wrdreg s4  }
0xaa: {  	[dreg:$0x4] =	wrdreg $0xC0  }
0xab: {  	_ =	task [dreg:s6], $0x5FFFF  }
0xac: {  	[dreg:$0x1] =	wrdreg $0xFFFFFFFF  }
0xad: {  	[dreg:$0x0] =	wrdreg $0x60  }
0xae: {  	[dreg:$0x2] =	wrdreg s24  }
0xaf: {  	[dreg:$0x3] =	wrdreg $0x9  }
0xb0: {  	_ =	task.clear_ibuf [dreg:s6], $0x4FFFF;
	_ =	strace $0x90000049  }
0xb1: {  	s29 =	simm.s32 $0x9;
	_ =	strace $0x8000004B  }
0xb2: {  	_ =	swait.ge [sflag:s29], $0x1  }
0xb3: {  	[sflag:s29] =	ssyncadd.s32 $0xFFFFFFFF  }
0xb4: {  	_ =	strace $0x9000004B  }
0xb5: {  	_ =	sfence  }
0xb6: {  	s30 =	sld [smem:$0x0];
	_ =	sdelay $0x2  }
0xb7: {  	s31 =	sshll.u32 s1, $0xD;
	s1 =	sshrl.u32 s1, $0x2  }
0xb8: {  	s3 =	sand.u32 $0x4000, s31;
	s1 =	sadd.s32 s1, s30  }
0xb9: {  	s0 =	sor.u32 s3, s0;
	s1 =	sshll.u32 s1, $0x11  }
0xba: {  	s0 =	sor.u32 s1, s0  }
0xbb: {  	s0 =	sadd.s32 $0x8F2B, s0  }
0xbc: {  	[sflag:s0] =	ssyncadd.remote.s32 $0x1  }
0xbd: {  	_ =	sfence.sel $0xFFFF  }
0xbe: {  	[dreg:$0x0] =	wrdreg $0xFFFFFFFF;
	(pc) =	sbr.abs _section_cstart, $3  }
0xbf: {  	[dreg:$0x1] =	wrdreg $0xFFFFFFFF  }
0xc0: {  	_ =	task.clear_ibuf [dreg:s6], $0x2FFFF;
	_ =	strace $0x9FFFFFFF  }
0xc1: {  	(tm) =	ssettm $0x7FFFFFFF  }
tec
execute0_lowered:
.L_overlay_start_1:
0x0: {  	(tag) =	ssettag $0x1  }
0x1: {  	s1 =	srdreg.scid;
	s0 =	stileid.u32  }
0x2: {  	s5 =	rddreg [dreg:$0x0];
	s29 =	simm.s32 $0x3C00;
	s11 =	simm.s32 $0x3400  }
0x3: {  	s30 =	simm.s32 $0x7480;
	s12 =	simm.s32 $0x7400;
	s31 =	simm.s32 $0x4400  }
0x4: {  	s13 =	simm.s32 $0x7500;
	s14 =	simm.s32 $0x4C00;
	s15 =	simm.s32 $0x7580  }
0x5: {  	s16 =	simm.s32 $0x5400;
	s17 =	simm.s32 $0x7600;
	s18 =	simm.s32 $0x5C00  }
0x6: {  	s19 =	simm.s32 $0x7680;
	s20 =	simm.s32 $0x6400;
	s6 =	smul.u32 $0x6800, s0  }
0x7: {  	s21 =	simm.s32 $0x7700;
	s1 =	sand.u32 $0x1, s1;
	s9 =	smul.u32 $0xD000, s0  }
0x8: {  	s22 =	simm.s32 $0x6C00;
	s2 =	sshll.u32 s0, $0x1;
	s7 =	smul.u32 $0x3400, s1  }
0x9: {  	s2 =	sor.u32 s1, s2;
	s23 =	ssub.s32 $0x2, s1;
	s1 =	smul.u32 $0x6800, s1  }
0xa: {  	s4 =	sadd.s32 $0x505400, s5;
	s3 =	smul.u32 $0x3400, s2;
	s2 =	simm.s32 $0x0  }
0xb: {  	s9 =	sadd.s32 s9, s5;
	s24 =	sshrl.u32 s23, $0x1;
	[smem:$0x7FF] =	sst s2  }
0xc: {  	s6 =	sadd.s32 s7, s6;
	s25 =	ssub.s32 s23, s24;
	s1 =	sadd.s32 s1, s9  }
0xd: {  	s9 =	simm.s32 $0x3;
	s23 =	simm.s32 $0x7780;
	s24 =	simm.s32 $0x1  }
0xe: {  	s3 =	sshrl.u32 s3, $0x3;
	_ =	strace $0x8000004A;
	[dreg:$0x2] =	wrdreg s29  }
0xf: {  	s6 =	sshrl.u32 s6, $0x3;
	s28 =	smax.u32 s25, $0x1;
	[dreg:$0x3] =	wrdreg s30  }
0x10: {  	[dreg:$0x4] =	wrdreg s31;
	s25 =	simm.s32 $0x2;
	s8 =	sadd.s32 s3, s5  }
0x11: {  	s3 =	sadd.s32 $0x2A00, s5;
	s10 =	sadd.s32 s6, s5;
	s26 =	sadd.s32 $0x4F8400, s8  }
0x12: {  	[dreg:$0x6] =	wrdreg s28;
	s7 =	sadd.s32 $0x624A00, s10;
	s8 =	sadd.s32 $0x554A00, s1  }
0x13: {  	s10 =	simm.s32 $0x80;
	[dreg:$0x5] =	wrdreg s26;
	s26 =	simm.s32 $0x0  }
.LBB2_1:
0x14: {  	s0 =	rddreg [dreg:$0x5]  }
0x15: {  	[tilespmem:s2], [sflag:$0x3] =	stream.linear.gather [hbm4b:s0+s2], $0x3400, $0x38;
	[tilespmem:$0x7800] =	vst v63  }
0x16: {  	_ =	swait.ge [sflag:s9], $0x3400  }
0x17: {  	[sflag:s9] =	ssyncset.done $0x0  }
0x18: {  	s1 =	simm.s32 $0x0;
	[sflag:s9] =	ssyncadd.s32 $0xFFFFCC00  }
0x19: {  	[tilespmem:s11], [sflag:$0x1] =	stream.indirect.gather [hbm4b:s3+s10], $0x10, s1, s10, $0xb8;
	[tilespmem:$0x7800] =	vst v63  }
0x1a: {  	_ = 	snop  }
0x1b: {  	[tilespmem:s12], [sflag:$0x1] =	stream.indirect.gather [hbm4b:s4+s10], $0x1, s1, s10, $0xb8;
	[tilespmem:$0x7800] =	vst v63  }
0x1c: {  	s6 =	simm.s32 $0x80;
	s28 =	rddreg [dreg:$0x2]  }
0x1d: {  	[tilespmem:s28], [sflag:$0x1] =	stream.indirect.gather [hbm4b:s3+s10], $0x10, s6, s10, $0xb8;
	[tilespmem:$0x7800] =	vst v63  }
0x1e: {  	s29 =	rddreg [dreg:$0x3]  }
0x1f: {  	[tilespmem:s29], [sflag:$0x1] =	stream.indirect.gather [hbm4b:s4+s10], $0x1, s6, s10, $0xb8;
	[tilespmem:$0x7800] =	vst v63  }
0x20: {  	s0 =	simm.s32 $0x100;
	s28 =	rddreg [dreg:$0x4]  }
0x21: {  	[tilespmem:s28], [sflag:$0x1] =	stream.indirect.gather [hbm4b:s3+s10], $0x10, s0, s10, $0xb8;
	[tilespmem:$0x7800] =	vst v63  }
0x22: {  	_ = 	snop  }
0x23: {  	[tilespmem:s13], [sflag:$0x1] =	stream.indirect.gather [hbm4b:s4+s10], $0x1, s0, s10, $0xb8;
	[tilespmem:$0x7800] =	vst v63  }
0x24: {  	s5 =	simm.s32 $0x180  }
0x25: {  	[tilespmem:s14], [sflag:$0x1] =	stream.indirect.gather [hbm4b:s3+s10], $0x10, s5, s10, $0xb8;
	[tilespmem:$0x7800] =	vst v63  }
0x26: {  	_ = 	snop  }
0x27: {  	[tilespmem:s15], [sflag:$0x1] =	stream.indirect.gather [hbm4b:s4+s10], $0x1, s5, s10, $0xb8;
	[tilespmem:$0x7800] =	vst v63  }
0x28: {  	s6 =	simm.s32 $0x200  }
0x29: {  	[tilespmem:s16], [sflag:$0x1] =	stream.indirect.gather [hbm4b:s3+s10], $0x10, s6, s10, $0xb8;
	[tilespmem:$0x7800] =	vst v63  }
0x2a: {  	_ = 	snop  }
0x2b: {  	[tilespmem:s17], [sflag:$0x1] =	stream.indirect.gather [hbm4b:s4+s10], $0x1, s6, s10, $0xb8;
	[tilespmem:$0x7800] =	vst v63  }
0x2c: {  	s0 =	simm.s32 $0x280  }
0x2d: {  	[tilespmem:s18], [sflag:$0x1] =	stream.indirect.gather [hbm4b:s3+s10], $0x10, s0, s10, $0xb8;
	[tilespmem:$0x7800] =	vst v63  }
0x2e: {  	_ = 	snop  }
0x2f: {  	[tilespmem:s19], [sflag:$0x1] =	stream.indirect.gather [hbm4b:s4+s10], $0x1, s0, s10, $0xb8;
	[tilespmem:$0x7800] =	vst v63  }
0x30: {  	s5 =	simm.s32 $0x300  }
0x31: {  	[tilespmem:s20], [sflag:$0x1] =	stream.indirect.gather [hbm4b:s3+s10], $0x10, s5, s10, $0xb8;
	[tilespmem:$0x7800] =	vst v63  }
0x32: {  	_ = 	snop  }
0x33: {  	[tilespmem:s21], [sflag:$0x1] =	stream.indirect.gather [hbm4b:s4+s10], $0x1, s5, s10, $0xb8;
	[tilespmem:$0x7800] =	vst v63  }
0x34: {  	s6 =	simm.s32 $0x380  }
0x35: {  	[tilespmem:s22], [sflag:$0x1] =	stream.indirect.gather [hbm4b:s3+s10], $0x10, s6, s10, $0xb8;
	[tilespmem:$0x7800] =	vst v63  }
0x36: {  	_ = 	snop  }
0x37: {  	[tilespmem:s23], [sflag:$0x1] =	stream.indirect.gather [hbm4b:s4+s10], $0x1, s6, s10, $0xb8;
	[tilespmem:$0x7800] =	vst v63  }
0x38: {  	_ =	swait.ge [sflag:s24], $0x800  }
0x39: {  	[sflag:s24] =	ssyncset.done $0x0  }
0x3a: {  	[sflag:s24] =	ssyncadd.s32 $0xFFFFF800  }
0x3b: {  	_ =	swait.ge [sflag:s24], $0x80  }
0x3c: {  	[sflag:s24] =	ssyncset.done $0x0  }
0x3d: {  	[sflag:s24] =	ssyncadd.s32 $0xFFFFFF80  }
0x3e: {  	_ =	swait.ge [sflag:s24], $0x800  }
0x3f: {  	[sflag:s24] =	ssyncset.done $0x0  }
0x40: {  	[sflag:s24] =	ssyncadd.s32 $0xFFFFF800  }
0x41: {  	_ =	swait.ge [sflag:s24], $0x80  }
0x42: {  	[sflag:s24] =	ssyncset.done $0x0  }
0x43: {  	[sflag:s24] =	ssyncadd.s32 $0xFFFFFF80  }
0x44: {  	_ =	swait.ge [sflag:s24], $0x800  }
0x45: {  	[sflag:s24] =	ssyncset.done $0x0  }
0x46: {  	[sflag:s24] =	ssyncadd.s32 $0xFFFFF800  }
0x47: {  	_ =	swait.ge [sflag:s24], $0x80  }
0x48: {  	[sflag:s24] =	ssyncset.done $0x0  }
0x49: {  	[sflag:s24] =	ssyncadd.s32 $0xFFFFFF80  }
0x4a: {  	_ =	swait.ge [sflag:s24], $0x800  }
0x4b: {  	[sflag:s24] =	ssyncset.done $0x0  }
0x4c: {  	[sflag:s24] =	ssyncadd.s32 $0xFFFFF800  }
0x4d: {  	_ =	swait.ge [sflag:s24], $0x80  }
0x4e: {  	[sflag:s24] =	ssyncset.done $0x0  }
0x4f: {  	[sflag:s24] =	ssyncadd.s32 $0xFFFFFF80  }
0x50: {  	_ =	swait.ge [sflag:s24], $0x800  }
0x51: {  	[sflag:s24] =	ssyncset.done $0x0  }
0x52: {  	[sflag:s24] =	ssyncadd.s32 $0xFFFFF800  }
0x53: {  	_ =	swait.ge [sflag:s24], $0x80  }
0x54: {  	[sflag:s24] =	ssyncset.done $0x0  }
0x55: {  	[sflag:s24] =	ssyncadd.s32 $0xFFFFFF80  }
0x56: {  	_ =	swait.ge [sflag:s24], $0x800  }
0x57: {  	[sflag:s24] =	ssyncset.done $0x0  }
0x58: {  	[sflag:s24] =	ssyncadd.s32 $0xFFFFF800  }
0x59: {  	_ =	swait.ge [sflag:s24], $0x80  }
0x5a: {  	[sflag:s24] =	ssyncset.done $0x0  }
0x5b: {  	[sflag:s24] =	ssyncadd.s32 $0xFFFFFF80  }
0x5c: {  	_ =	swait.ge [sflag:s24], $0x800  }
0x5d: {  	[sflag:s24] =	ssyncset.done $0x0  }
0x5e: {  	[sflag:s24] =	ssyncadd.s32 $0xFFFFF800  }
0x5f: {  	_ =	swait.ge [sflag:s24], $0x80  }
0x60: {  	[sflag:s24] =	ssyncset.done $0x0  }
0x61: {  	[sflag:s24] =	ssyncadd.s32 $0xFFFFFF80  }
0x62: {  	_ =	swait.ge [sflag:s24], $0x800  }
0x63: {  	[sflag:s24] =	ssyncset.done $0x0  }
0x64: {  	[sflag:s24] =	ssyncadd.s32 $0xFFFFF800  }
0x65: {  	_ =	swait.ge [sflag:s24], $0x80  }
0x66: {  	[sflag:s24] =	ssyncset.done $0x0  }
0x67: {  	[sflag:s24] =	ssyncadd.s32 $0xFFFFFF80  }
0x68: {  	[hbm4b:s8+s2] =	stream.linear.scatter [tilespmem:s11], [sflag:$0x2], $0x4000, $0x38;
	[tilespmem:$0x7800] =	vst v63  }
0x69: {  	_ = 	snop  }
0x6a: {  	[hbm4b:s7+s2] =	stream.linear.scatter [tilespmem:s12], [sflag:$0x2], $0x400, $0x38;
	[tilespmem:$0x7800] =	vst v63  }
0x6b: {  	_ =	swait.ge [sflag:s25], $0x4000  }
0x6c: {  	[sflag:s25] =	ssyncset.done $0x0  }
0x6d: {  	[sflag:s25] =	ssyncadd.s32 $0xFFFFC000  }
0x6e: {  	s30 =	simm.s32 $0x1000;
	s31 =	simm.s32 $0x2000;
	_ =	swait.ge [sflag:s25], $0x400  }
0x6f: {  	s29 =	sadd.s32 $0x800, s8;
	s28 =	sadd.s32 $0x80, s7;
	[sflag:s25] =	ssyncset.done $0x0  }
.LBB2_2:
0x70: {  	s0 =	sshra.s32 s30, $0x2;
	[sflag:s25] =	ssyncadd.s32 $0xFFFFFC00  }
0x71: {  	[tilespmem:s11], [sflag:$0x1] =	stream.indirect.gather [hbm4b:s3+s10], $0x10, s0, s10, $0xb8;
	[tilespmem:$0x7800] =	vst v63  }
0x72: {  	s30 =	smov.u32 s31;
	s1 =	sadd.s32 $0x1000, s31  }
0x73: {  	[tilespmem:s12], [sflag:$0x1] =	stream.indirect.gather [hbm4b:s4+s10], $0x1, s0, s10, $0xb8;
	[tilespmem:$0x7800] =	vst v63  }
0x74: {  	p0 =	sne.s32 s31, $0xC000;
	s31 =	rddreg [dreg:$0x2];
	s5 =	sadd.s32 $0x80, s0  }
0x75: {  	[tilespmem:s31], [sflag:$0x1] =	stream.indirect.gather [hbm4b:s3+s10], $0x10, s5, s10, $0xb8;
	[tilespmem:$0x7800] =	vst v63  }
0x76: {  	s6 =	rddreg [dreg:$0x3]  }
0x77: {  	[tilespmem:s6], [sflag:$0x1] =	stream.indirect.gather [hbm4b:s4+s10], $0x1, s5, s10, $0xb8;
	[tilespmem:$0x7800] =	vst v63  }
0x78: {  	s31 =	rddreg [dreg:$0x4];
	s6 =	sadd.s32 $0x100, s0  }
0x79: {  	[tilespmem:s31], [sflag:$0x1] =	stream.indirect.gather [hbm4b:s3+s10], $0x10, s6, s10, $0xb8;
	[tilespmem:$0x7800] =	vst v63  }
0x7a: {  	_ = 	snop  }
0x7b: {  	[tilespmem:s13], [sflag:$0x1] =	stream.indirect.gather [hbm4b:s4+s10], $0x1, s6, s10, $0xb8;
	[tilespmem:$0x7800] =	vst v63  }
0x7c: {  	s6 =	sadd.s32 $0x180, s0  }
0x7d: {  	[tilespmem:s14], [sflag:$0x1] =	stream.indirect.gather [hbm4b:s3+s10], $0x10, s6, s10, $0xb8;
	[tilespmem:$0x7800] =	vst v63  }
0x7e: {  	_ = 	snop  }
0x7f: {  	[tilespmem:s15], [sflag:$0x1] =	stream.indirect.gather [hbm4b:s4+s10], $0x1, s6, s10, $0xb8;
	[tilespmem:$0x7800] =	vst v63  }
0x80: {  	s6 =	sadd.s32 $0x200, s0  }
0x81: {  	[tilespmem:s16], [sflag:$0x1] =	stream.indirect.gather [hbm4b:s3+s10], $0x10, s6, s10, $0xb8;
	[tilespmem:$0x7800] =	vst v63  }
0x82: {  	_ = 	snop  }
0x83: {  	[tilespmem:s17], [sflag:$0x1] =	stream.indirect.gather [hbm4b:s4+s10], $0x1, s6, s10, $0xb8;
	[tilespmem:$0x7800] =	vst v63  }
0x84: {  	s6 =	sadd.s32 $0x280, s0  }
0x85: {  	[tilespmem:s18], [sflag:$0x1] =	stream.indirect.gather [hbm4b:s3+s10], $0x10, s6, s10, $0xb8;
	[tilespmem:$0x7800] =	vst v63  }
0x86: {  	_ = 	snop  }
0x87: {  	[tilespmem:s19], [sflag:$0x1] =	stream.indirect.gather [hbm4b:s4+s10], $0x1, s6, s10, $0xb8;
	[tilespmem:$0x7800] =	vst v63  }
0x88: {  	s6 =	sadd.s32 $0x300, s0  }
0x89: {  	[tilespmem:s20], [sflag:$0x1] =	stream.indirect.gather [hbm4b:s3+s10], $0x10, s6, s10, $0xb8;
	[tilespmem:$0x7800] =	vst v63  }
0x8a: {  	_ = 	snop  }
0x8b: {  	[tilespmem:s21], [sflag:$0x1] =	stream.indirect.gather [hbm4b:s4+s10], $0x1, s6, s10, $0xb8;
	[tilespmem:$0x7800] =	vst v63  }
0x8c: {  	s0 =	sadd.s32 $0x380, s0  }
0x8d: {  	[tilespmem:s22], [sflag:$0x1] =	stream.indirect.gather [hbm4b:s3+s10], $0x10, s0, s10, $0xb8;
	[tilespmem:$0x7800] =	vst v63  }
0x8e: {  	_ = 	snop  }
0x8f: {  	[tilespmem:s23], [sflag:$0x1] =	stream.indirect.gather [hbm4b:s4+s10], $0x1, s0, s10, $0xb8;
	[tilespmem:$0x7800] =	vst v63  }
0x90: {  	_ =	swait.ge [sflag:s24], $0x800  }
0x91: {  	[sflag:s24] =	ssyncset.done $0x0  }
0x92: {  	[sflag:s24] =	ssyncadd.s32 $0xFFFFF800  }
0x93: {  	_ =	swait.ge [sflag:s24], $0x80  }
0x94: {  	[sflag:s24] =	ssyncset.done $0x0  }
0x95: {  	[sflag:s24] =	ssyncadd.s32 $0xFFFFFF80  }
0x96: {  	_ =	swait.ge [sflag:s24], $0x800  }
0x97: {  	[sflag:s24] =	ssyncset.done $0x0  }
0x98: {  	[sflag:s24] =	ssyncadd.s32 $0xFFFFF800  }
0x99: {  	_ =	swait.ge [sflag:s24], $0x80  }
0x9a: {  	[sflag:s24] =	ssyncset.done $0x0  }
0x9b: {  	[sflag:s24] =	ssyncadd.s32 $0xFFFFFF80  }
0x9c: {  	_ =	swait.ge [sflag:s24], $0x800  }
0x9d: {  	[sflag:s24] =	ssyncset.done $0x0  }
0x9e: {  	[sflag:s24] =	ssyncadd.s32 $0xFFFFF800  }
0x9f: {  	_ =	swait.ge [sflag:s24], $0x80  }
0xa0: {  	[sflag:s24] =	ssyncset.done $0x0  }
0xa1: {  	[sflag:s24] =	ssyncadd.s32 $0xFFFFFF80  }
0xa2: {  	_ =	swait.ge [sflag:s24], $0x800  }
0xa3: {  	[sflag:s24] =	ssyncset.done $0x0  }
0xa4: {  	[sflag:s24] =	ssyncadd.s32 $0xFFFFF800  }
0xa5: {  	_ =	swait.ge [sflag:s24], $0x80  }
0xa6: {  	[sflag:s24] =	ssyncset.done $0x0  }
0xa7: {  	[sflag:s24] =	ssyncadd.s32 $0xFFFFFF80  }
0xa8: {  	_ =	swait.ge [sflag:s24], $0x800  }
0xa9: {  	[sflag:s24] =	ssyncset.done $0x0  }
0xaa: {  	[sflag:s24] =	ssyncadd.s32 $0xFFFFF800  }
0xab: {  	_ =	swait.ge [sflag:s24], $0x80  }
0xac: {  	[sflag:s24] =	ssyncset.done $0x0  }
0xad: {  	[sflag:s24] =	ssyncadd.s32 $0xFFFFFF80  }
0xae: {  	_ =	swait.ge [sflag:s24], $0x800  }
0xaf: {  	[sflag:s24] =	ssyncset.done $0x0  }
0xb0: {  	[sflag:s24] =	ssyncadd.s32 $0xFFFFF800  }
0xb1: {  	_ =	swait.ge [sflag:s24], $0x80  }
0xb2: {  	[sflag:s24] =	ssyncset.done $0x0  }
0xb3: {  	[sflag:s24] =	ssyncadd.s32 $0xFFFFFF80  }
0xb4: {  	_ =	swait.ge [sflag:s24], $0x800  }
0xb5: {  	[sflag:s24] =	ssyncset.done $0x0  }
0xb6: {  	[sflag:s24] =	ssyncadd.s32 $0xFFFFF800  }
0xb7: {  	_ =	swait.ge [sflag:s24], $0x80  }
0xb8: {  	[sflag:s24] =	ssyncset.done $0x0  }
0xb9: {  	[sflag:s24] =	ssyncadd.s32 $0xFFFFFF80  }
0xba: {  	_ =	swait.ge [sflag:s24], $0x800  }
0xbb: {  	[sflag:s24] =	ssyncset.done $0x0  }
0xbc: {  	[sflag:s24] =	ssyncadd.s32 $0xFFFFF800  }
0xbd: {  	_ =	swait.ge [sflag:s24], $0x80  }
0xbe: {  	[sflag:s24] =	ssyncset.done $0x0  }
0xbf: {  	[sflag:s24] =	ssyncadd.s32 $0xFFFFFF80  }
0xc0: {  	[hbm4b:s29+s2] =	stream.linear.scatter [tilespmem:s11], [sflag:$0x2], $0x4000, $0x38;
	[tilespmem:$0x7800] =	vst v63  }
0xc1: {  	_ = 	snop  }
0xc2: {  	[hbm4b:s28+s2] =	stream.linear.scatter [tilespmem:s12], [sflag:$0x2], $0x400, $0x38;
	[tilespmem:$0x7800] =	vst v63  }
.Ltmp0:
0xc3: {  	_ =	swait.ge [sflag:s25], $0x4000;
	(pc) =	sbr.rel @p0 .LBB2_2-.Ltmp0, $4  }
0xc4: {  	[sflag:s25] =	ssyncset.done $0x0  }
0xc5: {  	[sflag:s25] =	ssyncadd.s32 $0xFFFFC000  }
0xc6: {  	s31 =	smov.u32 s1;
	_ =	swait.ge [sflag:s25], $0x400  }
0xc7: {  	s29 =	sadd.s32 $0x800, s29;
	s28 =	sadd.s32 $0x80, s28;
	[sflag:s25] =	ssyncset.done $0x0  }
0xc8: {  	s0 =	sshra.s32 s30, $0x2;
	[sflag:s25] =	ssyncadd.s32 $0xFFFFFC00  }
0xc9: {  	[tilespmem:s11], [sflag:$0x1] =	stream.indirect.gather [hbm4b:s3+s10], $0x10, s0, s10, $0xb8;
	[tilespmem:$0x7800] =	vst v63  }
0xca: {  	_ = 	snop  }
0xcb: {  	[tilespmem:s12], [sflag:$0x1] =	stream.indirect.gather [hbm4b:s4+s10], $0x1, s0, s10, $0xb8;
	[tilespmem:$0x7800] =	vst v63  }
0xcc: {  	s1 =	rddreg [dreg:$0x2];
	s5 =	sadd.s32 $0x80, s0  }
0xcd: {  	[tilespmem:s1], [sflag:$0x1] =	stream.indirect.gather [hbm4b:s3+s10], $0x10, s5, s10, $0xb8;
	[tilespmem:$0x7800] =	vst v63  }
0xce: {  	s6 =	rddreg [dreg:$0x3]  }
0xcf: {  	[tilespmem:s6], [sflag:$0x1] =	stream.indirect.gather [hbm4b:s4+s10], $0x1, s5, s10, $0xb8;
	[tilespmem:$0x7800] =	vst v63  }
0xd0: {  	s31 =	rddreg [dreg:$0x4];
	s30 =	sadd.s32 $0x100, s0  }
0xd1: {  	[tilespmem:s31], [sflag:$0x1] =	stream.indirect.gather [hbm4b:s3+s10], $0x10, s30, s10, $0xb8;
	[tilespmem:$0x7800] =	vst v63  }
0xd2: {  	_ = 	snop  }
0xd3: {  	[tilespmem:s13], [sflag:$0x1] =	stream.indirect.gather [hbm4b:s4+s10], $0x1, s30, s10, $0xb8;
	[tilespmem:$0x7800] =	vst v63  }
0xd4: {  	s31 =	sadd.s32 $0x180, s0  }
0xd5: {  	[tilespmem:s14], [sflag:$0x1] =	stream.indirect.gather [hbm4b:s3+s10], $0x10, s31, s10, $0xb8;
	[tilespmem:$0x7800] =	vst v63  }
0xd6: {  	_ = 	snop  }
0xd7: {  	[tilespmem:s15], [sflag:$0x1] =	stream.indirect.gather [hbm4b:s4+s10], $0x1, s31, s10, $0xb8;
	[tilespmem:$0x7800] =	vst v63  }
0xd8: {  	s5 =	sadd.s32 $0x200, s0  }
0xd9: {  	[tilespmem:s16], [sflag:$0x1] =	stream.indirect.gather [hbm4b:s3+s10], $0x10, s5, s10, $0xb8;
	[tilespmem:$0x7800] =	vst v63  }
0xda: {  	_ = 	snop  }
0xdb: {  	[tilespmem:s17], [sflag:$0x1] =	stream.indirect.gather [hbm4b:s4+s10], $0x1, s5, s10, $0xb8;
	[tilespmem:$0x7800] =	vst v63  }
0xdc: {  	s6 =	sadd.s32 $0x280, s0  }
0xdd: {  	[tilespmem:s18], [sflag:$0x1] =	stream.indirect.gather [hbm4b:s3+s10], $0x10, s6, s10, $0xb8;
	[tilespmem:$0x7800] =	vst v63  }
0xde: {  	_ = 	snop  }
0xdf: {  	[tilespmem:s19], [sflag:$0x1] =	stream.indirect.gather [hbm4b:s4+s10], $0x1, s6, s10, $0xb8;
	[tilespmem:$0x7800] =	vst v63  }
0xe0: {  	s30 =	sadd.s32 $0x300, s0  }
0xe1: {  	[tilespmem:s20], [sflag:$0x1] =	stream.indirect.gather [hbm4b:s3+s10], $0x10, s30, s10, $0xb8;
	[tilespmem:$0x7800] =	vst v63  }
0xe2: {  	_ = 	snop  }
0xe3: {  	[tilespmem:s21], [sflag:$0x1] =	stream.indirect.gather [hbm4b:s4+s10], $0x1, s30, s10, $0xb8;
	[tilespmem:$0x7800] =	vst v63  }
0xe4: {  	s0 =	sadd.s32 $0x380, s0  }
0xe5: {  	[tilespmem:s22], [sflag:$0x1] =	stream.indirect.gather [hbm4b:s3+s10], $0x10, s0, s10, $0xb8;
	[tilespmem:$0x7800] =	vst v63  }
0xe6: {  	_ = 	snop  }
0xe7: {  	[tilespmem:s23], [sflag:$0x1] =	stream.indirect.gather [hbm4b:s4+s10], $0x1, s0, s10, $0xb8;
	[tilespmem:$0x7800] =	vst v63  }
0xe8: {  	_ =	swait.ge [sflag:s24], $0x800  }
0xe9: {  	[sflag:s24] =	ssyncset.done $0x0  }
0xea: {  	[sflag:s24] =	ssyncadd.s32 $0xFFFFF800  }
0xeb: {  	_ =	swait.ge [sflag:s24], $0x80  }
0xec: {  	[sflag:s24] =	ssyncset.done $0x0  }
0xed: {  	[sflag:s24] =	ssyncadd.s32 $0xFFFFFF80  }
0xee: {  	_ =	swait.ge [sflag:s24], $0x800  }
0xef: {  	[sflag:s24] =	ssyncset.done $0x0  }
0xf0: {  	[sflag:s24] =	ssyncadd.s32 $0xFFFFF800  }
0xf1: {  	_ =	swait.ge [sflag:s24], $0x80  }
0xf2: {  	[sflag:s24] =	ssyncset.done $0x0  }
0xf3: {  	[sflag:s24] =	ssyncadd.s32 $0xFFFFFF80  }
0xf4: {  	_ =	swait.ge [sflag:s24], $0x800  }
0xf5: {  	[sflag:s24] =	ssyncset.done $0x0  }
0xf6: {  	[sflag:s24] =	ssyncadd.s32 $0xFFFFF800  }
0xf7: {  	_ =	swait.ge [sflag:s24], $0x80  }
0xf8: {  	[sflag:s24] =	ssyncset.done $0x0  }
0xf9: {  	[sflag:s24] =	ssyncadd.s32 $0xFFFFFF80  }
0xfa: {  	_ =	swait.ge [sflag:s24], $0x800  }
0xfb: {  	[sflag:s24] =	ssyncset.done $0x0  }
0xfc: {  	[sflag:s24] =	ssyncadd.s32 $0xFFFFF800  }
0xfd: {  	_ =	swait.ge [sflag:s24], $0x80  }
0xfe: {  	[sflag:s24] =	ssyncset.done $0x0  }
0xff: {  	[sflag:s24] =	ssyncadd.s32 $0xFFFFFF80  }
0x100: {  	_ =	swait.ge [sflag:s24], $0x800  }
0x101: {  	[sflag:s24] =	ssyncset.done $0x0  }
0x102: {  	[sflag:s24] =	ssyncadd.s32 $0xFFFFF800  }
0x103: {  	_ =	swait.ge [sflag:s24], $0x80  }
0x104: {  	[sflag:s24] =	ssyncset.done $0x0  }
0x105: {  	[sflag:s24] =	ssyncadd.s32 $0xFFFFFF80  }
0x106: {  	_ =	swait.ge [sflag:s24], $0x800  }
0x107: {  	[sflag:s24] =	ssyncset.done $0x0  }
0x108: {  	[sflag:s24] =	ssyncadd.s32 $0xFFFFF800  }
0x109: {  	_ =	swait.ge [sflag:s24], $0x80  }
0x10a: {  	[sflag:s24] =	ssyncset.done $0x0  }
0x10b: {  	[sflag:s24] =	ssyncadd.s32 $0xFFFFFF80  }
0x10c: {  	_ =	swait.ge [sflag:s24], $0x800  }
0x10d: {  	[sflag:s24] =	ssyncset.done $0x0  }
0x10e: {  	[sflag:s24] =	ssyncadd.s32 $0xFFFFF800  }
0x10f: {  	_ =	swait.ge [sflag:s24], $0x80  }
0x110: {  	[sflag:s24] =	ssyncset.done $0x0  }
0x111: {  	[sflag:s24] =	ssyncadd.s32 $0xFFFFFF80  }
0x112: {  	_ =	swait.ge [sflag:s24], $0x800  }
0x113: {  	[sflag:s24] =	ssyncset.done $0x0  }
0x114: {  	[sflag:s24] =	ssyncadd.s32 $0xFFFFF800  }
0x115: {  	_ =	swait.ge [sflag:s24], $0x80  }
0x116: {  	[sflag:s24] =	ssyncset.done $0x0  }
0x117: {  	[sflag:s24] =	ssyncadd.s32 $0xFFFFFF80  }
0x118: {  	[hbm4b:s29+s2] =	stream.linear.scatter [tilespmem:s11], [sflag:$0x2], $0x4000, $0x38;
	[tilespmem:$0x7800] =	vst v63  }
0x119: {  	_ = 	snop  }
0x11a: {  	[hbm4b:s28+s2] =	stream.linear.scatter [tilespmem:s12], [sflag:$0x2], $0x400, $0x38;
	[tilespmem:$0x7800] =	vst v63  }
0x11b: {  	_ =	swait.ge [sflag:s25], $0x4000  }
0x11c: {  	[sflag:s25] =	ssyncset.done $0x0  }
0x11d: {  	[sflag:s25] =	ssyncadd.s32 $0xFFFFC000  }
0x11e: {  	_ =	swait.ge [sflag:s25], $0x400  }
0x11f: {  	s26 =	sadd.s32 $0x1, s26;
	s31 =	rddreg [dreg:$0x6]  }
0x120: {  	p0 =	sne.s32 s26, s31  }
.Ltmp1:
0x121: {  	_ = 	snop;
	(pc) =	sbr.rel @p0 .LBB2_1-.Ltmp1, $3  }
0x122: {  	_ =	sdelay $0x1  }
0x123: {  	[sflag:s25] =	ssyncset.done $0x0  }
0x124: {  	[sflag:s25] =	ssyncadd.s32 $0xFFFFFC00  }
0x125: {  	_ =	sfence.sel $0x180000  }
0x126: {  	[bflag:$0x0] =	sbarrier.arrive $0xFFFF  }
0x127: {  	_ =	strace $0x9000004A  }
0x128: {  	s0 =	stileid.u32;
	[bflag:$0x2] =	sbarrier.arrive $0xFFFF  }
0x129: {  	p0 =	sne.s32 s0, $0x0;
	s0 =	rddreg [dreg:$0x1]  }
0x12a: {  	s0 =	sadd.s32 @!p0 $0x100000, s0  }
0x12b: {  	[sflag:s0] =	ssyncadd.tile.s32 @!p0 $0x1;
	_ =	shalt  }
.Lfunc_end2:
_tile_overlayer_lowered:
.L_overlay_start_2:
0x12c: {  	(tag) =	ssettag $0x2  }
0x12d: {  	s0 =	rddreg [dreg:$0x0];
	s2 =	stileid.u32  }
0x12e: {  	s1 =	rddreg [dreg:$0x1];
	p0 =	sne.s32 s2, $0x0  }
0x12f: {  	s3 =	rddreg [dreg:$0x2];
	[bflag:$0x3] =	sbarrier.arrive $0xFFFF;
	s2 =	simm.s32 @!p0 $0x1C03  }
0x130: {  	[timem:s3], [sflag:s2] =	dma.local @!p0 [hbm:s0], s1  }
0x131: {  	s0 =	simm.s32 @!p0 $0x3  }
0x132: {  	_ =	swait.ge @!p0 [sflag:s0], s1  }
0x133: {  	s1 =	ssub.s32 @!p0 $0x0, s1;
	[sflag:s0] =	ssyncset.done @!p0 $0x0  }
0x134: {  	[sflag:s0] =	ssyncadd.s32 @!p0 s1  }
0x135: {  	[bflag:$0x3] =	sbarrier.arrive $0xFFFF  }
0x136: {  	_ =	shalt  }

</sc_bundles>
